<compile_context>
chip_gen: v7x
topology: tpu7x:2x2x1
jax: 0.10.2.dev20260603
libtpu: 0.0.44.dev20260713+nightly
codegen_flags: <defaults>
</compile_context>

<pallas_src>
from functools import partial

import jax
import jax.numpy as jnp
from jax import lax
from jax.experimental import pallas as pl
from jax.experimental.pallas import tpu as pltpu
from jax.experimental.pallas import tpu_sc as plsc

NC = 2
NS = 16
LANES = 16
BM = 1024
EC = 128


def _round_up(a, b):
    return (a + b - 1) // b * b



def _sc_deg_body(dst_hbm, zeros_hbm, out_hbm, deg_sh, dstv, ones_v, stage_v):
    c = lax.axis_index("c")
    s = lax.axis_index("s")
    wid = c * NS + s
    n_pad = zeros_hbm.shape[0]
    rows = n_pad // NS
    pltpu.sync_copy(zeros_hbm.at[pl.ds(s * rows, rows)], stage_v)
    pltpu.sync_copy(stage_v, deg_sh.at[pl.ds(s * rows, rows)])
    for i in range(EC // LANES):
        ones_v[pl.ds(i * LANES, LANES)] = jnp.full((LANES,), 1.0, jnp.float32)
    plsc.subcore_barrier()
    ngrp = dst_hbm.shape[1] // 8

    def body(gp, _):
        pltpu.sync_copy(dst_hbm.at[wid, pl.ds(gp * 8, 8), :], dstv)
        for j in range(8):
            pltpu.sync_copy(ones_v, deg_sh.at[dstv.at[j]], add=True)
        return _

    lax.fori_loop(0, ngrp, body, None)
    plsc.subcore_barrier()
    pltpu.sync_copy(deg_sh.at[pl.ds(s * rows, rows)], stage_v)
    pltpu.sync_copy(stage_v, out_hbm.at[pl.ds(c * n_pad + s * rows, rows)])


def _sc_deg(dstp, zeros1, n_pad):
    mesh = plsc.VectorSubcoreMesh(core_axis_name="c", subcore_axis_name="s")
    nch = dstp.shape[1]
    return pl.kernel(
        _sc_deg_body,
        out_type=jax.ShapeDtypeStruct((NC * n_pad,), jnp.float32),
        mesh=mesh,
        scratch_types=[
            pltpu.VMEM_SHARED((n_pad,), jnp.float32),
            pltpu.VMEM((8, EC), jnp.int32),
            pltpu.VMEM((EC,), jnp.float32),
            pltpu.VMEM((n_pad // NS,), jnp.float32),
        ],
    )(dstp, zeros1)



def _mm_body(x_ref, w_ref, o_ref):
    o_ref[...] = jnp.dot(x_ref[...], w_ref[...],
                         preferred_element_type=jnp.float32)


def _tc_matmul(x, w, n_pad):
    n, f = x.shape
    h = w.shape[1]
    grid = (n_pad // BM,)
    return pl.pallas_call(
        _mm_body,
        grid=grid,
        in_specs=[
            pl.BlockSpec((BM, f), lambda i: (i, 0)),
            pl.BlockSpec((f, h), lambda i: (0, 0)),
        ],
        out_specs=pl.BlockSpec((BM, h), lambda i: (i, 0)),
        out_shape=jax.ShapeDtypeStruct((n_pad, h), jnp.float32),
    )(x, w)


def _scale_body(u_ref, d0_ref, d1_ref, o_ref):
    dinv = lax.rsqrt(d0_ref[...] + d1_ref[...] + 1.0)
    o_ref[...] = dinv * u_ref[...]


def _tc_scale(u, d0, d1):
    n_pad, h = u.shape
    grid = (n_pad // BM,)
    return pl.pallas_call(
        _scale_body,
        grid=grid,
        in_specs=[
            pl.BlockSpec((BM, h), lambda i: (i, 0)),
            pl.BlockSpec((BM, 1), lambda i: (i, 0)),
            pl.BlockSpec((BM, 1), lambda i: (i, 0)),
        ],
        out_specs=pl.BlockSpec((BM, h), lambda i: (i, 0)),
        out_shape=jax.ShapeDtypeStruct((n_pad, h), jnp.float32),
    )(u, d0, d1)


def _mid_body(g1_ref, p0_ref, p1_ref, d0_ref, d1_ref, b1_ref, w2_ref, o_ref):
    dinv = lax.rsqrt(d0_ref[...] + d1_ref[...] + 1.0)
    s = p0_ref[...] + p1_ref[...] - g1_ref[...]
    h = jnp.maximum(dinv * s + b1_ref[...], 0.0)
    o_ref[...] = dinv * jnp.dot(h, w2_ref[...],
                                preferred_element_type=jnp.float32)


def _tc_mid(g1, p0, p1, d0, d1, b1r, w2p):
    n_pad, h = g1.shape
    grid = (n_pad // BM,)
    return pl.pallas_call(
        _mid_body,
        grid=grid,
        in_specs=[
            pl.BlockSpec((BM, h), lambda i: (i, 0)),
            pl.BlockSpec((BM, h), lambda i: (i, 0)),
            pl.BlockSpec((BM, h), lambda i: (i, 0)),
            pl.BlockSpec((BM, 1), lambda i: (i, 0)),
            pl.BlockSpec((BM, 1), lambda i: (i, 0)),
            pl.BlockSpec((1, h), lambda i: (0, 0)),
            pl.BlockSpec((h, LANES), lambda i: (0, 0)),
        ],
        out_specs=pl.BlockSpec((BM, LANES), lambda i: (i, 0)),
        out_shape=jax.ShapeDtypeStruct((n_pad, LANES), jnp.float32),
    )(g1, p0, p1, d0, d1, b1r, w2p)


def _final_body(n_classes, g2_ref, q0_ref, q1_ref, d0_ref, d1_ref, b2_ref,
                o_ref):
    dinv = lax.rsqrt(d0_ref[...] + d1_ref[...] + 1.0)
    z = dinv * (q0_ref[...] + q1_ref[...] - g2_ref[...]) + b2_ref[...]
    col = lax.broadcasted_iota(jnp.int32, z.shape, 1)
    zm = jnp.where(col < n_classes, z, -1e30)
    m = jnp.max(zm, axis=1, keepdims=True)
    e = jnp.where(col < n_classes, jnp.exp(zm - m), 0.0)
    lse = jnp.log(jnp.sum(e, axis=1, keepdims=True))
    o_ref[...] = (zm - m - lse)[:, :n_classes]


def _tc_final(g2, q0, q1, d0, d1, b2r, n, n_classes):
    n_pad, h = g2.shape
    grid = (n_pad // BM,)
    return pl.pallas_call(
        partial(_final_body, n_classes),
        grid=grid,
        in_specs=[
            pl.BlockSpec((BM, h), lambda i: (i, 0)),
            pl.BlockSpec((BM, h), lambda i: (i, 0)),
            pl.BlockSpec((BM, h), lambda i: (i, 0)),
            pl.BlockSpec((BM, 1), lambda i: (i, 0)),
            pl.BlockSpec((BM, 1), lambda i: (i, 0)),
            pl.BlockSpec((1, h), lambda i: (0, 0)),
        ],
        out_specs=pl.BlockSpec((BM, n_classes), lambda i: (i, 0)),
        out_shape=jax.ShapeDtypeStruct((n, n_classes), jnp.float32),
    )(g2, q0, q1, d0, d1, b2r)



def kernel(x, edge_index, W1, b1, W2, b2):
    n, f_in = x.shape
    h = W1.shape[1]
    n_classes = W2.shape[1]
    e = edge_index.shape[1]

    n_pad = _round_up(n + 1, BM)
    nch = _round_up(-(-e // (NC * NS * EC)), 8)
    e_pad = NC * NS * EC * nch
    pad = jnp.full((e_pad - e,), n, jnp.int32)
    dstp = jnp.concatenate([edge_index[1], pad]).reshape(NC * NS, nch, EC)
    zeros1 = jnp.zeros((n_pad,), jnp.float32)

    w2p = jnp.zeros((h, LANES), jnp.float32).at[:, :n_classes].set(W2)
    b1r = b1.reshape(1, h)
    b2r = jnp.zeros((1, LANES), jnp.float32).at[0, :n_classes].set(b2)

    degp = _sc_deg(dstp, zeros1, n_pad)
    d0 = degp[:n_pad, None]
    d1 = degp[n_pad:, None]
    src, dst = edge_index[0], edge_index[1]

    u = _tc_matmul(x, W1, n_pad)
    g1 = _tc_scale(u, d0, d1)
    p1 = jnp.zeros_like(g1).at[dst].add(g1[src])
    g2 = _tc_mid(g1, g1 + p1, g1, d0, d1, b1r, w2p)
    p2 = jnp.zeros_like(g2).at[dst].add(g2[src])
    return _tc_final(g2, g2 + p2, g2, d0, d1, b2r, n, n_classes)

# --- scband reference (transcript-rebuilt; emitter-appended) ---
"""Pipeline reference for scband-gcn-50122268344699 (READ-ONLY COPY).

The authoritative reference and input builder live on the scoring server;
editing this copy changes nothing except your own understanding.
"""

import jax, jax.numpy as jnp
import numpy as np

N = 50000
E = 800000
F_IN = 1433
H = 16
C = 7


def setup_inputs(seed: int = 0) -> dict:
    key = jax.random.key(seed)
    ks = jax.random.split(key, 6)
    x = jax.random.normal(ks[0], (N, F_IN), dtype=jnp.float32)
    edge_index = jax.random.randint(ks[1], (2, E), 0, N, dtype=jnp.int32)
    s1 = 1.0 / np.sqrt(F_IN)
    W1 = jax.random.uniform(ks[2], (F_IN, H), minval=-s1, maxval=s1, dtype=jnp.float32)
    b1 = jnp.zeros((H,), dtype=jnp.float32)
    s2 = 1.0 / np.sqrt(H)
    W2 = jax.random.uniform(ks[3], (H, C), minval=-s2, maxval=s2, dtype=jnp.float32)
    b2 = jnp.zeros((C,), dtype=jnp.float32)
    return {"x": x, "edge_index": edge_index, "W1": W1, "b1": b1, "W2": W2, "b2": b2}


def _gcn_conv(h, src, dst, norm, W, b):
    # PyG GCNConv: project, then symmetric-normalized scatter-add aggregation
    h = h @ W
    out = jnp.zeros((h.shape[0], h.shape[1]), dtype=h.dtype).at[dst].add(norm[:, None] * h[src])
    return out + b


def reference(x, edge_index, W1, b1, W2, b2):
    n = x.shape[0]
    # add self-loops (PyG GCNConv default add_self_loops=True)
    loop = jnp.arange(n, dtype=edge_index.dtype)
    src = jnp.concatenate([edge_index[0], loop])
    dst = jnp.concatenate([edge_index[1], loop])
    # symmetric normalization D^{-1/2} A D^{-1/2}
    deg = jnp.zeros((n,), jnp.float32).at[dst].add(1.0)
    dinv = jnp.where(deg > 0, 1.0 / jnp.sqrt(deg), 0.0)
    norm = dinv[src] * dinv[dst]
    h = _gcn_conv(x, src, dst, norm, W1, b1)
    h = jax.nn.relu(h)
    # F.dropout with training=self.training is a no-op in eval mode
    h = _gcn_conv(h, src, dst, norm, W2, b2)
    return jax.nn.log_softmax(h, axis=1)

if __name__ == "__main__":
    import jax
    _d = setup_inputs()
    print(jax.jit(kernel)(*tuple(_d.values())))

</pallas_src>

<mosaic_0001>
#map = affine_map<(d0, d1) -> (0, 0, 0)>
#map1 = affine_map<(d0, d1) -> (0)>
module attributes {stable_mosaic.version = 14 : i64} {
  func.func @_sc_deg_body(%arg0: i32, %arg1: i32, %arg2: memref<32x200x128xi32, #tpu.memory_space<hbm>>, %arg3: memref<50176xf32, #tpu.memory_space<hbm>>, %arg4: memref<100352xf32, #tpu.memory_space<hbm>>, %arg5: memref<50176xf32, #tpu.memory_space<vmem_shared>>, %arg6: memref<8x128xi32, #tpu.memory_space<vmem>>, %arg7: memref<128xf32, #tpu.memory_space<vmem>>, %arg8: memref<3136xf32, #tpu.memory_space<vmem>>) attributes {dimension_semantics = [#tpu.dimension_semantics<core_parallel>, #tpu.dimension_semantics<subcore_parallel>], iteration_bounds = array<i64: 2, 16>, scalar_prefetch = 0 : i64, scratch_operands = 4 : i64, tpu.core_type = #tpu.core_type<sc_vector_subcore>, window_params = [{transform_indices = #map}, {transform_indices = #map1}, {transform_indices = #map1}]} {
    %mul3A = arith.constant 16 : i32
    %mul3A_0 = arith.muli %arg0, %mul3A : i32
    %add3A = arith.addi %mul3A_0, %arg1 : i32
    %mul3A_1 = arith.constant 3136 : i32
    %mul3A_2 = arith.muli %arg1, %mul3A_1 : i32
    "tpu.region"() ({
      %run_scoped3A = tpu.sem_alloc : memref<!tpu.dma_semaphore, #tpu.memory_space<semaphore_mem>>
      %dma_start3A = tpu.memref_slice %arg3[%mul3A_2] : memref<50176xf32, #tpu.memory_space<hbm>> -> memref<3136xf32, #tpu.memory_space<hbm>>
      %dma_start3A_63 = tpu.memref_slice %arg3[%mul3A_2] : memref<50176xf32, #tpu.memory_space<hbm>> -> memref<3136xf32, #tpu.memory_space<hbm>>
      tpu.enqueue_dma source(%dma_start3A_63 : memref<3136xf32, #tpu.memory_space<hbm>>) target(%arg8 : memref<3136xf32, #tpu.memory_space<vmem>>) target_semaphore(%run_scoped3A : memref<!tpu.dma_semaphore, #tpu.memory_space<semaphore_mem>>)
      %dma_wait3A = tpu.memref_slice %arg3[%mul3A_2] : memref<50176xf32, #tpu.memory_space<hbm>> -> memref<3136xf32, #tpu.memory_space<hbm>>
      %dma_wait3A_64 = tpu.memref_slice %arg3[%mul3A_2] : memref<50176xf32, #tpu.memory_space<hbm>> -> memref<3136xf32, #tpu.memory_space<hbm>>
      tpu.wait_dma2 semaphore(%run_scoped3A : memref<!tpu.dma_semaphore, #tpu.memory_space<semaphore_mem>>) src(%dma_wait3A_64 : memref<3136xf32, #tpu.memory_space<hbm>>) dst(%arg8 : memref<3136xf32, #tpu.memory_space<vmem>>)
      tpu.yield
    }) : () -> ()
    %mul3A_3 = arith.constant 3136 : i32
    %mul3A_4 = arith.muli %arg1, %mul3A_3 : i32
    "tpu.region"() ({
      %run_scoped3A = tpu.sem_alloc : memref<!tpu.dma_semaphore, #tpu.memory_space<semaphore_mem>>
      %dma_start3A = tpu.memref_slice %arg5[%mul3A_4] : memref<50176xf32, #tpu.memory_space<vmem_shared>> -> memref<3136xf32, #tpu.memory_space<vmem_shared>>
      %dma_start3A_63 = tpu.memref_slice %arg5[%mul3A_4] : memref<50176xf32, #tpu.memory_space<vmem_shared>> -> memref<3136xf32, #tpu.memory_space<vmem_shared>>
      tpu.enqueue_dma source(%arg8 : memref<3136xf32, #tpu.memory_space<vmem>>) target(%dma_start3A_63 : memref<3136xf32, #tpu.memory_space<vmem_shared>>) target_semaphore(%run_scoped3A : memref<!tpu.dma_semaphore, #tpu.memory_space<semaphore_mem>>)
      %dma_wait3A = tpu.memref_slice %arg5[%mul3A_4] : memref<50176xf32, #tpu.memory_space<vmem_shared>> -> memref<3136xf32, #tpu.memory_space<vmem_shared>>
      %dma_wait3A_64 = tpu.memref_slice %arg5[%mul3A_4] : memref<50176xf32, #tpu.memory_space<vmem_shared>> -> memref<3136xf32, #tpu.memory_space<vmem_shared>>
      tpu.wait_dma2 semaphore(%run_scoped3A : memref<!tpu.dma_semaphore, #tpu.memory_space<semaphore_mem>>) src(%arg8 : memref<3136xf32, #tpu.memory_space<vmem>>) dst(%dma_wait3A_64 : memref<3136xf32, #tpu.memory_space<vmem_shared>>)
      tpu.yield
    }) : () -> ()
    %broadcast_in_dim3A = arith.constant 1.000000e+00 : f32
    %broadcast_in_dim3A_5 = vector.broadcast %broadcast_in_dim3A : f32 to vector<16xf32>
    %swap3A = arith.constant 0 : index
    %swap3A_6 = tpu.vector_load %arg7[%swap3A] {strides = array<i32>} : memref<128xf32, #tpu.memory_space<vmem>>, vector<16xf32>,
    %swap3A_7 = vector.shape_cast %swap3A_6 : vector<16xf32> to vector<16xf32>
    %swap3A_8 = vector.shape_cast %broadcast_in_dim3A_5 : vector<16xf32> to vector<16xf32>
    tpu.vector_store %arg7[%swap3A], %swap3A_8 {strides = array<i32>} : memref<128xf32, #tpu.memory_space<vmem>>, vector<16xf32>,
    %broadcast_in_dim3A_9 = arith.constant 1.000000e+00 : f32
    %broadcast_in_dim3A_10 = vector.broadcast %broadcast_in_dim3A_9 : f32 to vector<16xf32>
    %swap3A_11 = arith.constant 16 : index
    %swap3A_12 = tpu.vector_load %arg7[%swap3A_11] {strides = array<i32>} : memref<128xf32, #tpu.memory_space<vmem>>, vector<16xf32>,
    %swap3A_13 = vector.shape_cast %swap3A_12 : vector<16xf32> to vector<16xf32>
    %swap3A_14 = vector.shape_cast %broadcast_in_dim3A_10 : vector<16xf32> to vector<16xf32>
    tpu.vector_store %arg7[%swap3A_11], %swap3A_14 {strides = array<i32>} : memref<128xf32, #tpu.memory_space<vmem>>, vector<16xf32>,
    %broadcast_in_dim3A_15 = arith.constant 1.000000e+00 : f32
    %broadcast_in_dim3A_16 = vector.broadcast %broadcast_in_dim3A_15 : f32 to vector<16xf32>
    %swap3A_17 = arith.constant 32 : index
    %swap3A_18 = tpu.vector_load %arg7[%swap3A_17] {strides = array<i32>} : memref<128xf32, #tpu.memory_space<vmem>>, vector<16xf32>,
    %swap3A_19 = vector.shape_cast %swap3A_18 : vector<16xf32> to vector<16xf32>
    %swap3A_20 = vector.shape_cast %broadcast_in_dim3A_16 : vector<16xf32> to vector<16xf32>
    tpu.vector_store %arg7[%swap3A_17], %swap3A_20 {strides = array<i32>} : memref<128xf32, #tpu.memory_space<vmem>>, vector<16xf32>,
    %broadcast_in_dim3A_21 = arith.constant 1.000000e+00 : f32
    %broadcast_in_dim3A_22 = vector.broadcast %broadcast_in_dim3A_21 : f32 to vector<16xf32>
    %swap3A_23 = arith.constant 48 : index
    %swap3A_24 = tpu.vector_load %arg7[%swap3A_23] {strides = array<i32>} : memref<128xf32, #tpu.memory_space<vmem>>, vector<16xf32>,
    %swap3A_25 = vector.shape_cast %swap3A_24 : vector<16xf32> to vector<16xf32>
    %swap3A_26 = vector.shape_cast %broadcast_in_dim3A_22 : vector<16xf32> to vector<16xf32>
    tpu.vector_store %arg7[%swap3A_23], %swap3A_26 {strides = array<i32>} : memref<128xf32, #tpu.memory_space<vmem>>, vector<16xf32>,
    %broadcast_in_dim3A_27 = arith.constant 1.000000e+00 : f32
    %broadcast_in_dim3A_28 = vector.broadcast %broadcast_in_dim3A_27 : f32 to vector<16xf32>
    %swap3A_29 = arith.constant 64 : index
    %swap3A_30 = tpu.vector_load %arg7[%swap3A_29] {strides = array<i32>} : memref<128xf32, #tpu.memory_space<vmem>>, vector<16xf32>,
    %swap3A_31 = vector.shape_cast %swap3A_30 : vector<16xf32> to vector<16xf32>
    %swap3A_32 = vector.shape_cast %broadcast_in_dim3A_28 : vector<16xf32> to vector<16xf32>
    tpu.vector_store %arg7[%swap3A_29], %swap3A_32 {strides = array<i32>} : memref<128xf32, #tpu.memory_space<vmem>>, vector<16xf32>,
    %broadcast_in_dim3A_33 = arith.constant 1.000000e+00 : f32
    %broadcast_in_dim3A_34 = vector.broadcast %broadcast_in_dim3A_33 : f32 to vector<16xf32>
    %swap3A_35 = arith.constant 80 : index
    %swap3A_36 = tpu.vector_load %arg7[%swap3A_35] {strides = array<i32>} : memref<128xf32, #tpu.memory_space<vmem>>, vector<16xf32>,
    %swap3A_37 = vector.shape_cast %swap3A_36 : vector<16xf32> to vector<16xf32>
    %swap3A_38 = vector.shape_cast %broadcast_in_dim3A_34 : vector<16xf32> to vector<16xf32>
    tpu.vector_store %arg7[%swap3A_35], %swap3A_38 {strides = array<i32>} : memref<128xf32, #tpu.memory_space<vmem>>, vector<16xf32>,
    %broadcast_in_dim3A_39 = arith.constant 1.000000e+00 : f32
    %broadcast_in_dim3A_40 = vector.broadcast %broadcast_in_dim3A_39 : f32 to vector<16xf32>
    %swap3A_41 = arith.constant 96 : index
    %swap3A_42 = tpu.vector_load %arg7[%swap3A_41] {strides = array<i32>} : memref<128xf32, #tpu.memory_space<vmem>>, vector<16xf32>,
    %swap3A_43 = vector.shape_cast %swap3A_42 : vector<16xf32> to vector<16xf32>
    %swap3A_44 = vector.shape_cast %broadcast_in_dim3A_40 : vector<16xf32> to vector<16xf32>
    tpu.vector_store %arg7[%swap3A_41], %swap3A_44 {strides = array<i32>} : memref<128xf32, #tpu.memory_space<vmem>>, vector<16xf32>,
    %broadcast_in_dim3A_45 = arith.constant 1.000000e+00 : f32
    %broadcast_in_dim3A_46 = vector.broadcast %broadcast_in_dim3A_45 : f32 to vector<16xf32>
    %swap3A_47 = arith.constant 112 : index
    %swap3A_48 = tpu.vector_load %arg7[%swap3A_47] {strides = array<i32>} : memref<128xf32, #tpu.memory_space<vmem>>, vector<16xf32>,
    %swap3A_49 = vector.shape_cast %swap3A_48 : vector<16xf32> to vector<16xf32>
    %swap3A_50 = vector.shape_cast %broadcast_in_dim3A_46 : vector<16xf32> to vector<16xf32>
    tpu.vector_store %arg7[%swap3A_47], %swap3A_50 {strides = array<i32>} : memref<128xf32, #tpu.memory_space<vmem>>, vector<16xf32>,
    %barrier3A = arith.constant 0 : index
    tpu.barrier barrier_id(%barrier3A)
    %scan3A = arith.constant 0 : i32
    %scan3A_51 = arith.constant 25 : i32
    %scan3A_52 = arith.addi %scan3A, %scan3A_51 : i32
    %scan3A_53 = arith.constant 1 : i32
    scf.for %scan3A_63 = %scan3A to %scan3A_52 step %scan3A_53  : i32 {
      %mul3A_64 = arith.constant 8 : i32
      %mul3A_65 = arith.muli %scan3A_63, %mul3A_64 : i32
      "tpu.region"() ({
        %run_scoped3A_73 = tpu.sem_alloc : memref<!tpu.dma_semaphore, #tpu.memory_space<semaphore_mem>>
        %dma_start3A = arith.constant 0 : i32
        %dma_start3A_74 = tpu.memref_slice %arg2[%add3A, %mul3A_65, %dma_start3A] : memref<32x200x128xi32, #tpu.memory_space<hbm>> -> memref<1x8x128xi32, #tpu.memory_space<hbm>>
        %dma_start3A_75 = tpu.memref_squeeze %dma_start3A_74 : memref<1x8x128xi32, #tpu.memory_space<hbm>> -> memref<8x128xi32, #tpu.memory_space<hbm>>
        %dma_start3A_76 = arith.constant 0 : i32
        %dma_start3A_77 = tpu.memref_slice %arg2[%add3A, %mul3A_65, %dma_start3A_76] : memref<32x200x128xi32, #tpu.memory_space<hbm>> -> memref<1x8x128xi32, #tpu.memory_space<hbm>>
        %dma_start3A_78 = tpu.memref_squeeze %dma_start3A_77 : memref<1x8x128xi32, #tpu.memory_space<hbm>> -> memref<8x128xi32, #tpu.memory_space<hbm>>
        tpu.enqueue_dma source(%dma_start3A_78 : memref<8x128xi32, #tpu.memory_space<hbm>>) target(%arg6 : memref<8x128xi32, #tpu.memory_space<vmem>>) target_semaphore(%run_scoped3A_73 : memref<!tpu.dma_semaphore, #tpu.memory_space<semaphore_mem>>)
        %dma_wait3A = arith.constant 0 : i32
        %dma_wait3A_79 = tpu.memref_slice %arg2[%add3A, %mul3A_65, %dma_wait3A] : memref<32x200x128xi32, #tpu.memory_space<hbm>> -> memref<1x8x128xi32, #tpu.memory_space<hbm>>
        %dma_wait3A_80 = tpu.memref_squeeze %dma_wait3A_79 : memref<1x8x128xi32, #tpu.memory_space<hbm>> -> memref<8x128xi32, #tpu.memory_space<hbm>>
        %dma_wait3A_81 = arith.constant 0 : i32
        %dma_wait3A_82 = tpu.memref_slice %arg2[%add3A, %mul3A_65, %dma_wait3A_81] : memref<32x200x128xi32, #tpu.memory_space<hbm>> -> memref<1x8x128xi32, #tpu.memory_space<hbm>>
        %dma_wait3A_83 = tpu.memref_squeeze %dma_wait3A_82 : memref<1x8x128xi32, #tpu.memory_space<hbm>> -> memref<8x128xi32, #tpu.memory_space<hbm>>
        tpu.wait_dma2 semaphore(%run_scoped3A_73 : memref<!tpu.dma_semaphore, #tpu.memory_space<semaphore_mem>>) src(%dma_wait3A_83 : memref<8x128xi32, #tpu.memory_space<hbm>>) dst(%arg6 : memref<8x128xi32, #tpu.memory_space<vmem>>)
        tpu.yield
      }) : () -> ()
      %run_scoped3A = arith.constant 0 : i32
      "tpu.region"() ({
        %run_scoped3A_73 = tpu.sem_alloc : memref<!tpu.dma_semaphore, #tpu.memory_space<semaphore_mem>>
        %dma_start3A = arith.constant 0 : i32
        %dma_start3A_74 = tpu.memref_slice %arg6[%run_scoped3A, %dma_start3A] : memref<8x128xi32, #tpu.memory_space<vmem>> -> memref<1x128xi32, #tpu.memory_space<vmem>>
        %dma_start3A_75 = tpu.memref_squeeze %dma_start3A_74 : memref<1x128xi32, #tpu.memory_space<vmem>> -> memref<128xi32, #tpu.memory_space<vmem>>
        %dma_start3A_76 = arith.constant 0 : i32
        %dma_start3A_77 = tpu.memref_slice %arg5[%dma_start3A_76] : memref<50176xf32, #tpu.memory_space<vmem_shared>> -> memref<50176xf32, #tpu.memory_space<vmem_shared>>
        tpu.enqueue_indirect_dma source(%arg7 : memref<128xf32, #tpu.memory_space<vmem>>) target(%dma_start3A_77 : memref<50176xf32, #tpu.memory_space<vmem_shared>>) offsets(%dma_start3A_75 : memref<128xi32, #tpu.memory_space<vmem>>) semaphore(%run_scoped3A_73 : memref<!tpu.dma_semaphore, #tpu.memory_space<semaphore_mem>>) {add = true}
        %dma_wait3A = arith.constant 0 : i32
        %dma_wait3A_78 = tpu.memref_slice %arg6[%run_scoped3A, %dma_wait3A] : memref<8x128xi32, #tpu.memory_space<vmem>> -> memref<1x128xi32, #tpu.memory_space<vmem>>
        %dma_wait3A_79 = tpu.memref_squeeze %dma_wait3A_78 : memref<1x128xi32, #tpu.memory_space<vmem>> -> memref<128xi32, #tpu.memory_space<vmem>>
        %dma_wait3A_80 = arith.constant 0 : i32
        %dma_wait3A_81 = tpu.memref_slice %arg5[%dma_wait3A_80] : memref<50176xf32, #tpu.memory_space<vmem_shared>> -> memref<50176xf32, #tpu.memory_space<vmem_shared>>
        tpu.wait_indirect_dma semaphore(%run_scoped3A_73 : memref<!tpu.dma_semaphore, #tpu.memory_space<semaphore_mem>>) src(%arg7 : memref<128xf32, #tpu.memory_space<vmem>>) dst(%dma_wait3A_81 : memref<50176xf32, #tpu.memory_space<vmem_shared>>)
        tpu.yield
      }) : () -> ()
      %run_scoped3A_66 = arith.constant 1 : i32
      "tpu.region"() ({
        %run_scoped3A_73 = tpu.sem_alloc : memref<!tpu.dma_semaphore, #tpu.memory_space<semaphore_mem>>
        %dma_start3A = arith.constant 0 : i32
        %dma_start3A_74 = tpu.memref_slice %arg6[%run_scoped3A_66, %dma_start3A] : memref<8x128xi32, #tpu.memory_space<vmem>> -> memref<1x128xi32, #tpu.memory_space<vmem>>
        %dma_start3A_75 = tpu.memref_squeeze %dma_start3A_74 : memref<1x128xi32, #tpu.memory_space<vmem>> -> memref<128xi32, #tpu.memory_space<vmem>>
        %dma_start3A_76 = arith.constant 0 : i32
        %dma_start3A_77 = tpu.memref_slice %arg5[%dma_start3A_76] : memref<50176xf32, #tpu.memory_space<vmem_shared>> -> memref<50176xf32, #tpu.memory_space<vmem_shared>>
        tpu.enqueue_indirect_dma source(%arg7 : memref<128xf32, #tpu.memory_space<vmem>>) target(%dma_start3A_77 : memref<50176xf32, #tpu.memory_space<vmem_shared>>) offsets(%dma_start3A_75 : memref<128xi32, #tpu.memory_space<vmem>>) semaphore(%run_scoped3A_73 : memref<!tpu.dma_semaphore, #tpu.memory_space<semaphore_mem>>) {add = true}
        %dma_wait3A = arith.constant 0 : i32
        %dma_wait3A_78 = tpu.memref_slice %arg6[%run_scoped3A_66, %dma_wait3A] : memref<8x128xi32, #tpu.memory_space<vmem>> -> memref<1x128xi32, #tpu.memory_space<vmem>>
        %dma_wait3A_79 = tpu.memref_squeeze %dma_wait3A_78 : memref<1x128xi32, #tpu.memory_space<vmem>> -> memref<128xi32, #tpu.memory_space<vmem>>
        %dma_wait3A_80 = arith.constant 0 : i32
        %dma_wait3A_81 = tpu.memref_slice %arg5[%dma_wait3A_80] : memref<50176xf32, #tpu.memory_space<vmem_shared>> -> memref<50176xf32, #tpu.memory_space<vmem_shared>>
        tpu.wait_indirect_dma semaphore(%run_scoped3A_73 : memref<!tpu.dma_semaphore, #tpu.memory_space<semaphore_mem>>) src(%arg7 : memref<128xf32, #tpu.memory_space<vmem>>) dst(%dma_wait3A_81 : memref<50176xf32, #tpu.memory_space<vmem_shared>>)
        tpu.yield
      }) : () -> ()
      %run_scoped3A_67 = arith.constant 2 : i32
      "tpu.region"() ({
        %run_scoped3A_73 = tpu.sem_alloc : memref<!tpu.dma_semaphore, #tpu.memory_space<semaphore_mem>>
        %dma_start3A = arith.constant 0 : i32
        %dma_start3A_74 = tpu.memref_slice %arg6[%run_scoped3A_67, %dma_start3A] : memref<8x128xi32, #tpu.memory_space<vmem>> -> memref<1x128xi32, #tpu.memory_space<vmem>>
        %dma_start3A_75 = tpu.memref_squeeze %dma_start3A_74 : memref<1x128xi32, #tpu.memory_space<vmem>> -> memref<128xi32, #tpu.memory_space<vmem>>
        %dma_start3A_76 = arith.constant 0 : i32
        %dma_start3A_77 = tpu.memref_slice %arg5[%dma_start3A_76] : memref<50176xf32, #tpu.memory_space<vmem_shared>> -> memref<50176xf32, #tpu.memory_space<vmem_shared>>
        tpu.enqueue_indirect_dma source(%arg7 : memref<128xf32, #tpu.memory_space<vmem>>) target(%dma_start3A_77 : memref<50176xf32, #tpu.memory_space<vmem_shared>>) offsets(%dma_start3A_75 : memref<128xi32, #tpu.memory_space<vmem>>) semaphore(%run_scoped3A_73 : memref<!tpu.dma_semaphore, #tpu.memory_space<semaphore_mem>>) {add = true}
        %dma_wait3A = arith.constant 0 : i32
        %dma_wait3A_78 = tpu.memref_slice %arg6[%run_scoped3A_67, %dma_wait3A] : memref<8x128xi32, #tpu.memory_space<vmem>> -> memref<1x128xi32, #tpu.memory_space<vmem>>
        %dma_wait3A_79 = tpu.memref_squeeze %dma_wait3A_78 : memref<1x128xi32, #tpu.memory_space<vmem>> -> memref<128xi32, #tpu.memory_space<vmem>>
        %dma_wait3A_80 = arith.constant 0 : i32
        %dma_wait3A_81 = tpu.memref_slice %arg5[%dma_wait3A_80] : memref<50176xf32, #tpu.memory_space<vmem_shared>> -> memref<50176xf32, #tpu.memory_space<vmem_shared>>
        tpu.wait_indirect_dma semaphore(%run_scoped3A_73 : memref<!tpu.dma_semaphore, #tpu.memory_space<semaphore_mem>>) src(%arg7 : memref<128xf32, #tpu.memory_space<vmem>>) dst(%dma_wait3A_81 : memref<50176xf32, #tpu.memory_space<vmem_shared>>)
        tpu.yield
      }) : () -> ()
      %run_scoped3A_68 = arith.constant 3 : i32
      "tpu.region"() ({
        %run_scoped3A_73 = tpu.sem_alloc : memref<!tpu.dma_semaphore, #tpu.memory_space<semaphore_mem>>
        %dma_start3A = arith.constant 0 : i32
        %dma_start3A_74 = tpu.memref_slice %arg6[%run_scoped3A_68, %dma_start3A] : memref<8x128xi32, #tpu.memory_space<vmem>> -> memref<1x128xi32, #tpu.memory_space<vmem>>
        %dma_start3A_75 = tpu.memref_squeeze %dma_start3A_74 : memref<1x128xi32, #tpu.memory_space<vmem>> -> memref<128xi32, #tpu.memory_space<vmem>>
        %dma_start3A_76 = arith.constant 0 : i32
        %dma_start3A_77 = tpu.memref_slice %arg5[%dma_start3A_76] : memref<50176xf32, #tpu.memory_space<vmem_shared>> -> memref<50176xf32, #tpu.memory_space<vmem_shared>>
        tpu.enqueue_indirect_dma source(%arg7 : memref<128xf32, #tpu.memory_space<vmem>>) target(%dma_start3A_77 : memref<50176xf32, #tpu.memory_space<vmem_shared>>) offsets(%dma_start3A_75 : memref<128xi32, #tpu.memory_space<vmem>>) semaphore(%run_scoped3A_73 : memref<!tpu.dma_semaphore, #tpu.memory_space<semaphore_mem>>) {add = true}
        %dma_wait3A = arith.constant 0 : i32
        %dma_wait3A_78 = tpu.memref_slice %arg6[%run_scoped3A_68, %dma_wait3A] : memref<8x128xi32, #tpu.memory_space<vmem>> -> memref<1x128xi32, #tpu.memory_space<vmem>>
        %dma_wait3A_79 = tpu.memref_squeeze %dma_wait3A_78 : memref<1x128xi32, #tpu.memory_space<vmem>> -> memref<128xi32, #tpu.memory_space<vmem>>
        %dma_wait3A_80 = arith.constant 0 : i32
        %dma_wait3A_81 = tpu.memref_slice %arg5[%dma_wait3A_80] : memref<50176xf32, #tpu.memory_space<vmem_shared>> -> memref<50176xf32, #tpu.memory_space<vmem_shared>>
        tpu.wait_indirect_dma semaphore(%run_scoped3A_73 : memref<!tpu.dma_semaphore, #tpu.memory_space<semaphore_mem>>) src(%arg7 : memref<128xf32, #tpu.memory_space<vmem>>) dst(%dma_wait3A_81 : memref<50176xf32, #tpu.memory_space<vmem_shared>>)
        tpu.yield
      }) : () -> ()
      %run_scoped3A_69 = arith.constant 4 : i32
      "tpu.region"() ({
        %run_scoped3A_73 = tpu.sem_alloc : memref<!tpu.dma_semaphore, #tpu.memory_space<semaphore_mem>>
        %dma_start3A = arith.constant 0 : i32
        %dma_start3A_74 = tpu.memref_slice %arg6[%run_scoped3A_69, %dma_start3A] : memref<8x128xi32, #tpu.memory_space<vmem>> -> memref<1x128xi32, #tpu.memory_space<vmem>>
        %dma_start3A_75 = tpu.memref_squeeze %dma_start3A_74 : memref<1x128xi32, #tpu.memory_space<vmem>> -> memref<128xi32, #tpu.memory_space<vmem>>
        %dma_start3A_76 = arith.constant 0 : i32
        %dma_start3A_77 = tpu.memref_slice %arg5[%dma_start3A_76] : memref<50176xf32, #tpu.memory_space<vmem_shared>> -> memref<50176xf32, #tpu.memory_space<vmem_shared>>
        tpu.enqueue_indirect_dma source(%arg7 : memref<128xf32, #tpu.memory_space<vmem>>) target(%dma_start3A_77 : memref<50176xf32, #tpu.memory_space<vmem_shared>>) offsets(%dma_start3A_75 : memref<128xi32, #tpu.memory_space<vmem>>) semaphore(%run_scoped3A_73 : memref<!tpu.dma_semaphore, #tpu.memory_space<semaphore_mem>>) {add = true}
        %dma_wait3A = arith.constant 0 : i32
        %dma_wait3A_78 = tpu.memref_slice %arg6[%run_scoped3A_69, %dma_wait3A] : memref<8x128xi32, #tpu.memory_space<vmem>> -> memref<1x128xi32, #tpu.memory_space<vmem>>
        %dma_wait3A_79 = tpu.memref_squeeze %dma_wait3A_78 : memref<1x128xi32, #tpu.memory_space<vmem>> -> memref<128xi32, #tpu.memory_space<vmem>>
        %dma_wait3A_80 = arith.constant 0 : i32
        %dma_wait3A_81 = tpu.memref_slice %arg5[%dma_wait3A_80] : memref<50176xf32, #tpu.memory_space<vmem_shared>> -> memref<50176xf32, #tpu.memory_space<vmem_shared>>
        tpu.wait_indirect_dma semaphore(%run_scoped3A_73 : memref<!tpu.dma_semaphore, #tpu.memory_space<semaphore_mem>>) src(%arg7 : memref<128xf32, #tpu.memory_space<vmem>>) dst(%dma_wait3A_81 : memref<50176xf32, #tpu.memory_space<vmem_shared>>)
        tpu.yield
      }) : () -> ()
      %run_scoped3A_70 = arith.constant 5 : i32
      "tpu.region"() ({
        %run_scoped3A_73 = tpu.sem_alloc : memref<!tpu.dma_semaphore, #tpu.memory_space<semaphore_mem>>
        %dma_start3A = arith.constant 0 : i32
        %dma_start3A_74 = tpu.memref_slice %arg6[%run_scoped3A_70, %dma_start3A] : memref<8x128xi32, #tpu.memory_space<vmem>> -> memref<1x128xi32, #tpu.memory_space<vmem>>
        %dma_start3A_75 = tpu.memref_squeeze %dma_start3A_74 : memref<1x128xi32, #tpu.memory_space<vmem>> -> memref<128xi32, #tpu.memory_space<vmem>>
        %dma_start3A_76 = arith.constant 0 : i32
        %dma_start3A_77 = tpu.memref_slice %arg5[%dma_start3A_76] : memref<50176xf32, #tpu.memory_space<vmem_shared>> -> memref<50176xf32, #tpu.memory_space<vmem_shared>>
        tpu.enqueue_indirect_dma source(%arg7 : memref<128xf32, #tpu.memory_space<vmem>>) target(%dma_start3A_77 : memref<50176xf32, #tpu.memory_space<vmem_shared>>) offsets(%dma_start3A_75 : memref<128xi32, #tpu.memory_space<vmem>>) semaphore(%run_scoped3A_73 : memref<!tpu.dma_semaphore, #tpu.memory_space<semaphore_mem>>) {add = true}
        %dma_wait3A = arith.constant 0 : i32
        %dma_wait3A_78 = tpu.memref_slice %arg6[%run_scoped3A_70, %dma_wait3A] : memref<8x128xi32, #tpu.memory_space<vmem>> -> memref<1x128xi32, #tpu.memory_space<vmem>>
        %dma_wait3A_79 = tpu.memref_squeeze %dma_wait3A_78 : memref<1x128xi32, #tpu.memory_space<vmem>> -> memref<128xi32, #tpu.memory_space<vmem>>
        %dma_wait3A_80 = arith.constant 0 : i32
        %dma_wait3A_81 = tpu.memref_slice %arg5[%dma_wait3A_80] : memref<50176xf32, #tpu.memory_space<vmem_shared>> -> memref<50176xf32, #tpu.memory_space<vmem_shared>>
        tpu.wait_indirect_dma semaphore(%run_scoped3A_73 : memref<!tpu.dma_semaphore, #tpu.memory_space<semaphore_mem>>) src(%arg7 : memref<128xf32, #tpu.memory_space<vmem>>) dst(%dma_wait3A_81 : memref<50176xf32, #tpu.memory_space<vmem_shared>>)
        tpu.yield
      }) : () -> ()
      %run_scoped3A_71 = arith.constant 6 : i32
      "tpu.region"() ({
        %run_scoped3A_73 = tpu.sem_alloc : memref<!tpu.dma_semaphore, #tpu.memory_space<semaphore_mem>>
        %dma_start3A = arith.constant 0 : i32
        %dma_start3A_74 = tpu.memref_slice %arg6[%run_scoped3A_71, %dma_start3A] : memref<8x128xi32, #tpu.memory_space<vmem>> -> memref<1x128xi32, #tpu.memory_space<vmem>>
        %dma_start3A_75 = tpu.memref_squeeze %dma_start3A_74 : memref<1x128xi32, #tpu.memory_space<vmem>> -> memref<128xi32, #tpu.memory_space<vmem>>
        %dma_start3A_76 = arith.constant 0 : i32
        %dma_start3A_77 = tpu.memref_slice %arg5[%dma_start3A_76] : memref<50176xf32, #tpu.memory_space<vmem_shared>> -> memref<50176xf32, #tpu.memory_space<vmem_shared>>
        tpu.enqueue_indirect_dma source(%arg7 : memref<128xf32, #tpu.memory_space<vmem>>) target(%dma_start3A_77 : memref<50176xf32, #tpu.memory_space<vmem_shared>>) offsets(%dma_start3A_75 : memref<128xi32, #tpu.memory_space<vmem>>) semaphore(%run_scoped3A_73 : memref<!tpu.dma_semaphore, #tpu.memory_space<semaphore_mem>>) {add = true}
        %dma_wait3A = arith.constant 0 : i32
        %dma_wait3A_78 = tpu.memref_slice %arg6[%run_scoped3A_71, %dma_wait3A] : memref<8x128xi32, #tpu.memory_space<vmem>> -> memref<1x128xi32, #tpu.memory_space<vmem>>
        %dma_wait3A_79 = tpu.memref_squeeze %dma_wait3A_78 : memref<1x128xi32, #tpu.memory_space<vmem>> -> memref<128xi32, #tpu.memory_space<vmem>>
        %dma_wait3A_80 = arith.constant 0 : i32
        %dma_wait3A_81 = tpu.memref_slice %arg5[%dma_wait3A_80] : memref<50176xf32, #tpu.memory_space<vmem_shared>> -> memref<50176xf32, #tpu.memory_space<vmem_shared>>
        tpu.wait_indirect_dma semaphore(%run_scoped3A_73 : memref<!tpu.dma_semaphore, #tpu.memory_space<semaphore_mem>>) src(%arg7 : memref<128xf32, #tpu.memory_space<vmem>>) dst(%dma_wait3A_81 : memref<50176xf32, #tpu.memory_space<vmem_shared>>)
        tpu.yield
      }) : () -> ()
      %run_scoped3A_72 = arith.constant 7 : i32
      "tpu.region"() ({
        %run_scoped3A_73 = tpu.sem_alloc : memref<!tpu.dma_semaphore, #tpu.memory_space<semaphore_mem>>
        %dma_start3A = arith.constant 0 : i32
        %dma_start3A_74 = tpu.memref_slice %arg6[%run_scoped3A_72, %dma_start3A] : memref<8x128xi32, #tpu.memory_space<vmem>> -> memref<1x128xi32, #tpu.memory_space<vmem>>
        %dma_start3A_75 = tpu.memref_squeeze %dma_start3A_74 : memref<1x128xi32, #tpu.memory_space<vmem>> -> memref<128xi32, #tpu.memory_space<vmem>>
        %dma_start3A_76 = arith.constant 0 : i32
        %dma_start3A_77 = tpu.memref_slice %arg5[%dma_start3A_76] : memref<50176xf32, #tpu.memory_space<vmem_shared>> -> memref<50176xf32, #tpu.memory_space<vmem_shared>>
        tpu.enqueue_indirect_dma source(%arg7 : memref<128xf32, #tpu.memory_space<vmem>>) target(%dma_start3A_77 : memref<50176xf32, #tpu.memory_space<vmem_shared>>) offsets(%dma_start3A_75 : memref<128xi32, #tpu.memory_space<vmem>>) semaphore(%run_scoped3A_73 : memref<!tpu.dma_semaphore, #tpu.memory_space<semaphore_mem>>) {add = true}
        %dma_wait3A = arith.constant 0 : i32
        %dma_wait3A_78 = tpu.memref_slice %arg6[%run_scoped3A_72, %dma_wait3A] : memref<8x128xi32, #tpu.memory_space<vmem>> -> memref<1x128xi32, #tpu.memory_space<vmem>>
        %dma_wait3A_79 = tpu.memref_squeeze %dma_wait3A_78 : memref<1x128xi32, #tpu.memory_space<vmem>> -> memref<128xi32, #tpu.memory_space<vmem>>
        %dma_wait3A_80 = arith.constant 0 : i32
        %dma_wait3A_81 = tpu.memref_slice %arg5[%dma_wait3A_80] : memref<50176xf32, #tpu.memory_space<vmem_shared>> -> memref<50176xf32, #tpu.memory_space<vmem_shared>>
        tpu.wait_indirect_dma semaphore(%run_scoped3A_73 : memref<!tpu.dma_semaphore, #tpu.memory_space<semaphore_mem>>) src(%arg7 : memref<128xf32, #tpu.memory_space<vmem>>) dst(%dma_wait3A_81 : memref<50176xf32, #tpu.memory_space<vmem_shared>>)
        tpu.yield
      }) : () -> ()
    }
    %scan3A_54 = arith.constant 25 : i32
    %barrier3A_55 = arith.constant 0 : index
    tpu.barrier barrier_id(%barrier3A_55)
    %mul3A_56 = arith.constant 3136 : i32
    %mul3A_57 = arith.muli %arg1, %mul3A_56 : i32
    "tpu.region"() ({
      %run_scoped3A = tpu.sem_alloc : memref<!tpu.dma_semaphore, #tpu.memory_space<semaphore_mem>>
      %dma_start3A = tpu.memref_slice %arg5[%mul3A_57] : memref<50176xf32, #tpu.memory_space<vmem_shared>> -> memref<3136xf32, #tpu.memory_space<vmem_shared>>
      %dma_start3A_63 = tpu.memref_slice %arg5[%mul3A_57] : memref<50176xf32, #tpu.memory_space<vmem_shared>> -> memref<3136xf32, #tpu.memory_space<vmem_shared>>
      tpu.enqueue_dma source(%dma_start3A_63 : memref<3136xf32, #tpu.memory_space<vmem_shared>>) target(%arg8 : memref<3136xf32, #tpu.memory_space<vmem>>) target_semaphore(%run_scoped3A : memref<!tpu.dma_semaphore, #tpu.memory_space<semaphore_mem>>)
      %dma_wait3A = tpu.memref_slice %arg5[%mul3A_57] : memref<50176xf32, #tpu.memory_space<vmem_shared>> -> memref<3136xf32, #tpu.memory_space<vmem_shared>>
      %dma_wait3A_64 = tpu.memref_slice %arg5[%mul3A_57] : memref<50176xf32, #tpu.memory_space<vmem_shared>> -> memref<3136xf32, #tpu.memory_space<vmem_shared>>
      tpu.wait_dma2 semaphore(%run_scoped3A : memref<!tpu.dma_semaphore, #tpu.memory_space<semaphore_mem>>) src(%dma_wait3A_64 : memref<3136xf32, #tpu.memory_space<vmem_shared>>) dst(%arg8 : memref<3136xf32, #tpu.memory_space<vmem>>)
      tpu.yield
    }) : () -> ()
    %mul3A_58 = arith.constant 50176 : i32
    %mul3A_59 = arith.muli %arg0, %mul3A_58 : i32
    %mul3A_60 = arith.constant 3136 : i32
    %mul3A_61 = arith.muli %arg1, %mul3A_60 : i32
    %add3A_62 = arith.addi %mul3A_59, %mul3A_61 : i32
    "tpu.region"() ({
      %run_scoped3A = tpu.sem_alloc : memref<!tpu.dma_semaphore, #tpu.memory_space<semaphore_mem>>
      %dma_start3A = tpu.memref_slice %arg4[%add3A_62] : memref<100352xf32, #tpu.memory_space<hbm>> -> memref<3136xf32, #tpu.memory_space<hbm>>
      %dma_start3A_63 = tpu.memref_slice %arg4[%add3A_62] : memref<100352xf32, #tpu.memory_space<hbm>> -> memref<3136xf32, #tpu.memory_space<hbm>>
      tpu.enqueue_dma source(%arg8 : memref<3136xf32, #tpu.memory_space<vmem>>) target(%dma_start3A_63 : memref<3136xf32, #tpu.memory_space<hbm>>) target_semaphore(%run_scoped3A : memref<!tpu.dma_semaphore, #tpu.memory_space<semaphore_mem>>)
      %dma_wait3A = tpu.memref_slice %arg4[%add3A_62] : memref<100352xf32, #tpu.memory_space<hbm>> -> memref<3136xf32, #tpu.memory_space<hbm>>
      %dma_wait3A_64 = tpu.memref_slice %arg4[%add3A_62] : memref<100352xf32, #tpu.memory_space<hbm>> -> memref<3136xf32, #tpu.memory_space<hbm>>
      tpu.wait_dma2 semaphore(%run_scoped3A : memref<!tpu.dma_semaphore, #tpu.memory_space<semaphore_mem>>) src(%arg8 : memref<3136xf32, #tpu.memory_space<vmem>>) dst(%dma_wait3A_64 : memref<3136xf32, #tpu.memory_space<hbm>>)
      tpu.yield
    }) : () -> ()
    return
  }
}

module attributes {stable_mosaic.version = 14 : i64} {
  func.func @_mm_body(%arg0: i32, %arg1: memref<1024x1433xf32, #tpu.memory_space<vmem>>, %arg2: memref<1433x16xf32, #tpu.memory_space<vmem>>, %arg3: memref<1024x16xf32, #tpu.memory_space<vmem>>) attributes {dimension_semantics = [#tpu.dimension_semantics<arbitrary>], iteration_bounds = array<i64: 49>, scalar_prefetch = 0 : i64, scratch_operands = 0 : i64, tpu.core_type = #tpu.core_type<tc>, window_params = [{transform_indices = @transform_0, window_bounds = array<i64: 1024, 1433>}, {pipeline_mode = #tpu.pipeline_mode<synchronous>, transform_indices = @transform_1, window_bounds = array<i64: 1433, 16>}, {transform_indices = @transform_2, window_bounds = array<i64: 1024, 16>}]} {
    %get3A = arith.constant 0 : index
    %get3A_0 = arith.constant 0 : index
    %get3A_1 = vector.load %arg1[%get3A, %get3A_0] : memref<1024x1433xf32, #tpu.memory_space<vmem>>, vector<1024x1433xf32>
    %get3A_2 = arith.constant 0 : index
    %get3A_3 = arith.constant 0 : index
    %get3A_4 = vector.load %arg2[%get3A_2, %get3A_3] : memref<1433x16xf32, #tpu.memory_space<vmem>>, vector<1433x16xf32>
    %dot_general3A = arith.constant dense<0.000000e+00> : vector<1024x16xf32>
    %dot_general3A_5 = tpu.matmul %get3A_1, %get3A_4, %dot_general3A {dimension_numbers = #tpu.dot_dimension_numbers<[1], [0], [0], [1], [0, 0, 1, 1], [], []>, transpose_lhs_hint = false} : vector<1024x1433xf32>, vector<1433x16xf32>, vector<1024x16xf32> -> vector<1024x16xf32>
    %swap3A = arith.constant 0 : index
    %swap3A_6 = arith.constant 0 : index
    %swap3A_7 = vector.load %arg3[%swap3A, %swap3A_6] : memref<1024x16xf32, #tpu.memory_space<vmem>>, vector<1024x16xf32>
    tpu.vector_store %arg3[%swap3A, %swap3A_6], %dot_general3A_5 {strides = array<i32>} : memref<1024x16xf32, #tpu.memory_space<vmem>>, vector<1024x16xf32>,
    return
  }
  func.func @transform_0(%arg0: i32) -> (i32, i32) {
    %c0_i32 = arith.constant 0 : i32
    %c0_i32_0 = arith.constant 0 : i32
    return %arg0, %c0_i32 : i32, i32
  }
  func.func @transform_1(%arg0: i32) -> (i32, i32) {
    %c0_i32 = arith.constant 0 : i32
    %c0_i32_0 = arith.constant 0 : i32
    %c0_i32_1 = arith.constant 0 : i32
    return %c0_i32, %c0_i32_0 : i32, i32
  }
  func.func @transform_2(%arg0: i32) -> (i32, i32) {
    %c0_i32 = arith.constant 0 : i32
    %c0_i32_0 = arith.constant 0 : i32
    return %arg0, %c0_i32 : i32, i32
  }
}

module attributes {stable_mosaic.version = 14 : i64} {
  func.func @_scale_body(%arg0: i32, %arg1: memref<1024x16xf32, #tpu.memory_space<vmem>>, %arg2: memref<1024x1xf32, #tpu.memory_space<vmem>>, %arg3: memref<1024x1xf32, #tpu.memory_space<vmem>>, %arg4: memref<1024x16xf32, #tpu.memory_space<vmem>>) attributes {dimension_semantics = [#tpu.dimension_semantics<arbitrary>], iteration_bounds = array<i64: 49>, scalar_prefetch = 0 : i64, scratch_operands = 0 : i64, tpu.core_type = #tpu.core_type<tc>, window_params = [{transform_indices = @transform_0, window_bounds = array<i64: 1024, 16>}, {transform_indices = @transform_1, window_bounds = array<i64: 1024, 1>}, {transform_indices = @transform_2, window_bounds = array<i64: 1024, 1>}, {transform_indices = @transform_3, window_bounds = array<i64: 1024, 16>}]} {
    %get3A = arith.constant 0 : index
    %get3A_0 = arith.constant 0 : index
    %get3A_1 = vector.load %arg2[%get3A, %get3A_0] : memref<1024x1xf32, #tpu.memory_space<vmem>>, vector<1024x1xf32>
    %get3A_2 = arith.constant 0 : index
    %get3A_3 = arith.constant 0 : index
    %get3A_4 = vector.load %arg3[%get3A_2, %get3A_3] : memref<1024x1xf32, #tpu.memory_space<vmem>>, vector<1024x1xf32>
    %add3A = arith.addf %get3A_1, %get3A_4 : vector<1024x1xf32>
    %add3A_5 = arith.constant 1.000000e+00 : f32
    %add3A_6 = vector.broadcast %add3A_5 : f32 to vector<1024x1xf32>
    %add3A_7 = arith.addf %add3A, %add3A_6 : vector<1024x1xf32>
    %rsqrt3A = math.rsqrt %add3A_7 : vector<1024x1xf32>
    %get3A_8 = arith.constant 0 : index
    %get3A_9 = arith.constant 0 : index
    %get3A_10 = vector.load %arg1[%get3A_8, %get3A_9] : memref<1024x16xf32, #tpu.memory_space<vmem>>, vector<1024x16xf32>
    %mul3A = vector.broadcast %rsqrt3A : vector<1024x1xf32> to vector<1024x16xf32>
    %mul3A_11 = arith.mulf %mul3A, %get3A_10 : vector<1024x16xf32>
    %swap3A = arith.constant 0 : index
    %swap3A_12 = arith.constant 0 : index
    %swap3A_13 = vector.load %arg4[%swap3A, %swap3A_12] : memref<1024x16xf32, #tpu.memory_space<vmem>>, vector<1024x16xf32>
    tpu.vector_store %arg4[%swap3A, %swap3A_12], %mul3A_11 {strides = array<i32>} : memref<1024x16xf32, #tpu.memory_space<vmem>>, vector<1024x16xf32>,
    return
  }
  func.func @transform_0(%arg0: i32) -> (i32, i32) {
    %c0_i32 = arith.constant 0 : i32
    %c0_i32_0 = arith.constant 0 : i32
    return %arg0, %c0_i32 : i32, i32
  }
  func.func @transform_1(%arg0: i32) -> (i32, i32) {
    %c0_i32 = arith.constant 0 : i32
    %c0_i32_0 = arith.constant 0 : i32
    return %arg0, %c0_i32 : i32, i32
  }
  func.func @transform_2(%arg0: i32) -> (i32, i32) {
    %c0_i32 = arith.constant 0 : i32
    %c0_i32_0 = arith.constant 0 : i32
    return %arg0, %c0_i32 : i32, i32
  }
  func.func @transform_3(%arg0: i32) -> (i32, i32) {
    %c0_i32 = arith.constant 0 : i32
    %c0_i32_0 = arith.constant 0 : i32
    return %arg0, %c0_i32 : i32, i32
  }
}

module attributes {stable_mosaic.version = 14 : i64} {
  func.func @_mid_body(%arg0: i32, %arg1: memref<1024x16xf32, #tpu.memory_space<vmem>>, %arg2: memref<1024x16xf32, #tpu.memory_space<vmem>>, %arg3: memref<1024x16xf32, #tpu.memory_space<vmem>>, %arg4: memref<1024x1xf32, #tpu.memory_space<vmem>>, %arg5: memref<1024x1xf32, #tpu.memory_space<vmem>>, %arg6: memref<1x16xf32, #tpu.memory_space<vmem>>, %arg7: memref<16x16xf32, #tpu.memory_space<vmem>>, %arg8: memref<1024x16xf32, #tpu.memory_space<vmem>>) attributes {dimension_semantics = [#tpu.dimension_semantics<arbitrary>], iteration_bounds = array<i64: 49>, scalar_prefetch = 0 : i64, scratch_operands = 0 : i64, tpu.core_type = #tpu.core_type<tc>, window_params = [{transform_indices = @transform_0, window_bounds = array<i64: 1024, 16>}, {transform_indices = @transform_1, window_bounds = array<i64: 1024, 16>}, {transform_indices = @transform_2, window_bounds = array<i64: 1024, 16>}, {transform_indices = @transform_3, window_bounds = array<i64: 1024, 1>}, {transform_indices = @transform_4, window_bounds = array<i64: 1024, 1>}, {pipeline_mode = #tpu.pipeline_mode<synchronous>, transform_indices = @transform_5, window_bounds = array<i64: 1, 16>}, {pipeline_mode = #tpu.pipeline_mode<synchronous>, transform_indices = @transform_6, window_bounds = array<i64: 16, 16>}, {transform_indices = @transform_7, window_bounds = array<i64: 1024, 16>}]} {
    %get3A = arith.constant 0 : index
    %get3A_0 = arith.constant 0 : index
    %get3A_1 = vector.load %arg4[%get3A, %get3A_0] : memref<1024x1xf32, #tpu.memory_space<vmem>>, vector<1024x1xf32>
    %get3A_2 = arith.constant 0 : index
    %get3A_3 = arith.constant 0 : index
    %get3A_4 = vector.load %arg5[%get3A_2, %get3A_3] : memref<1024x1xf32, #tpu.memory_space<vmem>>, vector<1024x1xf32>
    %add3A = arith.addf %get3A_1, %get3A_4 : vector<1024x1xf32>
    %add3A_5 = arith.constant 1.000000e+00 : f32
    %add3A_6 = vector.broadcast %add3A_5 : f32 to vector<1024x1xf32>
    %add3A_7 = arith.addf %add3A, %add3A_6 : vector<1024x1xf32>
    %rsqrt3A = math.rsqrt %add3A_7 : vector<1024x1xf32>
    %get3A_8 = arith.constant 0 : index
    %get3A_9 = arith.constant 0 : index
    %get3A_10 = vector.load %arg2[%get3A_8, %get3A_9] : memref<1024x16xf32, #tpu.memory_space<vmem>>, vector<1024x16xf32>
    %get3A_11 = arith.constant 0 : index
    %get3A_12 = arith.constant 0 : index
    %get3A_13 = vector.load %arg3[%get3A_11, %get3A_12] : memref<1024x16xf32, #tpu.memory_space<vmem>>, vector<1024x16xf32>
    %add3A_14 = arith.addf %get3A_10, %get3A_13 : vector<1024x16xf32>
    %get3A_15 = arith.constant 0 : index
    %get3A_16 = arith.constant 0 : index
    %get3A_17 = vector.load %arg1[%get3A_15, %get3A_16] : memref<1024x16xf32, #tpu.memory_space<vmem>>, vector<1024x16xf32>
    %sub3A = arith.subf %add3A_14, %get3A_17 : vector<1024x16xf32>
    %mul3A = vector.broadcast %rsqrt3A : vector<1024x1xf32> to vector<1024x16xf32>
    %mul3A_18 = arith.mulf %mul3A, %sub3A : vector<1024x16xf32>
    %get3A_19 = arith.constant 0 : index
    %get3A_20 = arith.constant 0 : index
    %get3A_21 = vector.load %arg6[%get3A_19, %get3A_20] : memref<1x16xf32, #tpu.memory_space<vmem>>, vector<1x16xf32>
    %add3A_22 = vector.broadcast %get3A_21 : vector<1x16xf32> to vector<1024x16xf32>
    %add3A_23 = arith.addf %mul3A_18, %add3A_22 : vector<1024x16xf32>
    %max3A = arith.constant 0.000000e+00 : f32
    %max3A_24 = vector.broadcast %max3A : f32 to vector<1024x16xf32>
    %max3A_25 = arith.maximumf %add3A_23, %max3A_24 : vector<1024x16xf32>
    %get3A_26 = arith.constant 0 : index
    %get3A_27 = arith.constant 0 : index
    %get3A_28 = vector.load %arg7[%get3A_26, %get3A_27] : memref<16x16xf32, #tpu.memory_space<vmem>>, vector<16x16xf32>
    %dot_general3A = arith.constant dense<0.000000e+00> : vector<1024x16xf32>
    %dot_general3A_29 = tpu.matmul %max3A_25, %get3A_28, %dot_general3A {dimension_numbers = #tpu.dot_dimension_numbers<[1], [0], [0], [1], [0, 0, 1, 1], [], []>, transpose_lhs_hint = false} : vector<1024x16xf32>, vector<16x16xf32>, vector<1024x16xf32> -> vector<1024x16xf32>
    %mul3A_30 = vector.broadcast %rsqrt3A : vector<1024x1xf32> to vector<1024x16xf32>
    %mul3A_31 = arith.mulf %mul3A_30, %dot_general3A_29 : vector<1024x16xf32>
    %swap3A = arith.constant 0 : index
    %swap3A_32 = arith.constant 0 : index
    %swap3A_33 = vector.load %arg8[%swap3A, %swap3A_32] : memref<1024x16xf32, #tpu.memory_space<vmem>>, vector<1024x16xf32>
    tpu.vector_store %arg8[%swap3A, %swap3A_32], %mul3A_31 {strides = array<i32>} : memref<1024x16xf32, #tpu.memory_space<vmem>>, vector<1024x16xf32>,
    return
  }
  func.func @transform_0(%arg0: i32) -> (i32, i32) {
    %c0_i32 = arith.constant 0 : i32
    %c0_i32_0 = arith.constant 0 : i32
    return %arg0, %c0_i32 : i32, i32
  }
  func.func @transform_1(%arg0: i32) -> (i32, i32) {
    %c0_i32 = arith.constant 0 : i32
    %c0_i32_0 = arith.constant 0 : i32
    return %arg0, %c0_i32 : i32, i32
  }
  func.func @transform_2(%arg0: i32) -> (i32, i32) {
    %c0_i32 = arith.constant 0 : i32
    %c0_i32_0 = arith.constant 0 : i32
    return %arg0, %c0_i32 : i32, i32
  }
  func.func @transform_3(%arg0: i32) -> (i32, i32) {
    %c0_i32 = arith.constant 0 : i32
    %c0_i32_0 = arith.constant 0 : i32
    return %arg0, %c0_i32 : i32, i32
  }
  func.func @transform_4(%arg0: i32) -> (i32, i32) {
    %c0_i32 = arith.constant 0 : i32
    %c0_i32_0 = arith.constant 0 : i32
    return %arg0, %c0_i32 : i32, i32
  }
  func.func @transform_5(%arg0: i32) -> (i32, i32) {
    %c0_i32 = arith.constant 0 : i32
    %c0_i32_0 = arith.constant 0 : i32
    %c0_i32_1 = arith.constant 0 : i32
    return %c0_i32, %c0_i32_0 : i32, i32
  }
  func.func @transform_6(%arg0: i32) -> (i32, i32) {
    %c0_i32 = arith.constant 0 : i32
    %c0_i32_0 = arith.constant 0 : i32
    %c0_i32_1 = arith.constant 0 : i32
    return %c0_i32, %c0_i32_0 : i32, i32
  }
  func.func @transform_7(%arg0: i32) -> (i32, i32) {
    %c0_i32 = arith.constant 0 : i32
    %c0_i32_0 = arith.constant 0 : i32
    return %arg0, %c0_i32 : i32, i32
  }
}

module attributes {stable_mosaic.version = 14 : i64} {
  func.func @_final_body(%arg0: i32, %arg1: memref<1024x16xf32, #tpu.memory_space<vmem>>, %arg2: memref<1024x16xf32, #tpu.memory_space<vmem>>, %arg3: memref<1024x16xf32, #tpu.memory_space<vmem>>, %arg4: memref<1024x1xf32, #tpu.memory_space<vmem>>, %arg5: memref<1024x1xf32, #tpu.memory_space<vmem>>, %arg6: memref<1x16xf32, #tpu.memory_space<vmem>>, %arg7: memref<1024x7xf32, #tpu.memory_space<vmem>>) attributes {dimension_semantics = [#tpu.dimension_semantics<arbitrary>], iteration_bounds = array<i64: 49>, scalar_prefetch = 0 : i64, scratch_operands = 0 : i64, tpu.core_type = #tpu.core_type<tc>, window_params = [{transform_indices = @transform_0, window_bounds = array<i64: 1024, 16>}, {transform_indices = @transform_1, window_bounds = array<i64: 1024, 16>}, {transform_indices = @transform_2, window_bounds = array<i64: 1024, 16>}, {transform_indices = @transform_3, window_bounds = array<i64: 1024, 1>}, {transform_indices = @transform_4, window_bounds = array<i64: 1024, 1>}, {pipeline_mode = #tpu.pipeline_mode<synchronous>, transform_indices = @transform_5, window_bounds = array<i64: 1, 16>}, {transform_indices = @transform_6, window_bounds = array<i64: 1024, 7>}]} {
    %get3A = arith.constant 0 : index
    %get3A_0 = arith.constant 0 : index
    %get3A_1 = vector.load %arg4[%get3A, %get3A_0] : memref<1024x1xf32, #tpu.memory_space<vmem>>, vector<1024x1xf32>
    %get3A_2 = arith.constant 0 : index
    %get3A_3 = arith.constant 0 : index
    %get3A_4 = vector.load %arg5[%get3A_2, %get3A_3] : memref<1024x1xf32, #tpu.memory_space<vmem>>, vector<1024x1xf32>
    %add3A = arith.addf %get3A_1, %get3A_4 : vector<1024x1xf32>
    %add3A_5 = arith.constant 1.000000e+00 : f32
    %add3A_6 = vector.broadcast %add3A_5 : f32 to vector<1024x1xf32>
    %add3A_7 = arith.addf %add3A, %add3A_6 : vector<1024x1xf32>
    %rsqrt3A = math.rsqrt %add3A_7 : vector<1024x1xf32>
    %get3A_8 = arith.constant 0 : index
    %get3A_9 = arith.constant 0 : index
    %get3A_10 = vector.load %arg2[%get3A_8, %get3A_9] : memref<1024x16xf32, #tpu.memory_space<vmem>>, vector<1024x16xf32>
    %get3A_11 = arith.constant 0 : index
    %get3A_12 = arith.constant 0 : index
    %get3A_13 = vector.load %arg3[%get3A_11, %get3A_12] : memref<1024x16xf32, #tpu.memory_space<vmem>>, vector<1024x16xf32>
    %add3A_14 = arith.addf %get3A_10, %get3A_13 : vector<1024x16xf32>
    %get3A_15 = arith.constant 0 : index
    %get3A_16 = arith.constant 0 : index
    %get3A_17 = vector.load %arg1[%get3A_15, %get3A_16] : memref<1024x16xf32, #tpu.memory_space<vmem>>, vector<1024x16xf32>
    %sub3A = arith.subf %add3A_14, %get3A_17 : vector<1024x16xf32>
    %mul3A = vector.broadcast %rsqrt3A : vector<1024x1xf32> to vector<1024x16xf32>
    %mul3A_18 = arith.mulf %mul3A, %sub3A : vector<1024x16xf32>
    %get3A_19 = arith.constant 0 : index
    %get3A_20 = arith.constant 0 : index
    %get3A_21 = vector.load %arg6[%get3A_19, %get3A_20] : memref<1x16xf32, #tpu.memory_space<vmem>>, vector<1x16xf32>
    %add3A_22 = vector.broadcast %get3A_21 : vector<1x16xf32> to vector<1024x16xf32>
    %add3A_23 = arith.addf %mul3A_18, %add3A_22 : vector<1024x16xf32>
    %iota3A = tpu.iota {dimensions = array<i32: 1>} : vector<1024x16xi32>
    %lt3A = arith.constant 7 : i32
    %lt3A_24 = vector.broadcast %lt3A : i32 to vector<1024x16xi32>
    %lt3A_25 = arith.cmpi slt, %iota3A, %lt3A_24 : vector<1024x16xi32>
    %jit3A = arith.constant -1.000000e+30 : f32
    %broadcast_in_dim3A = vector.broadcast %jit3A : f32 to vector<1024x16xf32>
    %select_n3A = arith.select %lt3A_25, %add3A_23, %broadcast_in_dim3A : vector<1024x16xi1>, vector<1024x16xf32>
    %reduce_max3A = arith.constant dense<0xFF800000> : vector<1024xf32>
    %reduce_max3A_26 = vector.multi_reduction <maximumf>, %select_n3A, %reduce_max3A [1] : vector<1024x16xf32> to vector<1024xf32>
    %broadcast_in_dim3A_27 = vector.shape_cast %reduce_max3A_26 : vector<1024xf32> to vector<1024x1xf32>
    %lt3A_28 = arith.constant 7 : i32
    %lt3A_29 = vector.broadcast %lt3A_28 : i32 to vector<1024x16xi32>
    %lt3A_30 = arith.cmpi slt, %iota3A, %lt3A_29 : vector<1024x16xi32>
    %sub3A_31 = vector.broadcast %broadcast_in_dim3A_27 : vector<1024x1xf32> to vector<1024x16xf32>
    %sub3A_32 = arith.subf %select_n3A, %sub3A_31 : vector<1024x16xf32>
    %exp3A = math.exp %sub3A_32 : vector<1024x16xf32>
    %jit3A_33 = arith.constant 0.000000e+00 : f32
    %broadcast_in_dim3A_34 = vector.broadcast %jit3A_33 : f32 to vector<1024x16xf32>
    %select_n3A_35 = arith.select %lt3A_30, %exp3A, %broadcast_in_dim3A_34 : vector<1024x16xi1>, vector<1024x16xf32>
    %reduce_sum3A = arith.constant dense<0.000000e+00> : vector<1024xf32>
    %reduce_sum3A_36 = vector.multi_reduction <add>, %select_n3A_35, %reduce_sum3A [1] : vector<1024x16xf32> to vector<1024xf32>
    %broadcast_in_dim3A_37 = vector.shape_cast %reduce_sum3A_36 : vector<1024xf32> to vector<1024x1xf32>
    %log3A = math.log %broadcast_in_dim3A_37 : vector<1024x1xf32>
    %sub3A_38 = vector.broadcast %broadcast_in_dim3A_27 : vector<1024x1xf32> to vector<1024x16xf32>
    %sub3A_39 = arith.subf %select_n3A, %sub3A_38 : vector<1024x16xf32>
    %sub3A_40 = vector.broadcast %log3A : vector<1024x1xf32> to vector<1024x16xf32>
    %sub3A_41 = arith.subf %sub3A_39, %sub3A_40 : vector<1024x16xf32>
    %slice3A = vector.extract_strided_slice %sub3A_41 {offsets = [0, 0], sizes = [1024, 7], strides = [1, 1]} : vector<1024x16xf32> to vector<1024x7xf32>
    %swap3A = arith.constant 0 : index
    %swap3A_42 = arith.constant 0 : index
    %swap3A_43 = vector.load %arg7[%swap3A, %swap3A_42] : memref<1024x7xf32, #tpu.memory_space<vmem>>, vector<1024x7xf32>
    tpu.vector_store %arg7[%swap3A, %swap3A_42], %slice3A {strides = array<i32>} : memref<1024x7xf32, #tpu.memory_space<vmem>>, vector<1024x7xf32>,
    return
  }
  func.func @transform_0(%arg0: i32) -> (i32, i32) {
    %c0_i32 = arith.constant 0 : i32
    %c0_i32_0 = arith.constant 0 : i32
    return %arg0, %c0_i32 : i32, i32
  }
  func.func @transform_1(%arg0: i32) -> (i32, i32) {
    %c0_i32 = arith.constant 0 : i32
    %c0_i32_0 = arith.constant 0 : i32
    return %arg0, %c0_i32 : i32, i32
  }
  func.func @transform_2(%arg0: i32) -> (i32, i32) {
    %c0_i32 = arith.constant 0 : i32
    %c0_i32_0 = arith.constant 0 : i32
    return %arg0, %c0_i32 : i32, i32
  }
  func.func @transform_3(%arg0: i32) -> (i32, i32) {
    %c0_i32 = arith.constant 0 : i32
    %c0_i32_0 = arith.constant 0 : i32
    return %arg0, %c0_i32 : i32, i32
  }
  func.func @transform_4(%arg0: i32) -> (i32, i32) {
    %c0_i32 = arith.constant 0 : i32
    %c0_i32_0 = arith.constant 0 : i32
    return %arg0, %c0_i32 : i32, i32
  }
  func.func @transform_5(%arg0: i32) -> (i32, i32) {
    %c0_i32 = arith.constant 0 : i32
    %c0_i32_0 = arith.constant 0 : i32
    %c0_i32_1 = arith.constant 0 : i32
    return %c0_i32, %c0_i32_0 : i32, i32
  }
  func.func @transform_6(%arg0: i32) -> (i32, i32) {
    %c0_i32 = arith.constant 0 : i32
    %c0_i32_0 = arith.constant 0 : i32
    return %arg0, %c0_i32 : i32, i32
  }
}

</mosaic_0001>

<sc_bundles>
// kernel: kernel.7.cloned.1.call-start
scs
__scs_entry_jumppad:
0x0: {  	(pc) =	sbr.rel $0x88, $3  }
0x1: {  	(tag) =	ssettag $0x0;
	lr =	simm.s32 $0x1  }
0x2: {  	[smem:$0x3F9B] =	sst lr;
	_ =	strace $0xD0000000  }
0x3: {  	_ = 	snop  }
0x4: {  	_ = 	snop  }
0x5: {  	_ = 	snop  }
0x6: {  	_ = 	snop  }
0x7: {  	_ = 	snop  }
__scs_overlays_trampoline_lowered:
0x8: {  	[smem:$0x3FAA] =	sst s0  }
0x9: {  	[smem:$0x3FAB] =	sst s1  }
0xa: {  	[smem:$0x3FAC] =	sst s2  }
0xb: {  	[smem:$0x3FAD] =	sst s3  }
0xc: {  	[smem:$0x3FAE] =	sst s4  }
0xd: {  	[smem:$0x3FAF] =	sst s5  }
0xe: {  	[smem:$0x3FB0] =	sst s6  }
0xf: {  	[smem:$0x3FB1] =	sst s7  }
0x10: {  	[smem:$0x3FB2] =	sst s8  }
0x11: {  	[smem:$0x3FB3] =	sst s9;
	s0 =	simm.s32 @!p0 $0x0  }
0x12: {  	s1 =	sld [smem:$0x3F99];
	s0 =	simm.s32 @p0 $0x1  }
0x13: {  	[smem:$0x3FB4] =	sst s0;
	s0 =	simm.s32 @!p1 $0x0  }
0x14: {  	s2 =	sld [smem:$0x3F98];
	s0 =	simm.s32 @p1 $0x1  }
0x15: {  	[smem:$0x3FB5] =	sst s0;
	s0 =	simm.s32 @!p2 $0x0  }
0x16: {  	s3 =	sld [smem:$0x3FDB];
	s0 =	simm.s32 @p2 $0x1  }
0x17: {  	s4 =	simm.s32 $0x1BF5;
	[smem:$0x3FB7] =	sst s0  }
0x18: {  	s0 =	sld [smem:$0x3F9A];
	_ =	swait.ge [sflag:s4], $0x0  }
0x19: {  	s7 =	sld [smem:$0x3F9B]  }
0x1a: {  	s8 =	sadd.s32 $0xFFFFE003, lr  }
0x1b: {  	s9 =	sadd.s32 $0xFFFFFEF7, lr;
	s5 =	simm.s32 $0xFFFFFFFF;
	p2 =	slt.u32 s8, $0xFFFFF086  }
0x1c: {  	p1 =	slt.u32 s9, $0xF7A;
	s5 =	simm.s32 @!p2 $0x0  }
0x1d: {  	s5 =	simm.s32 @p1 $0x1;
	p0 =	seq.s32 s7, s2  }
0x1e: {  	s7 =	smul.u32 @!p0 $0xF7A, s2;
	p2 =	seq.s32 @!p0 s5, $0x0  }
0x1f: {  	s9 =	smul.u32 $0xF7A, s1;
	s8 =	simm.s32 @!p0 $0x1BF5;
	p2 =	por !p2, p0  }
0x20: {  	[sflag:s8] =	ssyncset.s32 @!p0 $0xFFFFF086;
	s6 =	sadd.s32 @!p0 s3, s7;
	s7 =	simm.s32 @!p0 $0x108  }
0x21: {  	s3 =	sadd.s32 s3, s9;
	s6 =	sadd.s32 @!p0 $0x88, s6;
	s7 =	simm.s32 @p2 $0x1082  }
0x22: {  	[simem:s7], [sflag:s8] =	dma.local @!p0 [hbm:s6], $0xF7A  }
0x23: {  	s9 =	sor.u32 $0xD0000000, s2;
	s6 =	simm.s32 $0x108;
	_ =	swait.ge @!p0 [sflag:s8], $0x0  }
0x24: {  	s3 =	sadd.s32 $0x88, s3;
	s6 =	simm.s32 @!p1 $0x1082;
	[sflag:s4] =	ssyncset.s32 $0xFFFFF086  }
0x25: {  	[simem:s6], [sflag:s4] =	dma.local [hbm:s3], $0xF7A  }
0x26: {  	[smem:$0x3F9B] =	sst s1;
	(tag) =	ssettag s2;
	_ =	strace s9  }
0x27: {  	s1 =	sld [smem:$0x3FAB]  }
0x28: {  	s2 =	sld [smem:$0x3FAC]  }
0x29: {  	s4 =	sld [smem:$0x3FAE]  }
0x2a: {  	p0 =	seq.s32 s5, $0x0;
	s5 =	sld [smem:$0x3FAF]  }
0x2b: {  	s6 =	sld [smem:$0x3FB0]  }
0x2c: {  	s7 =	sld [smem:$0x3FB1]  }
0x2d: {  	s3 =	simm.s32 $0x108;
	s8 =	sld [smem:$0x3FB2]  }
0x2e: {  	s3 =	simm.s32 @!p0 $0x1082;
	s9 =	sld [smem:$0x3FB3]  }
0x2f: {  	lr =	sadd.s32 s0, s3;
	s0 =	sld [smem:$0x3FAA]  }
0x30: {  	s3 =	sld [smem:$0x3FAD]  }
0x31: {  	[smem:$0x3FB6] =	sst s10  }
0x32: {  	s10 =	sld [smem:$0x3FB4];
	_ =	sdelay $0x3  }
0x33: {  	p0 =	seq.s32 s10, $0x1;
	s10 =	sld [smem:$0x3FB6];
	_ =	sdelay $0x3  }
0x34: {  	[smem:$0x3FB6] =	sst s10  }
0x35: {  	s10 =	sld [smem:$0x3FB5];
	_ =	sdelay $0x3  }
0x36: {  	p1 =	seq.s32 s10, $0x1;
	s10 =	sld [smem:$0x3FB6];
	_ =	sdelay $0x3  }
0x37: {  	[smem:$0x3FB6] =	sst s10  }
0x38: {  	s10 =	sld [smem:$0x3FB7]  }
0x39: {  	_ = 	snop;
	(pc) =	sbr.ind lr, $3  }
0x3a: {  	_ = 	snop  }
0x3b: {  	_ = 	snop  }
0x3c: {  	p2 =	seq.s32 s10, $0x1;
	s10 =	sld [smem:$0x3FB6]  }
0x3d: {  	_ =	shalt  }
0x3e: {  	_ =	shalt  }
0x3f: {  	_ =	shalt  }
0x40: {  	_ =	shalt  }
0x41: {  	_ =	shalt  }
0x42: {  	_ =	shalt  }
0x43: {  	_ =	shalt  }
0x44: {  	_ =	shalt  }
0x45: {  	_ =	shalt  }
0x46: {  	_ =	shalt  }
0x47: {  	_ =	shalt  }
0x48: {  	_ =	shalt  }
0x49: {  	_ =	shalt  }
0x4a: {  	_ =	shalt  }
0x4b: {  	_ =	shalt  }
0x4c: {  	_ =	shalt  }
0x4d: {  	_ =	shalt  }
0x4e: {  	_ =	shalt  }
0x4f: {  	_ =	shalt  }
0x50: {  	_ =	shalt  }
0x51: {  	_ =	shalt  }
0x52: {  	_ =	shalt  }
0x53: {  	_ =	shalt  }
0x54: {  	_ =	shalt  }
0x55: {  	_ =	shalt  }
0x56: {  	_ =	shalt  }
0x57: {  	_ =	shalt  }
0x58: {  	_ =	shalt  }
0x59: {  	_ =	shalt  }
0x5a: {  	_ =	shalt  }
0x5b: {  	_ =	shalt  }
0x5c: {  	_ =	shalt  }
0x5d: {  	_ =	shalt  }
0x5e: {  	_ =	shalt  }
0x5f: {  	_ =	shalt  }
0x60: {  	_ =	shalt  }
0x61: {  	_ =	shalt  }
0x62: {  	_ =	shalt  }
0x63: {  	_ =	shalt  }
0x64: {  	_ =	shalt  }
0x65: {  	_ =	shalt  }
0x66: {  	_ =	shalt  }
0x67: {  	_ =	shalt  }
0x68: {  	_ =	shalt  }
0x69: {  	_ =	shalt  }
0x6a: {  	_ =	shalt  }
0x6b: {  	_ =	shalt  }
0x6c: {  	_ =	shalt  }
0x6d: {  	_ =	shalt  }
0x6e: {  	_ =	shalt  }
0x6f: {  	_ =	shalt  }
0x70: {  	_ =	shalt  }
0x71: {  	_ =	shalt  }
0x72: {  	_ =	shalt  }
0x73: {  	_ =	shalt  }
0x74: {  	_ =	shalt  }
0x75: {  	_ =	shalt  }
0x76: {  	_ =	shalt  }
0x77: {  	_ =	shalt  }
0x78: {  	_ =	shalt  }
0x79: {  	_ =	shalt  }
0x7a: {  	_ =	shalt  }
0x7b: {  	_ =	shalt  }
0x7c: {  	_ =	shalt  }
0x7d: {  	_ =	shalt  }
0x7e: {  	_ =	shalt  }
0x7f: {  	_ =	shalt  }
0x80: {  	_ =	shalt  }
0x81: {  	_ =	shalt  }
0x82: {  	_ =	shalt  }
0x83: {  	_ =	shalt  }
0x84: {  	_ =	shalt  }
0x85: {  	_ =	shalt  }
0x86: {  	_ =	shalt  }
0x87: {  	_ =	shalt  }
.Lfunc_end0:
.L_simem_size_0:
called_computation.2_lowered:
.L_overlay_start_0:
0x88: {  	s2 =	sld [smem:$0x3FD9]  }
0x89: {  	s3 =	sld [smem:$0x3FFE];
	_ =	sdelay $0x1  }
0x8a: {  	s1 =	srdreg.scid  }
0x8b: {  	s0 =	sand.u32 $0x1, s1  }
0x8c: {  	s17 =	sshll.u32 s0, $0xA;
	s2 =	sadd.s32 s3, s2  }
0x8d: {  	s2 =	sadd.s32 s2, s17  }
0x8e: {  	[smem:$0x3FC2] =	sst s2  }
0x8f: {  	_ = 	snop  }
0x90: {  	s2 =	sld [smem:$0x3FD0];
	(tm) =	ssettm $0x1  }
0x91: {  	s18 =	sld [smem:$0x3FFB];
	_ =	sdelay $0x3  }
0x92: {  	_ =	strace s18  }
0x93: {  	s3 =	sld [smem:$0x3FFC];
	_ =	sdelay $0x3  }
0x94: {  	_ =	strace s3  }
0x95: {  	s3 =	sld [smem:$0x3FFD];
	_ =	sdelay $0x3  }
0x96: {  	_ =	strace s3  }
0x97: {  	_ =	strace $0x8FFFFFFF  }
0x98: {  	s19 =	sld [smem:$0x3FDB];
	_ =	sdelay $0x1  }
0x99: {  	s4 =	simm.s32 $_scs_section_size  }
0x9a: {  	s5 =	simm.s32 $_size__tile_overlayer_lowered;
	s6 =	simm.s32 $_tile_overlayer_lowered  }
0x9b: {  	s22 =	simm.s32 $0x1BFF;
	s21 =	sshll.u32 s6, $0x1;
	s3 =	sadd.s32 s4, s19  }
0x9c: {  	s7 =	simm.s32 $0x0;
	s20 =	sshll.u32 s5, $0x1;
	s5 =	sadd.s32 s21, s3  }
0x9d: {  	[timem:s7], [sflag:s22] =	dma.local [hbm:s5], s20  }
0x9e: {  	_ =	swait.ge [sflag:s22], s20  }
0x9f: {  	s4 =	ssub.s32 $0x0, s20;
	[sflag:s22] =	ssyncset.done $0x0  }
0xa0: {  	[sflag:s22] =	ssyncadd.s32 s4;
	_ =	sdelay $0x1  }
0xa1: {  	s23 =	simm.s32 $0x1B8B  }
0xa2: {  	_ =	swait.ge [sflag:s23], $0x1  }
0xa3: {  	[sflag:s23] =	ssyncset.done $0x0  }
0xa4: {  	s25 =	simm.s32 $0x1B8E;
	s24 =	sld [smem:$0x3FFE];
	[sflag:s23] =	ssyncadd.s32 $0xFFFFFFFF  }
0xa5: {  	s26 =	simm.s32 $execute0_lowered;
	[smem:$0x3FD2] =	sst s25  }
0xa6: {  	s5 =	sshll.u32 s26, $0x1;
	_ =	strace $0x80000046;
	[dreg:$0x1] =	wrdreg $0xFFFFFFFF  }
0xa7: {  	s28 =	simm.s32 $_size_execute0_lowered;
	s3 =	sadd.s32 s3, s5;
	[dreg:$0x0] =	wrdreg $0x0  }
0xa8: {  	s5 =	sshll.u32 s28, $0x1;
	[dreg:$0x2] =	wrdreg s3  }
0xa9: {  	[dreg:$0x3] =	wrdreg s5  }
0xaa: {  	[dreg:$0x4] =	wrdreg $0xC0  }
0xab: {  	_ =	task [dreg:s7], $0x5FFFF  }
0xac: {  	[dreg:$0x1] =	wrdreg $0xFFFFFFFF  }
0xad: {  	[dreg:$0x0] =	wrdreg $0x60  }
0xae: {  	[dreg:$0x2] =	wrdreg s24  }
0xaf: {  	[dreg:$0x3] =	wrdreg s2  }
0xb0: {  	[dreg:$0x4] =	wrdreg $0x0  }
0xb1: {  	[dreg:$0x5] =	wrdreg $0x9  }
0xb2: {  	_ =	task.clear_ibuf [dreg:s7], $0x6FFFF;
	_ =	strace $0x90000046  }
0xb3: {  	s29 =	simm.s32 $0x9;
	_ =	strace $0x80000048  }
0xb4: {  	_ =	swait.ge [sflag:s29], $0x1  }
0xb5: {  	[sflag:s29] =	ssyncadd.s32 $0xFFFFFFFF  }
0xb6: {  	_ =	strace $0x90000048  }
0xb7: {  	_ =	sfence  }
0xb8: {  	s30 =	sld [smem:$0x0];
	_ =	sdelay $0x2  }
0xb9: {  	s31 =	sshll.u32 s1, $0xD;
	s1 =	sshrl.u32 s1, $0x2  }
0xba: {  	s3 =	sand.u32 $0x4000, s31;
	s1 =	sadd.s32 s1, s30  }
0xbb: {  	s0 =	sor.u32 s3, s0;
	s1 =	sshll.u32 s1, $0x11  }
0xbc: {  	s0 =	sor.u32 s1, s0  }
0xbd: {  	s0 =	sadd.s32 $0x8F2B, s0  }
0xbe: {  	[sflag:s0] =	ssyncadd.remote.s32 $0x1  }
0xbf: {  	_ =	sfence.sel $0xFFFF  }
0xc0: {  	[dreg:$0x0] =	wrdreg $0xFFFFFFFF;
	(pc) =	sbr.abs _section_cstart, $3  }
0xc1: {  	[dreg:$0x1] =	wrdreg $0xFFFFFFFF  }
0xc2: {  	_ =	task.clear_ibuf [dreg:s7], $0x2FFFF;
	_ =	strace $0x9FFFFFFF  }
0xc3: {  	(tm) =	ssettm $0x7FFFFFFF  }
tec
execute0_lowered:
.L_overlay_start_1:
0x0: {  	(tag) =	ssettag $0x1  }
0x1: {  	s8 =	rddreg [dreg:$0x0]  }
0x2: {  	s6 =	rddreg [dreg:$0x1]  }
0x3: {  	s2 =	rddreg [dreg:$0x2]  }
0x4: {  	s0 =	rddreg [dreg:$0x3];
	s1 =	stileid.u32  }
0x5: {  	s4 =	srdreg.scid;
	s3 =	simm.s32 $0x0;
	s13 =	simm.s32 $0x1040  }
0x6: {  	s14 =	simm.s32 $0xCC0;
	s15 =	simm.s32 $0xD40;
	s16 =	simm.s32 $0xDC0  }
0x7: {  	s17 =	simm.s32 $0xE40;
	s18 =	simm.s32 $0xEC0;
	s19 =	simm.s32 $0xF40  }
0x8: {  	s20 =	simm.s32 $0xFC0;
	s21 =	simm.s32 $0x0;
	s5 =	smul.u32 $0xC40, s1  }
0x9: {  	s4 =	sand.u32 $0x1, s4;
	[smem:$0x7FF] =	sst s3;
	s12 =	smul.u32 $0x6400, s1  }
0xa: {  	s7 =	smul.u32 $0xC400, s4;
	_ =	strace $0x80000047;
	s9 =	ssub.s32 $0x2, s4  }
0xb: {  	s10 =	smul.u32 $0x64000, s4;
	s31 =	sshrl.u32 s5, $0x3;
	s11 =	sshrl.u32 s9, $0x1  }
0xc: {  	s4 =	sadd.s32 s31, s8;
	s9 =	ssub.s32 s9, s11;
	s7 =	sadd.s32 s5, s7  }
0xd: {  	s10 =	sadd.s32 s12, s10;
	s5 =	sadd.s32 s5, s2;
	s11 =	simm.s32 $0xC40  }
0xe: {  	s12 =	simm.s32 $0x80;
	s4 =	sadd.s32 $0x19000, s4;
	s7 =	sshrl.u32 s7, $0x3  }
0xf: {  	s10 =	sshrl.u32 s10, $0x3;
	s6 =	sadd.s32 s6, s7;
	s7 =	smax.u32 s9, $0x1  }
0x10: {  	v0 =	vimm.f32 $1.000000000e+00;
	s8 =	sadd.s32 s10, s8;
	s9 =	simm.s32 $0x10C0;
	s10 =	simm.s32 $0x1  }
.LBB2_1:
0x11: {  	[tilespmem:s9], [sflag:$0x1] =	stream.linear.gather [hbm4b:s4+s3], $0xC40, $0x38;
	[tilespmem:$0x1D40] =	vst v63  }
0x12: {  	_ =	swait.ge [sflag:s10], $0xC40  }
0x13: {  	[sflag:s10] =	ssyncset.done $0x0  }
0x14: {  	[sflag:s10] =	ssyncadd.s32 $0xFFFFF3C0  }
0x15: {  	[spmem:s5] =	stream.linear.scatter [tilespmem:s9], [sflag:$0x1], $0xC40, $0x38;
	[tilespmem:$0x1D40] =	vst v63  }
0x16: {  	_ =	swait.ge [sflag:s10], $0xC40  }
0x17: {  	[sflag:s10] =	ssyncset.done $0x0  }
0x18: {  	[sflag:s10] =	ssyncadd.s32 $0xFFFFF3C0  }
0x19: {  	[tilespmem:$0x1040] =	vst v0  }
0x1a: {  	[tilespmem:$0x1050] =	vst v0  }
0x1b: {  	[tilespmem:$0x1060] =	vst v0  }
0x1c: {  	[tilespmem:$0x1070] =	vst v0  }
0x1d: {  	[tilespmem:$0x1080] =	vst v0  }
0x1e: {  	[tilespmem:$0x1090] =	vst v0  }
0x1f: {  	[tilespmem:$0x10A0] =	vst v0  }
0x20: {  	[tilespmem:$0x10B0] =	vst v0  }
0x21: {  	s22 =	sadd.s32 $0x0, s8;
	[bflag:$0x0] =	sbarrier.arrive $0xFFFF  }
0x22: {  	[tilespmem:s11], [sflag:$0x1] =	stream.linear.gather [hbm4b:s22+s3], $0x400, $0x38;
	[tilespmem:$0x1D40] =	vst v63  }
0x23: {  	_ =	swait.ge [sflag:s10], $0x400  }
0x24: {  	[sflag:s10] =	ssyncset.done $0x0  }
0x25: {  	[sflag:s10] =	ssyncadd.s32 $0xFFFFFC00  }
0x26: {  	[spmem:s2] =	stream.indirect.scatter.add.f32 [tilespmem:s13], [sflag:$0x1], $0x1, s11, s12, $0xb8;
	[tilespmem:$0x1D40] =	vst v63  }
0x27: {  	_ =	swait.ge [sflag:s10], $0x80  }
0x28: {  	[sflag:s10] =	ssyncset.done $0x0  }
0x29: {  	[sflag:s10] =	ssyncadd.s32 $0xFFFFFF80  }
0x2a: {  	[spmem:s2] =	stream.indirect.scatter.add.f32 [tilespmem:s13], [sflag:$0x1], $0x1, s14, s12, $0xb8;
	[tilespmem:$0x1D40] =	vst v63  }
0x2b: {  	_ =	swait.ge [sflag:s10], $0x80  }
0x2c: {  	[sflag:s10] =	ssyncset.done $0x0  }
0x2d: {  	[sflag:s10] =	ssyncadd.s32 $0xFFFFFF80  }
0x2e: {  	[spmem:s2] =	stream.indirect.scatter.add.f32 [tilespmem:s13], [sflag:$0x1], $0x1, s15, s12, $0xb8;
	[tilespmem:$0x1D40] =	vst v63  }
0x2f: {  	_ =	swait.ge [sflag:s10], $0x80  }
0x30: {  	[sflag:s10] =	ssyncset.done $0x0  }
0x31: {  	[sflag:s10] =	ssyncadd.s32 $0xFFFFFF80  }
0x32: {  	[spmem:s2] =	stream.indirect.scatter.add.f32 [tilespmem:s13], [sflag:$0x1], $0x1, s16, s12, $0xb8;
	[tilespmem:$0x1D40] =	vst v63  }
0x33: {  	_ =	swait.ge [sflag:s10], $0x80  }
0x34: {  	[sflag:s10] =	ssyncset.done $0x0  }
0x35: {  	[sflag:s10] =	ssyncadd.s32 $0xFFFFFF80  }
0x36: {  	[spmem:s2] =	stream.indirect.scatter.add.f32 [tilespmem:s13], [sflag:$0x1], $0x1, s17, s12, $0xb8;
	[tilespmem:$0x1D40] =	vst v63  }
0x37: {  	_ =	swait.ge [sflag:s10], $0x80  }
0x38: {  	[sflag:s10] =	ssyncset.done $0x0  }
0x39: {  	[sflag:s10] =	ssyncadd.s32 $0xFFFFFF80  }
0x3a: {  	[spmem:s2] =	stream.indirect.scatter.add.f32 [tilespmem:s13], [sflag:$0x1], $0x1, s18, s12, $0xb8;
	[tilespmem:$0x1D40] =	vst v63  }
0x3b: {  	_ =	swait.ge [sflag:s10], $0x80  }
0x3c: {  	[sflag:s10] =	ssyncset.done $0x0  }
0x3d: {  	[sflag:s10] =	ssyncadd.s32 $0xFFFFFF80  }
0x3e: {  	[spmem:s2] =	stream.indirect.scatter.add.f32 [tilespmem:s13], [sflag:$0x1], $0x1, s19, s12, $0xb8;
	[tilespmem:$0x1D40] =	vst v63  }
0x3f: {  	_ =	swait.ge [sflag:s10], $0x80  }
0x40: {  	[sflag:s10] =	ssyncset.done $0x0  }
0x41: {  	[sflag:s10] =	ssyncadd.s32 $0xFFFFFF80  }
0x42: {  	[spmem:s2] =	stream.indirect.scatter.add.f32 [tilespmem:s13], [sflag:$0x1], $0x1, s20, s12, $0xb8;
	[tilespmem:$0x1D40] =	vst v63  }
0x43: {  	_ =	swait.ge [sflag:s10], $0x80  }
0x44: {  	s24 =	simm.s32 $0x100;
	s22 =	simm.s32 $0x80;
	[sflag:s10] =	ssyncset.done $0x0  }
.LBB2_2:
0x45: {  	s25 =	sadd.s32 s22, s8  }
0x46: {  	[sflag:s10] =	ssyncadd.s32 $0xFFFFFF80;
	s22 =	smov.u32 s24;
	s23 =	sadd.s32 $0x80, s24  }
0x47: {  	[tilespmem:s11], [sflag:$0x1] =	stream.linear.gather [hbm4b:s25+s3], $0x400, $0x38;
	[tilespmem:$0x1D40] =	vst v63  }
0x48: {  	p0 =	sne.s32 s24, $0xC00;
	_ =	swait.ge [sflag:s10], $0x400  }
0x49: {  	[sflag:s10] =	ssyncset.done $0x0  }
0x4a: {  	[sflag:s10] =	ssyncadd.s32 $0xFFFFFC00  }
0x4b: {  	[spmem:s2] =	stream.indirect.scatter.add.f32 [tilespmem:s13], [sflag:$0x1], $0x1, s11, s12, $0xb8;
	[tilespmem:$0x1D40] =	vst v63  }
0x4c: {  	_ =	swait.ge [sflag:s10], $0x80  }
0x4d: {  	[sflag:s10] =	ssyncset.done $0x0  }
0x4e: {  	[sflag:s10] =	ssyncadd.s32 $0xFFFFFF80  }
0x4f: {  	[spmem:s2] =	stream.indirect.scatter.add.f32 [tilespmem:s13], [sflag:$0x1], $0x1, s14, s12, $0xb8;
	[tilespmem:$0x1D40] =	vst v63  }
0x50: {  	_ =	swait.ge [sflag:s10], $0x80  }
0x51: {  	[sflag:s10] =	ssyncset.done $0x0  }
0x52: {  	[sflag:s10] =	ssyncadd.s32 $0xFFFFFF80  }
0x53: {  	[spmem:s2] =	stream.indirect.scatter.add.f32 [tilespmem:s13], [sflag:$0x1], $0x1, s15, s12, $0xb8;
	[tilespmem:$0x1D40] =	vst v63  }
0x54: {  	_ =	swait.ge [sflag:s10], $0x80  }
0x55: {  	[sflag:s10] =	ssyncset.done $0x0  }
0x56: {  	[sflag:s10] =	ssyncadd.s32 $0xFFFFFF80  }
0x57: {  	[spmem:s2] =	stream.indirect.scatter.add.f32 [tilespmem:s13], [sflag:$0x1], $0x1, s16, s12, $0xb8;
	[tilespmem:$0x1D40] =	vst v63  }
0x58: {  	_ =	swait.ge [sflag:s10], $0x80  }
0x59: {  	[sflag:s10] =	ssyncset.done $0x0  }
0x5a: {  	[sflag:s10] =	ssyncadd.s32 $0xFFFFFF80  }
0x5b: {  	[spmem:s2] =	stream.indirect.scatter.add.f32 [tilespmem:s13], [sflag:$0x1], $0x1, s17, s12, $0xb8;
	[tilespmem:$0x1D40] =	vst v63  }
0x5c: {  	_ =	swait.ge [sflag:s10], $0x80  }
0x5d: {  	[sflag:s10] =	ssyncset.done $0x0  }
0x5e: {  	[sflag:s10] =	ssyncadd.s32 $0xFFFFFF80  }
0x5f: {  	[spmem:s2] =	stream.indirect.scatter.add.f32 [tilespmem:s13], [sflag:$0x1], $0x1, s18, s12, $0xb8;
	[tilespmem:$0x1D40] =	vst v63  }
0x60: {  	_ =	swait.ge [sflag:s10], $0x80  }
0x61: {  	[sflag:s10] =	ssyncset.done $0x0  }
0x62: {  	[sflag:s10] =	ssyncadd.s32 $0xFFFFFF80  }
0x63: {  	[spmem:s2] =	stream.indirect.scatter.add.f32 [tilespmem:s13], [sflag:$0x1], $0x1, s19, s12, $0xb8;
	[tilespmem:$0x1D40] =	vst v63  }
0x64: {  	_ =	swait.ge [sflag:s10], $0x80  }
.Ltmp0:
0x65: {  	[sflag:s10] =	ssyncset.done $0x0;
	(pc) =	sbr.rel @p0 .LBB2_2-.Ltmp0, $4  }
0x66: {  	[sflag:s10] =	ssyncadd.s32 $0xFFFFFF80  }
0x67: {  	[spmem:s2] =	stream.indirect.scatter.add.f32 [tilespmem:s13], [sflag:$0x1], $0x1, s20, s12, $0xb8;
	[tilespmem:$0x1D40] =	vst v63  }
0x68: {  	_ =	swait.ge [sflag:s10], $0x80  }
0x69: {  	s24 =	smov.u32 s23;
	[sflag:s10] =	ssyncset.done $0x0  }
0x6a: {  	s22 =	sadd.s32 s22, s8;
	[sflag:s10] =	ssyncadd.s32 $0xFFFFFF80  }
0x6b: {  	[tilespmem:s11], [sflag:$0x1] =	stream.linear.gather [hbm4b:s22+s3], $0x400, $0x38;
	[tilespmem:$0x1D40] =	vst v63  }
0x6c: {  	_ =	swait.ge [sflag:s10], $0x400  }
0x6d: {  	[sflag:s10] =	ssyncset.done $0x0  }
0x6e: {  	[sflag:s10] =	ssyncadd.s32 $0xFFFFFC00  }
0x6f: {  	[spmem:s2] =	stream.indirect.scatter.add.f32 [tilespmem:s13], [sflag:$0x1], $0x1, s11, s12, $0xb8;
	[tilespmem:$0x1D40] =	vst v63  }
0x70: {  	_ =	swait.ge [sflag:s10], $0x80  }
0x71: {  	[sflag:s10] =	ssyncset.done $0x0  }
0x72: {  	[sflag:s10] =	ssyncadd.s32 $0xFFFFFF80  }
0x73: {  	[spmem:s2] =	stream.indirect.scatter.add.f32 [tilespmem:s13], [sflag:$0x1], $0x1, s14, s12, $0xb8;
	[tilespmem:$0x1D40] =	vst v63  }
0x74: {  	_ =	swait.ge [sflag:s10], $0x80  }
0x75: {  	[sflag:s10] =	ssyncset.done $0x0  }
0x76: {  	[sflag:s10] =	ssyncadd.s32 $0xFFFFFF80  }
0x77: {  	[spmem:s2] =	stream.indirect.scatter.add.f32 [tilespmem:s13], [sflag:$0x1], $0x1, s15, s12, $0xb8;
	[tilespmem:$0x1D40] =	vst v63  }
0x78: {  	_ =	swait.ge [sflag:s10], $0x80  }
0x79: {  	[sflag:s10] =	ssyncset.done $0x0  }
0x7a: {  	[sflag:s10] =	ssyncadd.s32 $0xFFFFFF80  }
0x7b: {  	[spmem:s2] =	stream.indirect.scatter.add.f32 [tilespmem:s13], [sflag:$0x1], $0x1, s16, s12, $0xb8;
	[tilespmem:$0x1D40] =	vst v63  }
0x7c: {  	_ =	swait.ge [sflag:s10], $0x80  }
0x7d: {  	[sflag:s10] =	ssyncset.done $0x0  }
0x7e: {  	[sflag:s10] =	ssyncadd.s32 $0xFFFFFF80  }
0x7f: {  	[spmem:s2] =	stream.indirect.scatter.add.f32 [tilespmem:s13], [sflag:$0x1], $0x1, s17, s12, $0xb8;
	[tilespmem:$0x1D40] =	vst v63  }
0x80: {  	_ =	swait.ge [sflag:s10], $0x80  }
0x81: {  	[sflag:s10] =	ssyncset.done $0x0  }
0x82: {  	[sflag:s10] =	ssyncadd.s32 $0xFFFFFF80  }
0x83: {  	[spmem:s2] =	stream.indirect.scatter.add.f32 [tilespmem:s13], [sflag:$0x1], $0x1, s18, s12, $0xb8;
	[tilespmem:$0x1D40] =	vst v63  }
0x84: {  	_ =	swait.ge [sflag:s10], $0x80  }
0x85: {  	[sflag:s10] =	ssyncset.done $0x0  }
0x86: {  	[sflag:s10] =	ssyncadd.s32 $0xFFFFFF80  }
0x87: {  	[spmem:s2] =	stream.indirect.scatter.add.f32 [tilespmem:s13], [sflag:$0x1], $0x1, s19, s12, $0xb8;
	[tilespmem:$0x1D40] =	vst v63  }
0x88: {  	_ =	swait.ge [sflag:s10], $0x80  }
0x89: {  	[sflag:s10] =	ssyncset.done $0x0  }
0x8a: {  	[sflag:s10] =	ssyncadd.s32 $0xFFFFFF80  }
0x8b: {  	[spmem:s2] =	stream.indirect.scatter.add.f32 [tilespmem:s13], [sflag:$0x1], $0x1, s20, s12, $0xb8;
	[tilespmem:$0x1D40] =	vst v63  }
0x8c: {  	_ =	swait.ge [sflag:s10], $0x80  }
0x8d: {  	[sflag:s10] =	ssyncset.done $0x0  }
0x8e: {  	[sflag:s10] =	ssyncadd.s32 $0xFFFFFF80  }
0x8f: {  	[bflag:$0x0] =	sbarrier.arrive $0xFFFF  }
0x90: {  	[tilespmem:s9], [sflag:$0x1] =	stream.linear.gather [spmem:s5], $0xC40, $0x38;
	[tilespmem:$0x1D40] =	vst v63  }
0x91: {  	s21 =	sadd.s32 $0x1, s21;
	_ =	swait.ge [sflag:s10], $0xC40  }
0x92: {  	p0 =	sne.s32 s21, s7;
	[sflag:s10] =	ssyncset.done $0x0  }
.Ltmp1:
0x93: {  	[sflag:s10] =	ssyncadd.s32 $0xFFFFF3C0;
	(pc) =	sbr.rel @p0 .LBB2_1-.Ltmp1, $4  }
0x94: {  	[hbm4b:s6+s3] =	stream.linear.scatter [tilespmem:s9], [sflag:$0x1], $0xC40, $0x38;
	[tilespmem:$0x1D40] =	vst v63  }
0x95: {  	_ =	swait.ge [sflag:s10], $0xC40  }
0x96: {  	[sflag:s10] =	ssyncset.done $0x0  }
0x97: {  	[sflag:s10] =	ssyncadd.s32 $0xFFFFF3C0  }
0x98: {  	_ =	sfence.sel $0x180000  }
0x99: {  	[bflag:$0x0] =	sbarrier.arrive $0xFFFF  }
0x9a: {  	p0 =	sne.s32 s1, $0x0;
	_ =	strace $0x90000047  }
0x9b: {  	s0 =	sadd.s32 @!p0 $0x100000, s0;
	[bflag:$0x2] =	sbarrier.arrive $0xFFFF  }
0x9c: {  	[sflag:s0] =	ssyncadd.tile.s32 @!p0 $0x1;
	_ =	shalt  }
.Lfunc_end2:
_tile_overlayer_lowered:
.L_overlay_start_2:
0x9d: {  	(tag) =	ssettag $0x2  }
0x9e: {  	s0 =	rddreg [dreg:$0x0];
	s2 =	stileid.u32  }
0x9f: {  	s1 =	rddreg [dreg:$0x1];
	p0 =	sne.s32 s2, $0x0  }
0xa0: {  	s3 =	rddreg [dreg:$0x2];
	[bflag:$0x3] =	sbarrier.arrive $0xFFFF;
	s2 =	simm.s32 @!p0 $0x1C01  }
0xa1: {  	[timem:s3], [sflag:s2] =	dma.local @!p0 [hbm:s0], s1  }
0xa2: {  	s0 =	simm.s32 @!p0 $0x1  }
0xa3: {  	_ =	swait.ge @!p0 [sflag:s0], s1  }
0xa4: {  	s1 =	ssub.s32 @!p0 $0x0, s1;
	[sflag:s0] =	ssyncset.done @!p0 $0x0  }
0xa5: {  	[sflag:s0] =	ssyncadd.s32 @!p0 s1  }
0xa6: {  	[bflag:$0x3] =	sbarrier.arrive $0xFFFF  }
0xa7: {  	_ =	shalt  }

// kernel: scatter_offload_async_start.1
scs
__scs_entry_jumppad:
0x0: {  	(pc) =	sbr.rel $0x88, $3  }
0x1: {  	(tag) =	ssettag $0x0;
	lr =	simm.s32 $0x1  }
0x2: {  	[smem:$0x3F9B] =	sst lr;
	_ =	strace $0xD0000000  }
0x3: {  	_ = 	snop  }
0x4: {  	_ = 	snop  }
0x5: {  	_ = 	snop  }
0x6: {  	_ = 	snop  }
0x7: {  	_ = 	snop  }
__scs_overlays_trampoline_lowered:
0x8: {  	[smem:$0x3FAA] =	sst s0  }
0x9: {  	[smem:$0x3FAB] =	sst s1  }
0xa: {  	[smem:$0x3FAC] =	sst s2  }
0xb: {  	[smem:$0x3FAD] =	sst s3  }
0xc: {  	[smem:$0x3FAE] =	sst s4  }
0xd: {  	[smem:$0x3FAF] =	sst s5  }
0xe: {  	[smem:$0x3FB0] =	sst s6  }
0xf: {  	[smem:$0x3FB1] =	sst s7  }
0x10: {  	[smem:$0x3FB2] =	sst s8  }
0x11: {  	[smem:$0x3FB3] =	sst s9;
	s0 =	simm.s32 @!p0 $0x0  }
0x12: {  	s1 =	sld [smem:$0x3F99];
	s0 =	simm.s32 @p0 $0x1  }
0x13: {  	[smem:$0x3FB4] =	sst s0;
	s0 =	simm.s32 @!p1 $0x0  }
0x14: {  	s2 =	sld [smem:$0x3F98];
	s0 =	simm.s32 @p1 $0x1  }
0x15: {  	[smem:$0x3FB5] =	sst s0;
	s0 =	simm.s32 @!p2 $0x0  }
0x16: {  	s3 =	sld [smem:$0x3FDB];
	s0 =	simm.s32 @p2 $0x1  }
0x17: {  	s4 =	simm.s32 $0x1BF5;
	[smem:$0x3FB7] =	sst s0  }
0x18: {  	s0 =	sld [smem:$0x3F9A];
	_ =	swait.ge [sflag:s4], $0x0  }
0x19: {  	s7 =	sld [smem:$0x3F9B]  }
0x1a: {  	s8 =	sadd.s32 $0xFFFFE003, lr  }
0x1b: {  	s9 =	sadd.s32 $0xFFFFFEF7, lr;
	s5 =	simm.s32 $0xFFFFFFFF;
	p2 =	slt.u32 s8, $0xFFFFF086  }
0x1c: {  	p1 =	slt.u32 s9, $0xF7A;
	s5 =	simm.s32 @!p2 $0x0  }
0x1d: {  	s5 =	simm.s32 @p1 $0x1;
	p0 =	seq.s32 s7, s2  }
0x1e: {  	s7 =	smul.u32 @!p0 $0xF7A, s2;
	p2 =	seq.s32 @!p0 s5, $0x0  }
0x1f: {  	s9 =	smul.u32 $0xF7A, s1;
	s8 =	simm.s32 @!p0 $0x1BF5;
	p2 =	por !p2, p0  }
0x20: {  	[sflag:s8] =	ssyncset.s32 @!p0 $0xFFFFF086;
	s6 =	sadd.s32 @!p0 s3, s7;
	s7 =	simm.s32 @!p0 $0x108  }
0x21: {  	s3 =	sadd.s32 s3, s9;
	s6 =	sadd.s32 @!p0 $0x88, s6;
	s7 =	simm.s32 @p2 $0x1082  }
0x22: {  	[simem:s7], [sflag:s8] =	dma.local @!p0 [hbm:s6], $0xF7A  }
0x23: {  	s9 =	sor.u32 $0xD0000000, s2;
	s6 =	simm.s32 $0x108;
	_ =	swait.ge @!p0 [sflag:s8], $0x0  }
0x24: {  	s3 =	sadd.s32 $0x88, s3;
	s6 =	simm.s32 @!p1 $0x1082;
	[sflag:s4] =	ssyncset.s32 $0xFFFFF086  }
0x25: {  	[simem:s6], [sflag:s4] =	dma.local [hbm:s3], $0xF7A  }
0x26: {  	[smem:$0x3F9B] =	sst s1;
	(tag) =	ssettag s2;
	_ =	strace s9  }
0x27: {  	s1 =	sld [smem:$0x3FAB]  }
0x28: {  	s2 =	sld [smem:$0x3FAC]  }
0x29: {  	s4 =	sld [smem:$0x3FAE]  }
0x2a: {  	p0 =	seq.s32 s5, $0x0;
	s5 =	sld [smem:$0x3FAF]  }
0x2b: {  	s6 =	sld [smem:$0x3FB0]  }
0x2c: {  	s7 =	sld [smem:$0x3FB1]  }
0x2d: {  	s3 =	simm.s32 $0x108;
	s8 =	sld [smem:$0x3FB2]  }
0x2e: {  	s3 =	simm.s32 @!p0 $0x1082;
	s9 =	sld [smem:$0x3FB3]  }
0x2f: {  	lr =	sadd.s32 s0, s3;
	s0 =	sld [smem:$0x3FAA]  }
0x30: {  	s3 =	sld [smem:$0x3FAD]  }
0x31: {  	[smem:$0x3FB6] =	sst s10  }
0x32: {  	s10 =	sld [smem:$0x3FB4];
	_ =	sdelay $0x3  }
0x33: {  	p0 =	seq.s32 s10, $0x1;
	s10 =	sld [smem:$0x3FB6];
	_ =	sdelay $0x3  }
0x34: {  	[smem:$0x3FB6] =	sst s10  }
0x35: {  	s10 =	sld [smem:$0x3FB5];
	_ =	sdelay $0x3  }
0x36: {  	p1 =	seq.s32 s10, $0x1;
	s10 =	sld [smem:$0x3FB6];
	_ =	sdelay $0x3  }
0x37: {  	[smem:$0x3FB6] =	sst s10  }
0x38: {  	s10 =	sld [smem:$0x3FB7]  }
0x39: {  	_ = 	snop;
	(pc) =	sbr.ind lr, $3  }
0x3a: {  	_ = 	snop  }
0x3b: {  	_ = 	snop  }
0x3c: {  	p2 =	seq.s32 s10, $0x1;
	s10 =	sld [smem:$0x3FB6]  }
0x3d: {  	_ =	shalt  }
0x3e: {  	_ =	shalt  }
0x3f: {  	_ =	shalt  }
0x40: {  	_ =	shalt  }
0x41: {  	_ =	shalt  }
0x42: {  	_ =	shalt  }
0x43: {  	_ =	shalt  }
0x44: {  	_ =	shalt  }
0x45: {  	_ =	shalt  }
0x46: {  	_ =	shalt  }
0x47: {  	_ =	shalt  }
0x48: {  	_ =	shalt  }
0x49: {  	_ =	shalt  }
0x4a: {  	_ =	shalt  }
0x4b: {  	_ =	shalt  }
0x4c: {  	_ =	shalt  }
0x4d: {  	_ =	shalt  }
0x4e: {  	_ =	shalt  }
0x4f: {  	_ =	shalt  }
0x50: {  	_ =	shalt  }
0x51: {  	_ =	shalt  }
0x52: {  	_ =	shalt  }
0x53: {  	_ =	shalt  }
0x54: {  	_ =	shalt  }
0x55: {  	_ =	shalt  }
0x56: {  	_ =	shalt  }
0x57: {  	_ =	shalt  }
0x58: {  	_ =	shalt  }
0x59: {  	_ =	shalt  }
0x5a: {  	_ =	shalt  }
0x5b: {  	_ =	shalt  }
0x5c: {  	_ =	shalt  }
0x5d: {  	_ =	shalt  }
0x5e: {  	_ =	shalt  }
0x5f: {  	_ =	shalt  }
0x60: {  	_ =	shalt  }
0x61: {  	_ =	shalt  }
0x62: {  	_ =	shalt  }
0x63: {  	_ =	shalt  }
0x64: {  	_ =	shalt  }
0x65: {  	_ =	shalt  }
0x66: {  	_ =	shalt  }
0x67: {  	_ =	shalt  }
0x68: {  	_ =	shalt  }
0x69: {  	_ =	shalt  }
0x6a: {  	_ =	shalt  }
0x6b: {  	_ =	shalt  }
0x6c: {  	_ =	shalt  }
0x6d: {  	_ =	shalt  }
0x6e: {  	_ =	shalt  }
0x6f: {  	_ =	shalt  }
0x70: {  	_ =	shalt  }
0x71: {  	_ =	shalt  }
0x72: {  	_ =	shalt  }
0x73: {  	_ =	shalt  }
0x74: {  	_ =	shalt  }
0x75: {  	_ =	shalt  }
0x76: {  	_ =	shalt  }
0x77: {  	_ =	shalt  }
0x78: {  	_ =	shalt  }
0x79: {  	_ =	shalt  }
0x7a: {  	_ =	shalt  }
0x7b: {  	_ =	shalt  }
0x7c: {  	_ =	shalt  }
0x7d: {  	_ =	shalt  }
0x7e: {  	_ =	shalt  }
0x7f: {  	_ =	shalt  }
0x80: {  	_ =	shalt  }
0x81: {  	_ =	shalt  }
0x82: {  	_ =	shalt  }
0x83: {  	_ =	shalt  }
0x84: {  	_ =	shalt  }
0x85: {  	_ =	shalt  }
0x86: {  	_ =	shalt  }
0x87: {  	_ =	shalt  }
.Lfunc_end0:
.L_simem_size_0:
called_computation.1_lowered:
.L_overlay_start_0:
0x88: {  	s2 =	sld [smem:$0x3FD9]  }
0x89: {  	s3 =	sld [smem:$0x3FFE];
	_ =	sdelay $0x1  }
0x8a: {  	s1 =	srdreg.scid  }
0x8b: {  	s0 =	sand.u32 $0x1, s1  }
0x8c: {  	s15 =	sshll.u32 s0, $0xA;
	s2 =	sadd.s32 s3, s2  }
0x8d: {  	s2 =	sadd.s32 s2, s15  }
0x8e: {  	[smem:$0x3FC2] =	sst s2  }
0x8f: {  	_ = 	snop  }
0x90: {  	(tm) =	ssettm $0x1  }
0x91: {  	s16 =	sld [smem:$0x3FFB];
	_ =	sdelay $0x3  }
0x92: {  	_ =	strace s16  }
0x93: {  	s2 =	sld [smem:$0x3FFC];
	_ =	sdelay $0x3  }
0x94: {  	_ =	strace s2  }
0x95: {  	s2 =	sld [smem:$0x3FFD];
	_ =	sdelay $0x3  }
0x96: {  	_ =	strace s2  }
0x97: {  	_ =	strace $0x8FFFFFFF  }
0x98: {  	s17 =	sld [smem:$0x3FDB];
	_ =	sdelay $0x1  }
0x99: {  	s18 =	simm.s32 $_scs_section_size  }
0x9a: {  	s4 =	simm.s32 $_size__tile_overlayer_lowered;
	s5 =	simm.s32 $_tile_overlayer_lowered  }
0x9b: {  	s6 =	simm.s32 $0x1BFF;
	s19 =	sshll.u32 s5, $0x1;
	s3 =	sadd.s32 s18, s17  }
0x9c: {  	s20 =	simm.s32 $0x0;
	s4 =	sshll.u32 s4, $0x1;
	s5 =	sadd.s32 s19, s3  }
0x9d: {  	[timem:s20], [sflag:s6] =	dma.local [hbm:s5], s4  }
0x9e: {  	_ =	swait.ge [sflag:s6], s4  }
0x9f: {  	s4 =	ssub.s32 $0x0, s4;
	[sflag:s6] =	ssyncset.done $0x0  }
0xa0: {  	[sflag:s6] =	ssyncadd.s32 s4;
	_ =	sdelay $0x1  }
0xa1: {  	s21 =	simm.s32 $0x1B8B  }
0xa2: {  	_ =	swait.ge [sflag:s21], $0x1  }
0xa3: {  	[sflag:s21] =	ssyncset.done $0x0  }
0xa4: {  	s22 =	sld [smem:$0x3FFE];
	[sflag:s21] =	ssyncadd.s32 $0xFFFFFFFF  }
0xa5: {  	s24 =	simm.s32 $0x1B8E;
	s23 =	sld [smem:$0x0]  }
0xa6: {  	s25 =	simm.s32 $execute0_lowered;
	[smem:$0x3FD2] =	sst s24  }
0xa7: {  	s6 =	sshll.u32 s25, $0x1;
	_ =	strace $0x8000004F;
	[dreg:$0x1] =	wrdreg $0xFFFFFFFF  }
0xa8: {  	s7 =	simm.s32 $_size_execute0_lowered;
	s6 =	sadd.s32 s3, s6;
	[dreg:$0x0] =	wrdreg $0x0  }
0xa9: {  	s7 =	sshll.u32 s7, $0x1;
	[dreg:$0x2] =	wrdreg s6  }
0xaa: {  	[dreg:$0x3] =	wrdreg s7  }
0xab: {  	[dreg:$0x4] =	wrdreg $0xC0  }
0xac: {  	s26 =	simm.s32 $execute1_lowered;
	_ =	task [dreg:s20], $0x5FFFF  }
0xad: {  	s6 =	sshll.u32 s26, $0x1;
	[dreg:$0x1] =	wrdreg $0xFFFFFFFF  }
0xae: {  	s3 =	sadd.s32 s3, s6;
	[dreg:$0x0] =	wrdreg $0x60  }
0xaf: {  	[dreg:$0x2] =	wrdreg s3  }
0xb0: {  	[dreg:$0x3] =	wrdreg s22  }
0xb1: {  	[dreg:$0x4] =	wrdreg $0x9  }
0xb2: {  	_ =	task.clear_ibuf [dreg:s20], $0x5FFFF;
	_ =	strace $0x9000004F  }
0xb3: {  	s28 =	simm.s32 $0x9;
	_ =	strace $0x80000051  }
0xb4: {  	_ =	swait.ge [sflag:s28], $0x1  }
0xb5: {  	[sflag:s28] =	ssyncadd.s32 $0xFFFFFFFF  }
0xb6: {  	_ =	strace $0x90000051  }
0xb7: {  	s3 =	sld [smem:$0x0]  }
0xb8: {  	s6 =	sand.u32 $0xFFFFFFFE, s1  }
0xb9: {  	p0 =	sne.s32 s1, s6  }
0xba: {  	s6 =	sshll.u32 @p0 s6, $0xE  }
0xbb: {  	s6 =	sadd.s32 @p0 $0x11BF3, s6;
	s7 =	sshll.u32 @p0 s3, $0x11  }
0xbc: {  	s6 =	sor.u32 @p0 s7, s6  }
0xbd: {  	[sflag:s6] =	ssyncadd.remote.s32 @p0 $0x1;
	_ =	sdelay $0x1  }
0xbe: {  	s6 =	simm.s32 @p0 $0x1BF3  }
0xbf: {  	_ =	swait.eq @p0 [sflag:s6], $0x1  }
0xc0: {  	[sflag:s6] =	ssyncadd.s32 @p0 $0xFFFFFFFF  }
0xc1: {  	s7 =	sshll.u32 @!p0 s1, $0xE  }
0xc2: {  	s7 =	sor.u32 @!p0 $0x4000, s7;
	s6 =	simm.s32 @!p0 $0x1BF3  }
0xc3: {  	s3 =	sshll.u32 @!p0 s3, $0x11;
	s7 =	sadd.s32 @!p0 $0x11BF3, s7;
	_ =	swait.eq @!p0 [sflag:s6], $0x1  }
0xc4: {  	s3 =	sor.u32 @!p0 s3, s7;
	[sflag:s6] =	ssyncadd.s32 @!p0 $0xFFFFFFFF  }
0xc5: {  	[sflag:s3] =	ssyncadd.remote.s32 @!p0 $0x1  }
0xc6: {  	_ =	strace $0x80000052;
	[dreg:$0x1] =	wrdreg $0xFFFFFFFF  }
0xc7: {  	[dreg:$0x0] =	wrdreg $0x2030  }
0xc8: {  	[dreg:$0x2] =	wrdreg s22  }
0xc9: {  	[dreg:$0x3] =	wrdreg s1  }
0xca: {  	[dreg:$0x4] =	wrdreg s23  }
0xcb: {  	[dreg:$0x5] =	wrdreg $0xA  }
0xcc: {  	_ =	task.clear_ibuf [dreg:s20], $0x6FFFF;
	_ =	strace $0x90000052  }
0xcd: {  	s29 =	simm.s32 $0xA;
	_ =	strace $0x80000054  }
0xce: {  	_ =	swait.ge [sflag:s29], $0x1  }
0xcf: {  	[sflag:s29] =	ssyncadd.s32 $0xFFFFFFFF  }
0xd0: {  	_ =	strace $0x90000054  }
0xd1: {  	_ =	sfence  }
0xd2: {  	s30 =	sld [smem:$0x0];
	_ =	sdelay $0x2  }
0xd3: {  	s31 =	sshll.u32 s1, $0xD;
	s1 =	sshrl.u32 s1, $0x2  }
0xd4: {  	s4 =	sand.u32 $0x4000, s31;
	s1 =	sadd.s32 s1, s30  }
0xd5: {  	s0 =	sor.u32 s4, s0;
	s1 =	sshll.u32 s1, $0x11  }
0xd6: {  	s0 =	sor.u32 s1, s0  }
0xd7: {  	s0 =	sadd.s32 $0x8F2B, s0  }
0xd8: {  	[sflag:s0] =	ssyncadd.remote.s32 $0x1  }
0xd9: {  	_ =	sfence.sel $0xFFFF  }
0xda: {  	[dreg:$0x0] =	wrdreg $0xFFFFFFFF;
	(pc) =	sbr.abs _section_cstart, $3  }
0xdb: {  	[dreg:$0x1] =	wrdreg $0xFFFFFFFF  }
0xdc: {  	_ =	task.clear_ibuf [dreg:s20], $0x2FFFF;
	_ =	strace $0x9FFFFFFF  }
0xdd: {  	(tm) =	ssettm $0x7FFFFFFF  }
tec
execute0_lowered:
.L_overlay_start_1:
0x0: {  	(tag) =	ssettag $0x1  }
0x1: {  	s2 =	rddreg [dreg:$0x0]  }
0x2: {  	s5 =	rddreg [dreg:$0x1]  }
0x3: {  	s0 =	rddreg [dreg:$0x2];
	s3 =	stileid.u32;
	[bflag:$0x3] =	sbarrier.arrive $0xFFFF  }
0x4: {  	s1 =	simm.s32 $_size_execute1_lowered;
	s30 =	srdreg.scid;
	p0 =	sne.s32 s3, $0x0  }
0x5: {  	s1 =	sshll.u32 s1, $0x1;
	s4 =	simm.s32 @!p0 $0x1C3F;
	s6 =	simm.s32 @!p0 $0x4060  }
0x6: {  	[timem:s6], [sflag:s4] =	dma.local @!p0 [hbm:s2], s1  }
0x7: {  	s8 =	simm.s32 $0x2;
	s2 =	sshll.u32 s30, $0x9  }
0x8: {  	s13 =	simm.s32 $0x0;
	s3 =	sshll.u32 s3, $0xA;
	s2 =	sand.u32 $0x200, s2  }
0x9: {  	s9 =	simm.s32 $0x80;
	s10 =	simm.s32 $0x0;
	s2 =	sor.u32 s3, s2  }
0xa: {  	s12 =	simm.s32 $0x0;
	s4 =	simm.s32 $0x1;
	s31 =	ssub.s32 $0xC400, s2  }
.Ltmp0:
0xb: {  	_ =	strace $0x80000050;
	s7 =	sand.u32 $0x3E00, s31;
	(pc) =	sbr.rel .LBB2_1-.Ltmp0, $4  }
0xc: {  	s3 =	sadd.s32 $0x2B0200, s5;
	p1 =	sne.s32 s7, $0x0;
	s7 =	simm.s32 $0x1  }
0xd: {  	[sflag:s4] =	ssyncpa.u1 $0x0;
	s6 =	sshrl.u32 s31, $0xE;
	s7 =	simm.s32 @!p1 $0x0  }
0xe: {  	s5 =	sadd.s32 $0x1EC200, s5;
	[sflag:s8] =	ssyncpa.u1 $0x0;
	s6 =	sadd.s32 s7, s6  }
0xf: {  	s8 =	simm.s32 $0x20;
	s11 =	smov.u32 s2;
	s7 =	sadd.s32 $0x1, s6  }
.LBB2_4:
0x10: {  	s13 =	sand.u32 $0x1FFFFFF, s13  }
0x11: {  	s16 =	smulhi.u32 $0x14E5E0B, s13;
	_ =	sdelay $0x1  }
0x12: {  	s16 =	sshrl.u32 s16, $0x8  }
0x13: {  	s16 =	smul.u32 $0xC400, s16;
	_ =	sdelay $0x1  }
0x14: {  	s13 =	ssub.s32 s13, s16  }
0x15: {  	[tilespmem:v1+s14+$0x0 ss:$0x1] =	vst.idx.msk $0xffff, v2;
	s13 =	sshll.u32 s13, $0x4  }
0x16: {  	[tilespmem:v1+s14+$0xFFFFFFF0 ss:$0x1] =	vst.idx.msk $0xffff, v3;
	s13 =	sadd.s32 s5, s13  }
0x17: {  	[hbm4b:s13+s8] =	stream.strided.scatter [tilespmem:s15], [sflag:$0x2], $0x4000, s9, s8, $0x38;
	[tilespmem:$0x10000] =	vst v63  }
.LBB2_5:
0x18: {  	s15 =	sadd.s32 $0x4000, s11  }
0x19: {  	p2 =	sgt.s32 s15, $0xC3FF  }
0x1a: {  	s15 =	smov.u32 @p2 s2;
	p2 =	sne.s32 s12, s7  }
.Ltmp1:
0x1b: {  	p1 =	slt.u32 s12, $0x2;
	(pc) =	sbr.rel @!p2 .LBB2_6-.Ltmp1, $4  }
0x1c: {  	s14 =	simm.s32 @!p1 $0x2  }
0x1d: {  	s16 =	sadd.s32 $0x1, s12;
	_ =	swait.ge @!p1 [sflag:s14], $0x4000  }
0x1e: {  	s13 =	smov.u32 s11;
	s10 =	sadd.s32 $0x4000, s10;
	[sflag:s14] =	ssyncset.done @!p1 $0x0  }
0x1f: {  	s12 =	smov.u32 s16;
	s11 =	smov.u32 s15;
	[sflag:s14] =	ssyncadd.s32 @!p1 $0xFFFFC000  }
.LBB2_1:
0x20: {  	p1 =	sge.u32 s12, s6  }
0x21: {  	s14 =	sand.u32 @!p1 $0x1FFFFFF, s11  }
0x22: {  	s15 =	smulhi.u32 @!p1 $0x14E5E0B, s14;
	_ =	sdelay $0x1  }
0x23: {  	s15 =	sshrl.u32 @!p1 s15, $0x8  }
0x24: {  	s15 =	smul.u32 @!p1 $0xC400, s15;
	_ =	sdelay $0x1  }
0x25: {  	s31 =	sadd.s32 $0xFFFFFFFF, s12;
	s16 =	sxor.u32 @!p1 $0xFFFFFFFF, s12;
	s14 =	ssub.s32 @!p1 s14, s15  }
0x26: {  	s17 =	simm.s32 @!p1 $0x80;
	s16 =	sshll.u32 @!p1 s16, $0xE;
	s14 =	sshll.u32 @!p1 s14, $0x4  }
0x27: {  	s15 =	sand.u32 @!p1 $0x4000, s16;
	s16 =	simm.s32 @!p1 $0x20;
	s14 =	sadd.s32 @!p1 s3, s14  }
0x28: {  	[tilespmem:s15], [sflag:$0x1] =	stream.strided.gather @!p1 [hbm4b:s14+s16], $0x4000, s17, s16, $0x38;
	[tilespmem:$0x10000] =	vst v63  }
0x29: {  	p1 =	sge.u32 s31, s6  }
.Ltmp2:
0x2a: {  	_ = 	snop;
	(pc) =	sbr.rel @p1 .LBB2_5-.Ltmp2, $1  }
0x2b: {  	_ =	sdelay $0x3  }
0x2c: {  	s15 =	sand.u32 $0x4000, s10  }
0x2d: {  	s14 =	sor.u32 $0x10, s15  }
0x2e: {  	v0 =	vmov s14;
	_ =	sdelay $0x1  }
0x2f: {  	_ =	swait.ge [sflag:s4], $0x4000  }
0x30: {  	[sflag:s4] =	ssyncset.done $0x0  }
0x31: {  	s16 =	sshll.u32 s12, $0xE;
	[sflag:s4] =	ssyncadd.s32 $0xFFFFC000;
	s14 =	simm.s32 $0x0  }
0x32: {  	s17 =	sor.u32 $0x8010, s15;
	s31 =	sand.u32 $0x4000, s16;
	v2 =	vld.idx.msk [tilespmem:v0+s14+$0x0 ss:$0x1], $0xffff  }
0x33: {  	s16 =	simm.s32 $0x80;
	s15 =	sor.u32 $0x8000, s31;
	v1 =	vmov s17;
	v3 =	vld.idx.msk [tilespmem:v0+s14+$0xFFFFFFF0 ss:$0x1], $0xffff  }
.LBB2_3:
0x34: {  	p1 =	sne.s32 s16, $0xFF80  }
.Ltmp3:
0x35: {  	_ = 	snop;
	(pc) =	sbr.rel @p1 .LBB2_3-.Ltmp3, $4  }
0x36: {  	_ = 	snop  }
0x37: {  	s17 =	sshra.s32 s16, $0x2;
	s16 =	sadd.s32 $0x80, s16  }
0x38: {  	[tilespmem:v1+s14+$0x0 ss:$0x1] =	vst.idx.msk $0xffff, v2;
	v2 =	vld.idx.msk [tilespmem:v0+s17+$0x0 ss:$0x1], $0xffff  }
0x39: {  	[tilespmem:v1+s14+$0xFFFFFFF0 ss:$0x1] =	vst.idx.msk $0xffff, v3;
	v3 =	vld.idx.msk [tilespmem:v0+s17+$0xFFFFFFF0 ss:$0x1], $0xffff;
	s14 =	smov.u32 s17  }
.Ltmp4:
0x3a: {  	_ = 	snop;
	(pc) =	sbr.rel .LBB2_4-.Ltmp4, $1  }
0x3b: {  	_ =	sdelay $0x3  }
.LBB2_6:
0x3c: {  	_ =	sfence.sel $0x180000  }
0x3d: {  	s2 =	simm.s32 $0x1;
	[bflag:$0x0] =	sbarrier.arrive $0xFFFF  }
0x3e: {  	s31 =	simm.s32 $0x2;
	[sflag:s2] =	ssyncpa.u1 $0x1  }
0x3f: {  	[sflag:s31] =	ssyncpa.u1 $0x1  }
0x40: {  	_ =	strace $0x90000050  }
0x41: {  	s0 =	sadd.s32 @!p0 $0x100000, s0;
	[bflag:$0x2] =	sbarrier.arrive $0xFFFF  }
0x42: {  	[sflag:s0] =	ssyncadd.tile.s32 @!p0 $0x1;
	s0 =	simm.s32 @!p0 $0x3F  }
0x43: {  	_ =	swait.ge @!p0 [sflag:s0], s1  }
0x44: {  	s1 =	ssub.s32 @!p0 $0x0, s1;
	[sflag:s0] =	ssyncset.done @!p0 $0x0  }
0x45: {  	[sflag:s0] =	ssyncadd.s32 @!p0 s1  }
0x46: {  	[bflag:$0x3] =	sbarrier.arrive $0xFFFF  }
0x47: {  	_ =	shalt  }
.Lfunc_end2:
execute1_lowered:
.L_overlay_start_2:
0x48: {  	(tag) =	ssettag $0x2  }
0x49: {  	s11 =	rddreg [dreg:$0x0]  }
0x4a: {  	s2 =	rddreg [dreg:$0x1];
	_ =	strace $0x80000053;
	s12 =	simm.s32 $0x1  }
0x4b: {  	v0 =	vimm.s32 $0x0;
	[sflag:s12] =	ssyncpa.u1 $0x0  }
0x4c: {  	[tilespmem:$0x28] =	vst v0  }
0x4d: {  	[tilespmem:$0x38] =	vst v0  }
0x4e: {  	[tilespmem:$0x48] =	vst v0  }
0x4f: {  	[tilespmem:$0x58] =	vst v0  }
0x50: {  	[tilespmem:$0x68] =	vst v0  }
0x51: {  	[tilespmem:$0x78] =	vst v0  }
0x52: {  	[tilespmem:$0x88] =	vst v0  }
0x53: {  	[tilespmem:$0x98] =	vst v0  }
0x54: {  	[tilespmem:$0xA8] =	vst v0  }
0x55: {  	[tilespmem:$0xB8] =	vst v0  }
0x56: {  	[tilespmem:$0xC8] =	vst v0  }
0x57: {  	[tilespmem:$0xD8] =	vst v0  }
0x58: {  	[tilespmem:$0xE8] =	vst v0  }
0x59: {  	[tilespmem:$0xF8] =	vst v0  }
0x5a: {  	[tilespmem:$0x108] =	vst v0  }
0x5b: {  	[tilespmem:$0x118] =	vst v0  }
0x5c: {  	[tilespmem:$0x128] =	vst v0  }
0x5d: {  	[tilespmem:$0x138] =	vst v0  }
0x5e: {  	[tilespmem:$0x148] =	vst v0  }
0x5f: {  	[tilespmem:$0x158] =	vst v0  }
0x60: {  	[tilespmem:$0x168] =	vst v0  }
0x61: {  	[tilespmem:$0x178] =	vst v0  }
0x62: {  	[tilespmem:$0x188] =	vst v0  }
0x63: {  	[tilespmem:$0x198] =	vst v0  }
0x64: {  	[tilespmem:$0x1A8] =	vst v0  }
0x65: {  	[tilespmem:$0x1B8] =	vst v0  }
0x66: {  	[tilespmem:$0x1C8] =	vst v0  }
0x67: {  	[tilespmem:$0x1D8] =	vst v0  }
0x68: {  	[tilespmem:$0x1E8] =	vst v0  }
0x69: {  	[tilespmem:$0x1F8] =	vst v0  }
0x6a: {  	[tilespmem:$0x208] =	vst v0  }
0x6b: {  	[tilespmem:$0x218] =	vst v0  }
0x6c: {  	[tilespmem:$0x228] =	vst v0  }
0x6d: {  	[tilespmem:$0x238] =	vst v0  }
0x6e: {  	[tilespmem:$0x248] =	vst v0  }
0x6f: {  	[tilespmem:$0x258] =	vst v0  }
0x70: {  	[tilespmem:$0x268] =	vst v0  }
0x71: {  	[tilespmem:$0x278] =	vst v0  }
0x72: {  	[tilespmem:$0x288] =	vst v0  }
0x73: {  	[tilespmem:$0x298] =	vst v0  }
0x74: {  	[tilespmem:$0x2A8] =	vst v0  }
0x75: {  	[tilespmem:$0x2B8] =	vst v0  }
0x76: {  	[tilespmem:$0x2C8] =	vst v0  }
0x77: {  	[tilespmem:$0x2D8] =	vst v0  }
0x78: {  	[tilespmem:$0x2E8] =	vst v0  }
0x79: {  	[tilespmem:$0x2F8] =	vst v0  }
0x7a: {  	[tilespmem:$0x308] =	vst v0  }
0x7b: {  	[tilespmem:$0x318] =	vst v0  }
0x7c: {  	[tilespmem:$0x328] =	vst v0  }
0x7d: {  	[tilespmem:$0x338] =	vst v0  }
0x7e: {  	[tilespmem:$0x348] =	vst v0  }
0x7f: {  	[tilespmem:$0x358] =	vst v0  }
0x80: {  	[tilespmem:$0x368] =	vst v0  }
0x81: {  	[tilespmem:$0x378] =	vst v0  }
0x82: {  	[tilespmem:$0x388] =	vst v0  }
0x83: {  	[tilespmem:$0x398] =	vst v0  }
0x84: {  	[tilespmem:$0x3A8] =	vst v0  }
0x85: {  	[tilespmem:$0x3B8] =	vst v0  }
0x86: {  	[tilespmem:$0x3C8] =	vst v0  }
0x87: {  	[tilespmem:$0x3D8] =	vst v0  }
0x88: {  	[tilespmem:$0x3E8] =	vst v0  }
0x89: {  	[tilespmem:$0x3F8] =	vst v0  }
0x8a: {  	[tilespmem:$0x408] =	vst v0  }
0x8b: {  	[tilespmem:$0x418] =	vst v0  }
0x8c: {  	[tilespmem:$0x428] =	vst v0  }
0x8d: {  	[tilespmem:$0x438] =	vst v0  }
0x8e: {  	[tilespmem:$0x448] =	vst v0  }
0x8f: {  	[tilespmem:$0x458] =	vst v0  }
0x90: {  	[tilespmem:$0x468] =	vst v0  }
0x91: {  	[tilespmem:$0x478] =	vst v0  }
0x92: {  	[tilespmem:$0x488] =	vst v0  }
0x93: {  	[tilespmem:$0x498] =	vst v0  }
0x94: {  	[tilespmem:$0x4A8] =	vst v0  }
0x95: {  	[tilespmem:$0x4B8] =	vst v0  }
0x96: {  	[tilespmem:$0x4C8] =	vst v0  }
0x97: {  	[tilespmem:$0x4D8] =	vst v0  }
0x98: {  	[tilespmem:$0x4E8] =	vst v0  }
0x99: {  	[tilespmem:$0x4F8] =	vst v0  }
0x9a: {  	[tilespmem:$0x508] =	vst v0  }
0x9b: {  	[tilespmem:$0x518] =	vst v0  }
0x9c: {  	[tilespmem:$0x528] =	vst v0  }
0x9d: {  	[tilespmem:$0x538] =	vst v0  }
0x9e: {  	[tilespmem:$0x548] =	vst v0  }
0x9f: {  	[tilespmem:$0x558] =	vst v0  }
0xa0: {  	[tilespmem:$0x568] =	vst v0  }
0xa1: {  	[tilespmem:$0x578] =	vst v0  }
0xa2: {  	[tilespmem:$0x588] =	vst v0  }
0xa3: {  	[tilespmem:$0x598] =	vst v0  }
0xa4: {  	[tilespmem:$0x5A8] =	vst v0  }
0xa5: {  	[tilespmem:$0x5B8] =	vst v0  }
0xa6: {  	[tilespmem:$0x5C8] =	vst v0  }
0xa7: {  	[tilespmem:$0x5D8] =	vst v0  }
0xa8: {  	[tilespmem:$0x5E8] =	vst v0  }
0xa9: {  	[tilespmem:$0x5F8] =	vst v0  }
0xaa: {  	[tilespmem:$0x608] =	vst v0  }
0xab: {  	[tilespmem:$0x618] =	vst v0  }
0xac: {  	[tilespmem:$0x628] =	vst v0  }
0xad: {  	[tilespmem:$0x638] =	vst v0  }
0xae: {  	[tilespmem:$0x648] =	vst v0  }
0xaf: {  	[tilespmem:$0x658] =	vst v0  }
0xb0: {  	[tilespmem:$0x668] =	vst v0  }
0xb1: {  	[tilespmem:$0x678] =	vst v0  }
0xb2: {  	[tilespmem:$0x688] =	vst v0  }
0xb3: {  	[tilespmem:$0x698] =	vst v0  }
0xb4: {  	[tilespmem:$0x6A8] =	vst v0  }
0xb5: {  	[tilespmem:$0x6B8] =	vst v0  }
0xb6: {  	[tilespmem:$0x6C8] =	vst v0  }
0xb7: {  	[tilespmem:$0x6D8] =	vst v0  }
0xb8: {  	[tilespmem:$0x6E8] =	vst v0  }
0xb9: {  	[tilespmem:$0x6F8] =	vst v0  }
0xba: {  	[tilespmem:$0x708] =	vst v0  }
0xbb: {  	[tilespmem:$0x718] =	vst v0  }
0xbc: {  	[tilespmem:$0x728] =	vst v0  }
0xbd: {  	[tilespmem:$0x738] =	vst v0  }
0xbe: {  	[tilespmem:$0x748] =	vst v0  }
0xbf: {  	[tilespmem:$0x758] =	vst v0  }
0xc0: {  	[tilespmem:$0x768] =	vst v0  }
0xc1: {  	[tilespmem:$0x778] =	vst v0  }
0xc2: {  	[tilespmem:$0x788] =	vst v0  }
0xc3: {  	[tilespmem:$0x798] =	vst v0  }
0xc4: {  	[tilespmem:$0x7A8] =	vst v0  }
0xc5: {  	[tilespmem:$0x7B8] =	vst v0  }
0xc6: {  	[tilespmem:$0x7C8] =	vst v0  }
0xc7: {  	[tilespmem:$0x7D8] =	vst v0  }
0xc8: {  	[tilespmem:$0x7E8] =	vst v0  }
0xc9: {  	[tilespmem:$0x7F8] =	vst v0  }
0xca: {  	[tilespmem:$0x808] =	vst v0  }
0xcb: {  	[tilespmem:$0x818] =	vst v0  }
0xcc: {  	[tilespmem:$0x828] =	vst v0  }
0xcd: {  	[tilespmem:$0x838] =	vst v0  }
0xce: {  	[tilespmem:$0x848] =	vst v0  }
0xcf: {  	[tilespmem:$0x858] =	vst v0  }
0xd0: {  	[tilespmem:$0x868] =	vst v0  }
0xd1: {  	[tilespmem:$0x878] =	vst v0  }
0xd2: {  	[tilespmem:$0x888] =	vst v0  }
0xd3: {  	[tilespmem:$0x898] =	vst v0  }
0xd4: {  	[tilespmem:$0x8A8] =	vst v0  }
0xd5: {  	[tilespmem:$0x8B8] =	vst v0  }
0xd6: {  	[tilespmem:$0x8C8] =	vst v0  }
0xd7: {  	[tilespmem:$0x8D8] =	vst v0  }
0xd8: {  	[tilespmem:$0x8E8] =	vst v0  }
0xd9: {  	[tilespmem:$0x8F8] =	vst v0  }
0xda: {  	[tilespmem:$0x908] =	vst v0  }
0xdb: {  	[tilespmem:$0x918] =	vst v0  }
0xdc: {  	[tilespmem:$0x928] =	vst v0  }
0xdd: {  	[tilespmem:$0x938] =	vst v0  }
0xde: {  	[tilespmem:$0x948] =	vst v0  }
0xdf: {  	[tilespmem:$0x958] =	vst v0  }
0xe0: {  	[tilespmem:$0x968] =	vst v0  }
0xe1: {  	[tilespmem:$0x978] =	vst v0  }
0xe2: {  	[tilespmem:$0x988] =	vst v0  }
0xe3: {  	[tilespmem:$0x998] =	vst v0  }
0xe4: {  	[tilespmem:$0x9A8] =	vst v0  }
0xe5: {  	[tilespmem:$0x9B8] =	vst v0  }
0xe6: {  	[tilespmem:$0x9C8] =	vst v0  }
0xe7: {  	[tilespmem:$0x9D8] =	vst v0  }
0xe8: {  	[tilespmem:$0x9E8] =	vst v0  }
0xe9: {  	[tilespmem:$0x9F8] =	vst v0  }
0xea: {  	[tilespmem:$0xA08] =	vst v0  }
0xeb: {  	[tilespmem:$0xA18] =	vst v0  }
0xec: {  	[tilespmem:$0xA28] =	vst v0  }
0xed: {  	[tilespmem:$0xA38] =	vst v0  }
0xee: {  	[tilespmem:$0xA48] =	vst v0  }
0xef: {  	[tilespmem:$0xA58] =	vst v0  }
0xf0: {  	[tilespmem:$0xA68] =	vst v0  }
0xf1: {  	[tilespmem:$0xA78] =	vst v0  }
0xf2: {  	[tilespmem:$0xA88] =	vst v0  }
0xf3: {  	[tilespmem:$0xA98] =	vst v0  }
0xf4: {  	[tilespmem:$0xAA8] =	vst v0  }
0xf5: {  	[tilespmem:$0xAB8] =	vst v0  }
0xf6: {  	[tilespmem:$0xAC8] =	vst v0  }
0xf7: {  	[tilespmem:$0xAD8] =	vst v0  }
0xf8: {  	[tilespmem:$0xAE8] =	vst v0  }
0xf9: {  	[tilespmem:$0xAF8] =	vst v0  }
0xfa: {  	[tilespmem:$0xB08] =	vst v0  }
0xfb: {  	[tilespmem:$0xB18] =	vst v0  }
0xfc: {  	[tilespmem:$0xB28] =	vst v0  }
0xfd: {  	[tilespmem:$0xB38] =	vst v0  }
0xfe: {  	[tilespmem:$0xB48] =	vst v0  }
0xff: {  	[tilespmem:$0xB58] =	vst v0  }
0x100: {  	[tilespmem:$0xB68] =	vst v0  }
0x101: {  	[tilespmem:$0xB78] =	vst v0  }
0x102: {  	[tilespmem:$0xB88] =	vst v0  }
0x103: {  	[tilespmem:$0xB98] =	vst v0  }
0x104: {  	[tilespmem:$0xBA8] =	vst v0  }
0x105: {  	[tilespmem:$0xBB8] =	vst v0  }
0x106: {  	[tilespmem:$0xBC8] =	vst v0  }
0x107: {  	[tilespmem:$0xBD8] =	vst v0  }
0x108: {  	[tilespmem:$0xBE8] =	vst v0  }
0x109: {  	[tilespmem:$0xBF8] =	vst v0  }
0x10a: {  	[tilespmem:$0xC08] =	vst v0  }
0x10b: {  	[tilespmem:$0xC18] =	vst v0  }
0x10c: {  	[tilespmem:$0xC28] =	vst v0  }
0x10d: {  	[tilespmem:$0xC38] =	vst v0  }
0x10e: {  	[tilespmem:$0xC48] =	vst v0  }
0x10f: {  	[tilespmem:$0xC58] =	vst v0  }
0x110: {  	[tilespmem:$0xC68] =	vst v0  }
0x111: {  	[tilespmem:$0xC78] =	vst v0  }
0x112: {  	[tilespmem:$0xC88] =	vst v0  }
0x113: {  	[tilespmem:$0xC98] =	vst v0  }
0x114: {  	[tilespmem:$0xCA8] =	vst v0  }
0x115: {  	[tilespmem:$0xCB8] =	vst v0  }
0x116: {  	[tilespmem:$0xCC8] =	vst v0  }
0x117: {  	[tilespmem:$0xCD8] =	vst v0  }
0x118: {  	[tilespmem:$0xCE8] =	vst v0  }
0x119: {  	[tilespmem:$0xCF8] =	vst v0  }
0x11a: {  	[tilespmem:$0xD08] =	vst v0  }
0x11b: {  	[tilespmem:$0xD18] =	vst v0  }
0x11c: {  	[tilespmem:$0xD28] =	vst v0  }
0x11d: {  	[tilespmem:$0xD38] =	vst v0  }
0x11e: {  	[tilespmem:$0xD48] =	vst v0  }
0x11f: {  	[tilespmem:$0xD58] =	vst v0  }
0x120: {  	[tilespmem:$0xD68] =	vst v0  }
0x121: {  	[tilespmem:$0xD78] =	vst v0  }
0x122: {  	[tilespmem:$0xD88] =	vst v0  }
0x123: {  	[tilespmem:$0xD98] =	vst v0  }
0x124: {  	[tilespmem:$0xDA8] =	vst v0  }
0x125: {  	[tilespmem:$0xDB8] =	vst v0  }
0x126: {  	[tilespmem:$0xDC8] =	vst v0  }
0x127: {  	[tilespmem:$0xDD8] =	vst v0  }
0x128: {  	[tilespmem:$0xDE8] =	vst v0  }
0x129: {  	[tilespmem:$0xDF8] =	vst v0  }
0x12a: {  	[tilespmem:$0xE08] =	vst v0  }
0x12b: {  	[tilespmem:$0xE18] =	vst v0  }
0x12c: {  	[tilespmem:$0xE28] =	vst v0  }
0x12d: {  	[tilespmem:$0xE38] =	vst v0  }
0x12e: {  	[tilespmem:$0xE48] =	vst v0  }
0x12f: {  	[tilespmem:$0xE58] =	vst v0  }
0x130: {  	[tilespmem:$0xE68] =	vst v0  }
0x131: {  	[tilespmem:$0xE78] =	vst v0  }
0x132: {  	[tilespmem:$0xE88] =	vst v0  }
0x133: {  	[tilespmem:$0xE98] =	vst v0  }
0x134: {  	[tilespmem:$0xEA8] =	vst v0  }
0x135: {  	[tilespmem:$0xEB8] =	vst v0  }
0x136: {  	[tilespmem:$0xEC8] =	vst v0  }
0x137: {  	[tilespmem:$0xED8] =	vst v0  }
0x138: {  	[tilespmem:$0xEE8] =	vst v0  }
0x139: {  	[tilespmem:$0xEF8] =	vst v0  }
0x13a: {  	[tilespmem:$0xF08] =	vst v0  }
0x13b: {  	[tilespmem:$0xF18] =	vst v0  }
0x13c: {  	[tilespmem:$0xF28] =	vst v0  }
0x13d: {  	[tilespmem:$0xF38] =	vst v0  }
0x13e: {  	[tilespmem:$0xF48] =	vst v0  }
0x13f: {  	[tilespmem:$0xF58] =	vst v0  }
0x140: {  	[tilespmem:$0xF68] =	vst v0  }
0x141: {  	[tilespmem:$0xF78] =	vst v0  }
0x142: {  	[tilespmem:$0xF88] =	vst v0  }
0x143: {  	[tilespmem:$0xF98] =	vst v0  }
0x144: {  	[tilespmem:$0xFA8] =	vst v0  }
0x145: {  	[tilespmem:$0xFB8] =	vst v0  }
0x146: {  	[tilespmem:$0xFC8] =	vst v0  }
0x147: {  	[tilespmem:$0xFD8] =	vst v0  }
0x148: {  	[tilespmem:$0xFE8] =	vst v0  }
0x149: {  	[tilespmem:$0xFF8] =	vst v0  }
0x14a: {  	[tilespmem:$0x1028] =	vst v0  }
0x14b: {  	[tilespmem:$0x10E8] =	vst v0  }
0x14c: {  	[tilespmem:$0x1068] =	vst v0  }
0x14d: {  	[tilespmem:$0x1B28] =	vst v0  }
0x14e: {  	[tilespmem:$0x1B18] =	vst v0  }
0x14f: {  	[tilespmem:$0x1B08] =	vst v0  }
0x150: {  	[tilespmem:$0x1AF8] =	vst v0  }
0x151: {  	[tilespmem:$0x1AE8] =	vst v0  }
0x152: {  	[tilespmem:$0x1AD8] =	vst v0  }
0x153: {  	[tilespmem:$0x1AC8] =	vst v0  }
0x154: {  	[tilespmem:$0x1AB8] =	vst v0  }
0x155: {  	[tilespmem:$0x1AA8] =	vst v0  }
0x156: {  	[tilespmem:$0x1A98] =	vst v0  }
0x157: {  	[tilespmem:$0x1A88] =	vst v0  }
0x158: {  	[tilespmem:$0x1A78] =	vst v0  }
0x159: {  	[tilespmem:$0x1A68] =	vst v0  }
0x15a: {  	[tilespmem:$0x1A58] =	vst v0  }
0x15b: {  	[tilespmem:$0x1A48] =	vst v0  }
0x15c: {  	[tilespmem:$0x1A38] =	vst v0  }
0x15d: {  	[tilespmem:$0x1A28] =	vst v0  }
0x15e: {  	[tilespmem:$0x1A18] =	vst v0  }
0x15f: {  	[tilespmem:$0x1A08] =	vst v0  }
0x160: {  	[tilespmem:$0x19F8] =	vst v0  }
0x161: {  	[tilespmem:$0x19E8] =	vst v0  }
0x162: {  	[tilespmem:$0x19D8] =	vst v0  }
0x163: {  	[tilespmem:$0x19C8] =	vst v0  }
0x164: {  	[tilespmem:$0x19B8] =	vst v0  }
0x165: {  	[tilespmem:$0x19A8] =	vst v0  }
0x166: {  	[tilespmem:$0x1998] =	vst v0  }
0x167: {  	[tilespmem:$0x1988] =	vst v0  }
0x168: {  	[tilespmem:$0x1978] =	vst v0  }
0x169: {  	[tilespmem:$0x1968] =	vst v0  }
0x16a: {  	[tilespmem:$0x1958] =	vst v0  }
0x16b: {  	[tilespmem:$0x1948] =	vst v0  }
0x16c: {  	[tilespmem:$0x1938] =	vst v0  }
0x16d: {  	[tilespmem:$0x1928] =	vst v0  }
0x16e: {  	[tilespmem:$0x1918] =	vst v0  }
0x16f: {  	[tilespmem:$0x1908] =	vst v0  }
0x170: {  	[tilespmem:$0x18F8] =	vst v0  }
0x171: {  	[tilespmem:$0x18E8] =	vst v0  }
0x172: {  	[tilespmem:$0x18D8] =	vst v0  }
0x173: {  	[tilespmem:$0x18C8] =	vst v0  }
0x174: {  	[tilespmem:$0x18B8] =	vst v0  }
0x175: {  	[tilespmem:$0x18A8] =	vst v0  }
0x176: {  	[tilespmem:$0x1898] =	vst v0  }
0x177: {  	[tilespmem:$0x1888] =	vst v0  }
0x178: {  	[tilespmem:$0x1878] =	vst v0  }
0x179: {  	[tilespmem:$0x1868] =	vst v0  }
0x17a: {  	[tilespmem:$0x1858] =	vst v0  }
0x17b: {  	[tilespmem:$0x1848] =	vst v0  }
0x17c: {  	[tilespmem:$0x1838] =	vst v0  }
0x17d: {  	[tilespmem:$0x1828] =	vst v0  }
0x17e: {  	[tilespmem:$0x1818] =	vst v0  }
0x17f: {  	[tilespmem:$0x1808] =	vst v0  }
0x180: {  	[tilespmem:$0x17F8] =	vst v0  }
0x181: {  	[tilespmem:$0x17E8] =	vst v0  }
0x182: {  	[tilespmem:$0x17D8] =	vst v0  }
0x183: {  	[tilespmem:$0x17C8] =	vst v0  }
0x184: {  	[tilespmem:$0x17B8] =	vst v0  }
0x185: {  	[tilespmem:$0x17A8] =	vst v0  }
0x186: {  	[tilespmem:$0x1798] =	vst v0  }
0x187: {  	[tilespmem:$0x1788] =	vst v0  }
0x188: {  	[tilespmem:$0x1778] =	vst v0  }
0x189: {  	[tilespmem:$0x1768] =	vst v0  }
0x18a: {  	[tilespmem:$0x1758] =	vst v0  }
0x18b: {  	[tilespmem:$0x1748] =	vst v0  }
0x18c: {  	[tilespmem:$0x1738] =	vst v0  }
0x18d: {  	[tilespmem:$0x1728] =	vst v0  }
0x18e: {  	[tilespmem:$0x1718] =	vst v0  }
0x18f: {  	[tilespmem:$0x1708] =	vst v0  }
0x190: {  	[tilespmem:$0x16F8] =	vst v0  }
0x191: {  	[tilespmem:$0x16E8] =	vst v0  }
0x192: {  	[tilespmem:$0x16D8] =	vst v0  }
0x193: {  	[tilespmem:$0x16C8] =	vst v0  }
0x194: {  	[tilespmem:$0x16B8] =	vst v0  }
0x195: {  	[tilespmem:$0x16A8] =	vst v0  }
0x196: {  	[tilespmem:$0x1698] =	vst v0  }
0x197: {  	[tilespmem:$0x1688] =	vst v0  }
0x198: {  	[tilespmem:$0x1678] =	vst v0  }
0x199: {  	[tilespmem:$0x1668] =	vst v0  }
0x19a: {  	[tilespmem:$0x1658] =	vst v0  }
0x19b: {  	[tilespmem:$0x1648] =	vst v0  }
0x19c: {  	[tilespmem:$0x1638] =	vst v0  }
0x19d: {  	[tilespmem:$0x1628] =	vst v0  }
0x19e: {  	[tilespmem:$0x1618] =	vst v0  }
0x19f: {  	[tilespmem:$0x1608] =	vst v0  }
0x1a0: {  	[tilespmem:$0x15F8] =	vst v0  }
0x1a1: {  	[tilespmem:$0x15E8] =	vst v0  }
0x1a2: {  	[tilespmem:$0x15D8] =	vst v0  }
0x1a3: {  	[tilespmem:$0x15C8] =	vst v0  }
0x1a4: {  	[tilespmem:$0x15B8] =	vst v0  }
0x1a5: {  	[tilespmem:$0x15A8] =	vst v0  }
0x1a6: {  	[tilespmem:$0x1598] =	vst v0  }
0x1a7: {  	[tilespmem:$0x1588] =	vst v0  }
0x1a8: {  	[tilespmem:$0x1578] =	vst v0  }
0x1a9: {  	[tilespmem:$0x1568] =	vst v0  }
0x1aa: {  	[tilespmem:$0x1558] =	vst v0  }
0x1ab: {  	[tilespmem:$0x1548] =	vst v0  }
0x1ac: {  	[tilespmem:$0x1538] =	vst v0  }
0x1ad: {  	[tilespmem:$0x1528] =	vst v0  }
0x1ae: {  	[tilespmem:$0x1518] =	vst v0  }
0x1af: {  	[tilespmem:$0x1508] =	vst v0  }
0x1b0: {  	[tilespmem:$0x14F8] =	vst v0  }
0x1b1: {  	[tilespmem:$0x14E8] =	vst v0  }
0x1b2: {  	[tilespmem:$0x14D8] =	vst v0  }
0x1b3: {  	[tilespmem:$0x14C8] =	vst v0  }
0x1b4: {  	[tilespmem:$0x14B8] =	vst v0  }
0x1b5: {  	[tilespmem:$0x14A8] =	vst v0  }
0x1b6: {  	[tilespmem:$0x1498] =	vst v0  }
0x1b7: {  	[tilespmem:$0x1488] =	vst v0  }
0x1b8: {  	[tilespmem:$0x1478] =	vst v0  }
0x1b9: {  	[tilespmem:$0x1468] =	vst v0  }
0x1ba: {  	[tilespmem:$0x1458] =	vst v0  }
0x1bb: {  	[tilespmem:$0x1448] =	vst v0  }
0x1bc: {  	[tilespmem:$0x1438] =	vst v0  }
0x1bd: {  	[tilespmem:$0x1428] =	vst v0  }
0x1be: {  	[tilespmem:$0x1418] =	vst v0  }
0x1bf: {  	[tilespmem:$0x1408] =	vst v0  }
0x1c0: {  	[tilespmem:$0x13F8] =	vst v0  }
0x1c1: {  	[tilespmem:$0x13E8] =	vst v0  }
0x1c2: {  	[tilespmem:$0x13D8] =	vst v0  }
0x1c3: {  	[tilespmem:$0x13C8] =	vst v0  }
0x1c4: {  	[tilespmem:$0x13B8] =	vst v0  }
0x1c5: {  	[tilespmem:$0x13A8] =	vst v0  }
0x1c6: {  	[tilespmem:$0x1398] =	vst v0  }
0x1c7: {  	[tilespmem:$0x1388] =	vst v0  }
0x1c8: {  	[tilespmem:$0x1378] =	vst v0  }
0x1c9: {  	[tilespmem:$0x1368] =	vst v0  }
0x1ca: {  	[tilespmem:$0x1358] =	vst v0  }
0x1cb: {  	[tilespmem:$0x1348] =	vst v0  }
0x1cc: {  	[tilespmem:$0x1338] =	vst v0  }
0x1cd: {  	[tilespmem:$0x1328] =	vst v0  }
0x1ce: {  	[tilespmem:$0x1318] =	vst v0  }
0x1cf: {  	[tilespmem:$0x1308] =	vst v0  }
0x1d0: {  	[tilespmem:$0x12F8] =	vst v0  }
0x1d1: {  	[tilespmem:$0x12E8] =	vst v0  }
0x1d2: {  	[tilespmem:$0x12D8] =	vst v0  }
0x1d3: {  	[tilespmem:$0x12C8] =	vst v0  }
0x1d4: {  	[tilespmem:$0x12B8] =	vst v0  }
0x1d5: {  	[tilespmem:$0x12A8] =	vst v0  }
0x1d6: {  	[tilespmem:$0x1298] =	vst v0  }
0x1d7: {  	[tilespmem:$0x1288] =	vst v0  }
0x1d8: {  	[tilespmem:$0x1278] =	vst v0  }
0x1d9: {  	[tilespmem:$0x1268] =	vst v0  }
0x1da: {  	[tilespmem:$0x1258] =	vst v0  }
0x1db: {  	[tilespmem:$0x1248] =	vst v0  }
0x1dc: {  	[tilespmem:$0x1238] =	vst v0  }
0x1dd: {  	[tilespmem:$0x1228] =	vst v0  }
0x1de: {  	[tilespmem:$0x1218] =	vst v0  }
0x1df: {  	[tilespmem:$0x1208] =	vst v0  }
0x1e0: {  	[tilespmem:$0x11F8] =	vst v0  }
0x1e1: {  	[tilespmem:$0x11E8] =	vst v0  }
0x1e2: {  	[tilespmem:$0x11D8] =	vst v0  }
0x1e3: {  	[tilespmem:$0x11C8] =	vst v0  }
0x1e4: {  	[tilespmem:$0x11B8] =	vst v0  }
0x1e5: {  	[tilespmem:$0x11A8] =	vst v0  }
0x1e6: {  	[tilespmem:$0x1198] =	vst v0  }
0x1e7: {  	[tilespmem:$0x1188] =	vst v0  }
0x1e8: {  	[tilespmem:$0x1178] =	vst v0  }
0x1e9: {  	[tilespmem:$0x1168] =	vst v0  }
0x1ea: {  	[tilespmem:$0x1158] =	vst v0  }
0x1eb: {  	[tilespmem:$0x1148] =	vst v0  }
0x1ec: {  	[tilespmem:$0x1138] =	vst v0  }
0x1ed: {  	[tilespmem:$0x1128] =	vst v0  }
0x1ee: {  	[tilespmem:$0x1118] =	vst v0  }
0x1ef: {  	s4 =	stileid.u32;
	[tilespmem:$0x1108] =	vst v0  }
0x1f0: {  	s0 =	smul.u32 $0x39, s4;
	[tilespmem:$0x10F8] =	vst v0  }
0x1f1: {  	s1 =	smin.u32 s4, $0xE;
	[tilespmem:$0x10C8] =	vst v0  }
0x1f2: {  	[tilespmem:$0x10D8] =	vst v0;
	s0 =	sadd.s32 s1, s0  }
0x1f3: {  	p0 =	slt.u32 s4, $0xE;
	[tilespmem:$0x10B8] =	vst v0;
	s1 =	simm.s32 $0x61E0;
	s6 =	smul.u32 $0x1B0, s0  }
0x1f4: {  	s1 =	simm.s32 @!p0 $0x6030;
	[tilespmem:$0x1038] =	vst v0  }
0x1f5: {  	[tilespmem:$0x10A8] =	vst v0;
	s0 =	sadd.s32 s1, s6  }
0x1f6: {  	s3 =	simm.s32 $0x2;
	s8 =	simm.s32 $0x9;
	[tilespmem:$0x1098] =	vst v0;
	s7 =	smin.u32 s0, $0x61A80  }
0x1f7: {  	s10 =	simm.s32 $0xA;
	s30 =	simm.s32 $0xB;
	[tilespmem:$0x1088] =	vst v0;
	s0 =	ssub.s32 s7, s6  }
0x1f8: {  	s16 =	simm.s32 $0x0;
	p4 =	por $0x0, $0x0;
	[tilespmem:$0x1078] =	vst v0;
	p0 =	sgt.s32 s0, $0x0  }
0x1f9: {  	s17 =	simm.s32 $0xC;
	s21 =	simm.s32 $0x0;
	[tilespmem:$0x1058] =	vst v0;
	s0 =	simm.s32 @!p0 $0x0  }
0x1fa: {  	s18 =	simm.s32 $0x0;
	s2 =	sand.u32 $0x1, s2;
	[tilespmem:$0x1048] =	vst v0;
	s29 =	smulhi.u32 $0x4BDA12F7, s0  }
0x1fb: {  	s20 =	simm.s32 $0x0;
	s31 =	sshll.u32 s4, $0x5;
	[tilespmem:$0x1018] =	vst v0;
	[dreg:$0x5] =	wrdreg s2  }
0x1fc: {  	s2 =	smul.u32 $0xC350, s2;
	[tilespmem:$0x1008] =	vst v0;
	[sflag:s3] =	ssyncpa.u1 $0x0;
	s1 =	sshrl.u32 s29, $0x7  }
0x1fd: {  	v0 =	vimm.s32 $0xFFFFFFFF;
	s3 =	sadd.s32 $0x1EC200, s11;
	[dreg:$0x4] =	wrdreg s31;
	s5 =	smul.u32 $0x1B0, s1  }
.Ltmp5:
0x1fe: {  	[tilespmem:$0x3648] =	vst v0;
	[sflag:s8] =	ssyncpa.u1 $0x0;
	s2 =	sadd.s32 s2, s11;
	(pc) =	sbr.rel .LBB3_1-.Ltmp5, $4  }
0x1ff: {  	[sflag:s10] =	ssyncpa.u1 $0x0;
	s11 =	sadd.s32 $0x374200, s11;
	p0 =	sne.s32 s0, s5  }
0x200: {  	[sflag:s30] =	ssyncpa.u1 $0x0;
	s14 =	sadd.s32 $0x33200, s2;
	s12 =	simm.s32 @!p0 $0x0  }
0x201: {  	s15 =	sadd.s32 $0x1AA00, s2;
	s19 =	smov.u32 s6;
	s12 =	sadd.s32 s12, s1  }
0x202: {  	v0 =	vlaneseq.u32;
	[dreg:$0x6] =	wrdreg s6;
	p0 =	por $0x1, $0x1;
	s4 =	sadd.s32 $0x1, s12  }
.LBB3_18:
0x203: {  	s0 =	simm.s32 $0x2  }
0x204: {  	_ =	swait.ge [sflag:s0], $0x0  }
0x205: {  	[sflag:s0] =	ssyncset.done $0x0;
	s0 =	simm.s32 $0x0  }
.LBB3_19:
0x206: {  	_ =	swait.ge [sflag:s17], s0  }
0x207: {  	s31 =	ssub.s32 $0x0, s0;
	v1 =	vmov s23;
	vm0 =	veq.s32 v0, $0x0;
	[sflag:s17] =	ssyncset.done $0x0  }
0x208: {  	vm15 =	veq.s32 v0, $0x2;
	v1 =	vsel vm0, s28, v1;
	[sflag:s17] =	ssyncadd.s32 s31  }
0x209: {  	v1 =	vsel vm15, s21, v1;
	[sflag:s17] =	ssyncpa.u1 $0x1  }
0x20a: {  	[tilespmem:$0x3648] =	vst v1  }
.LBB3_20:
0x20b: {  	s0 =	sadd.s32 $0x1B0, s19  }
0x20c: {  	s1 =	smov.u32 s6;
	p1 =	slt.s32 s0, s7  }
0x20d: {  	s1 =	smov.u32 @p1 s0;
	p1 =	sne.s32 s20, s4  }
.Ltmp6:
0x20e: {  	_ = 	snop;
	(pc) =	sbr.rel @!p1 .LBB3_21-.Ltmp6, $4  }
0x20f: {  	_ = 	snop  }
0x210: {  	s21 =	smov.u32 s18  }
0x211: {  	s31 =	sadd.s32 $0x1, s20;
	s18 =	smov.u32 s19;
	p0 =	por !p0, !p0  }
0x212: {  	p4 =	por !p4, !p4;
	s20 =	smov.u32 s31;
	s19 =	smov.u32 s1  }
.LBB3_1:
0x213: {  	p2 =	sge.u32 s20, s12  }
0x214: {  	s0 =	smulhi.u32 @!p2 $0xAAAAAAAB, s20  }
0x215: {  	s1 =	smov.u32 s19;
	p3 =	sgt.s32 @!p2 s19, $0x618D0  }
0x216: {  	s2 =	sshra.s32 @!p2 s19, $0x1F;
	p3 =	por !p3, p2;
	s0 =	sshrl.u32 @!p2 s0, $0x1  }
0x217: {  	s2 =	sand.u32 @!p2 s2, s19;
	s1 =	simm.s32 @p3 $0x618D0;
	s0 =	smul.u32 @!p2 $0x3, s0  }
0x218: {  	s1 =	ssub.s32 @!p2 s1, s2  }
0x219: {  	s23 =	sadd.s32 $0xFFFFFFFF, s20;
	s1 =	sadd.s32 @!p2 $0xFFF9E730, s1;
	s0 =	ssub.s32 @!p2 s20, s0  }
0x21a: {  	s2 =	sshll.u32 @!p2 s1, $0x2;
	p3 =	sgt.s32 @!p2 s1, $0x1AF;
	s0 =	smul.u32 @!p2 $0x6C0, s0  }
0x21b: {  	s5 =	sand.u32 @!p2 $0x7, s19;
	s1 =	ssub.s32 @!p2 $0x6C0, s2;
	p3 =	por !p3, p2  }
0x21c: {  	s2 =	sshrl.u32 @!p2 s19, $0x3;
	s1 =	sshrl.u32 @!p2 s1, $0x2;
	s0 =	sshrl.u32 @!p2 s0, $0x2  }
0x21d: {  	s2 =	sadd.s32 @!p2 s2, s14;
	s1 =	simm.s32 @!p3 $0x0;
	s0 =	sadd.s32 @!p2 $0x3888, s0  }
0x21e: {  	[tilespmem:s0], [sflag:$0xA] =	stream.linear.gather @!p2 [hbm4b:s2+s5], s1, $0x38;
	[tilespmem:$0x1F0F8] =	vst v63  }
0x21f: {  	p2 =	sge.u32 s23, s12  }
0x220: {  	p3 =	sgt.s32 @!p2 s18, $0x618D0  }
0x221: {  	s0 =	smov.u32 s18;
	s1 =	sshra.s32 @!p2 s18, $0x1F;
	p3 =	por !p3, p2  }
0x222: {  	s1 =	sand.u32 @!p2 s1, s18;
	s0 =	simm.s32 @p3 $0x618D0  }
0x223: {  	s0 =	ssub.s32 @!p2 s0, s1  }
0x224: {  	s0 =	sadd.s32 @!p2 $0xFFF9E730, s0  }
0x225: {  	s1 =	sshll.u32 @!p2 s0, $0x2  }
0x226: {  	p3 =	sgt.s32 @!p2 s0, $0x1AF;
	s0 =	ssub.s32 @!p2 $0x6C0, s1  }
0x227: {  	s22 =	ssub.s32 @!p2 $0x61A80, s18;
	p3 =	por !p3, p2;
	s0 =	sshrl.u32 @!p2 s0, $0x2  }
0x228: {  	s1 =	sand.u32 @!p2 $0x1, s23;
	s0 =	simm.s32 @!p3 $0x0;
	p3 =	slt.s32 @!p2 s22, $0x1  }
0x229: {  	s2 =	simm.s32 @!p2 $0xA;
	s1 =	smul.u32 @!p2 $0x6C0, s1;
	p3 =	por p2, p3  }
.Ltmp7:
0x22a: {  	_ =	swait.ge @!p2 [sflag:s2], s0;
	(pc) =	sbr.rel @p3 .LBB3_7-.Ltmp7, $4  }
0x22b: {  	s5 =	ssub.s32 @!p2 $0x0, s0;
	[sflag:s2] =	ssyncset.done @!p2 $0x0  }
0x22c: {  	s1 =	sshrl.u32 @!p2 s1, $0x2;
	[sflag:s2] =	ssyncadd.s32 @!p2 s5;
	s2 =	sshrl.u32 @!p2 s18, $0x3  }
0x22d: {  	s1 =	sadd.s32 @!p2 $0x3D98, s1;
	s5 =	sand.u32 @!p2 $0x7, s18;
	s2 =	sadd.s32 @!p2 s2, s15  }
0x22e: {  	[tilespmem:s1], [sflag:$0xB] =	stream.linear.gather @!p2 [hbm4b:s2+s5], s0, $0x38;
	[tilespmem:$0x1F0F8] =	vst v63  }
0x22f: {  	s0 =	smulhi.u32 $0xAAAAAAAB, s23;
	_ =	sdelay $0x1  }
0x230: {  	s0 =	sshrl.u32 s0, $0x1  }
0x231: {  	s0 =	smul.u32 $0x3, s0;
	_ =	sdelay $0x1  }
0x232: {  	s0 =	ssub.s32 s23, s0  }
0x233: {  	s1 =	simm.s32 $0x1;
	s0 =	smul.u32 $0x6C0, s0  }
.Ltmp8:
0x234: {  	s1 =	simm.s32 @!p0 $0x0;
	(pc) =	sbr.rel .LBB3_4-.Ltmp8, $4  }
0x235: {  	s1 =	smul.u32 $0x36000, s1  }
0x236: {  	p3 =	slt.s32 @!p2 s22, $0x1B0;
	s0 =	sshrl.u32 s0, $0x2  }
0x237: {  	p2 =	por !p3, p2;
	s1 =	sshrl.u32 s1, $0x2;
	s0 =	sadd.s32 $0x3888, s0  }
0x238: {  	s24 =	simm.s32 $0x0;
	s22 =	simm.s32 @p2 $0x1B0;
	s23 =	sadd.s32 $0x40F8, s1;
	v1 =	vmov s0  }
.LBB3_3:
0x239: {  	p2 =	sge.s32 s24, s22  }
.Ltmp9:
0x23a: {  	_ = 	snop;
	(pc) =	sbr.rel @p2 .LBB3_7-.Ltmp9, $2  }
0x23b: {  	_ =	sdelay $0x2  }
0x23c: {  	s23 =	sadd.s32 $0x800, s23  }
.LBB3_4:
0x23d: {  	p2 =	sle.s32 s22, s24  }
.Ltmp10:
0x23e: {  	_ = 	snop;
	(pc) =	sbr.rel @p2 .LBB3_3-.Ltmp10, $2  }
0x23f: {  	_ =	sdelay $0x2  }
0x240: {  	s0 =	smov.u32 s24;
	s24 =	sadd.s32 $0x10, s24  }
0x241: {  	s1 =	ssub.s32 s22, s0  }
0x242: {  	p2 =	slt.s32 s1, $0x10  }
0x243: {  	s1 =	simm.s32 @!p2 $0x10  }
0x244: {  	v2 =	vmov s1  }
0x245: {  	vm0 =	vgt.s32 v2, v0;
	_ =	sdelay $0x5  }
0x246: {  	v2 =	vld.idx.msk [tilespmem:v1+s0+$0x0 ss:$0x1], vm0;
	_ =	sdelay $0x2  }
0x247: {  	p2 =	slt.s32 s24, s22;
	s1 =	smov.u32 s22  }
0x248: {  	s2 =	smov.u32 s23;
	s25 =	simm.s32 $0x0;
	s1 =	smov.u32 @p2 s24  }
.LBB3_6:
0x249: {  	(v2sf) =	vpush v2, s25;
	_ =	sdelay $0xc  }
0x24a: {  	s25 =	sadd.s32 $0x1, s25  }
0x24b: {  	s31 =	sadd.s32 s25, s0  }
0x24c: {  	p2 =	slt.s32 s31, s1;
	s5 =	spop (v2sf)  }
.Ltmp11:
0x24d: {  	s5 =	sshll.u32 s5, $0x4;
	(pc) =	sbr.rel @p2 .LBB3_6-.Ltmp11, $4  }
0x24e: {  	s5 =	sand.u32 $0x1FFFFFF0, s5  }
0x24f: {  	s5 =	sadd.s32 s11, s5  }
0x250: {  	[tilespmem:s2], [sflag:$0x9] =	stream.linear.gather [hbm4b:s5+s16], $0x10, $0x38;
	[tilespmem:$0x1F0F8] =	vst v63  }
0x251: {  	s2 =	sadd.s32 $0x80, s2  }
.Ltmp12:
0x252: {  	_ = 	snop;
	(pc) =	sbr.rel .LBB3_3-.Ltmp12, $1  }
0x253: {  	_ =	sdelay $0x3  }
.LBB3_7:
0x254: {  	p2 =	slt.u32 s20, $0x2  }
.Ltmp13:
0x255: {  	_ = 	snop;
	(pc) =	sbr.rel @p2 .LBB3_20-.Ltmp13, $1  }
0x256: {  	_ =	sdelay $0x3  }
0x257: {  	p2 =	sgt.s32 s21, $0x618D0  }
0x258: {  	s0 =	smov.u32 s21;
	s1 =	sshra.s32 s21, $0x1F;
	s2 =	ssub.s32 $0x61A80, s21  }
0x259: {  	s0 =	simm.s32 @!p2 $0x618D0;
	s1 =	sand.u32 s1, s21;
	p2 =	slt.s32 s2, $0x1B0  }
0x25a: {  	s0 =	ssub.s32 s0, s1;
	s2 =	simm.s32 @!p2 $0x1B0  }
0x25b: {  	s0 =	sadd.s32 $0xFFF9E730, s0;
	s24 =	sshll.u32 s2, $0x4  }
0x25c: {  	s28 =	simm.s32 $0x9;
	s25 =	sshll.u32 s0, $0x2;
	s1 =	sand.u32 $0x3FFFFFF0, s24  }
0x25d: {  	p2 =	sgt.s32 s0, $0x1AF;
	s26 =	ssub.s32 $0x6C0, s25;
	_ =	swait.ge [sflag:s28], s1  }
0x25e: {  	s1 =	ssub.s32 $0x0, s1;
	[sflag:s28] =	ssyncset.done $0x0;
	s0 =	sshrl.u32 s26, $0x2  }
0x25f: {  	s30 =	simm.s32 $0xB;
	[sflag:s28] =	ssyncadd.s32 s1;
	s0 =	simm.s32 @p2 $0x0  }
0x260: {  	_ =	swait.ge [sflag:s30], s0  }
0x261: {  	s0 =	ssub.s32 $0x0, s0;
	[sflag:s30] =	ssyncset.done $0x0  }
0x262: {  	[sflag:s30] =	ssyncadd.s32 s0  }
0x263: {  	v1 =	vld [tilespmem:$0x3648];
	_ =	sdelay $0x4  }
0x264: {  	(v2sf) =	vpush v1, $0x0  }
0x265: {  	(v2sf) =	vpush v1, $0x1  }
0x266: {  	(v2sf) =	vpush v1, $0x2;
	_ =	sdelay $0x3  }
0x267: {  	s0 =	sadd.s32 $0x1B0, s21  }
0x268: {  	s1 =	ssub.s32 $0xC3500, s21;
	p2 =	slt.s32 s7, s0  }
0x269: {  	s0 =	smov.u32 @p2 s7;
	p2 =	sgt.s32 s1, $0x0  }
0x26a: {  	s25 =	ssub.s32 s0, s21;
	s1 =	simm.s32 @!p2 $0x0  }
0x26b: {  	p2 =	slt.s32 s1, s25  }
0x26c: {  	s25 =	smov.u32 @p2 s1  }
0x26d: {  	s24 =	simm.s32 $0x1;
	p2 =	slt.s32 s25, $0x1  }
.Ltmp14:
0x26e: {  	s24 =	simm.s32 @!p4 $0x0;
	(pc) =	sbr.rel @p2 .LBB3_12-.Ltmp14, $4  }
0x26f: {  	s31 =	smul.u32 $0x6C0, s24  }
0x270: {  	s26 =	spop (v2sf)  }
0x271: {  	s0 =	sshrl.u32 s31, $0x2;
	s29 =	spop (v2sf)  }
0x272: {  	s22 =	sadd.s32 $0x3D98, s0;
	s21 =	spop (v2sf)  }
0x273: {  	s0 =	smin.u32 s25, $0x10  }
0x274: {  	v1 =	vmov s0  }
0x275: {  	p3 =	sgt.s32 s25, $0x10;
	vm1 =	vgt.u32 v1, v0  }
.Ltmp15:
0x276: {  	_ = 	snop;
	(pc) =	sbr.rel @!p3 .LBB3_11-.Ltmp15, $2  }
0x277: {  	_ =	sdelay $0x2  }
0x278: {  	s23 =	simm.s32 $0x10;
	s28 =	sadd.s32 $0xFFFFFFF0, s25;
	s0 =	smov.u32 s22;
	vm0 =	vmmov vm1  }
.LBB3_10:
0x279: {  	s1 =	smin.u32 s28, $0x10;
	s23 =	sadd.s32 $0x10, s23;
	v1 =	vld.msk [tilespmem:s0+$0x0 ss:$0x1], vm1  }
0x27a: {  	v2 =	vmov s1;
	p3 =	slt.s32 s23, s25  }
0x27b: {  	vm1 =	vgt.u32 v2, v0  }
.Ltmp16:
0x27c: {  	(pc) =	sbr.rel @p3 .LBB3_10-.Ltmp16, $3  }
0x27d: {  	_ =	sdelay $0x1  }
0x27e: {  	v1 =	vshll.u32 v1, $0x4  }
0x27f: {  	s28 =	sadd.s32 $0xFFFFFFF0, s28;
	[tilespmem:s0+$0x0] =	vst.msk vm0, v1;
	s0 =	sadd.s32 $0x10, s0;
	vm0 =	vmmov vm1  }
.LBB3_11:
0x280: {  	_ =	sdelay $0x4  }
0x281: {  	v1 =	vld.msk [tilespmem:s0+$0x0 ss:$0x1], vm1;
	_ =	sdelay $0x4  }
0x282: {  	v1 =	vshll.u32 v1, $0x4  }
0x283: {  	[tilespmem:s0+$0x0] =	vst.msk vm0, v1  }
.LBB3_12:
0x284: {  	s0 =	sand.u32 $0x1, s20  }
0x285: {  	s0 =	smul.u32 $0x1B0, s0  }
0x286: {  	p3 =	sne.s32 s29, $0xFFFFFFFF  }
0x287: {  	v1 =	vld.msk @!p3 [tilespmem:s0+$0x3D98], $0x1;
	_ =	sdelay $0x4  }
0x288: {  	(v2sf) =	vpush @!p3 v1, $0x0;
	_ =	sdelay $0xc  }
.Ltmp17:
0x289: {  	_ = 	snop;
	(pc) =	sbr.rel @p2 .LBB3_18-.Ltmp17, $4  }
0x28a: {  	_ = 	snop  }
0x28b: {  	s28 =	spop @!p3 (v2sf)  }
0x28c: {  	s21 =	simm.s32 @!p3 $0x0;
	s23 =	smov.u32 s28  }
0x28d: {  	[sflag:s17] =	ssyncpa.u1 $0x0;
	s28 =	smov.u32 @p3 s26;
	s23 =	smov.u32 @p3 s29  }
0x28e: {  	v1 =	vld.msk [tilespmem:s22+$0x0], $0x1;
	_ =	sdelay $0x4  }
0x28f: {  	(v2sf) =	vpush v1, $0x0;
	_ =	sdelay $0xe  }
0x290: {  	s0 =	simm.s32 @!p4 $0x0;
	s26 =	smul.u32 $0x36000, s24;
	s31 =	spop (v2sf)  }
0x291: {  	s29 =	ssub.s32 $0x0, s25;
	s0 =	simm.s32 @p4 $0x1;
	p2 =	seq.s32 s28, s31  }
0x292: {  	s1 =	smov.u32 s28;
	[smem:$0x7FD] =	sst s0;
	p3 =	sgt.s32 @!p2 s28, $0x0  }
0x293: {  	s0 =	sshrl.u32 s26, $0x2;
	s26 =	sadd.s32 $0x1, s29;
	p3 =	por !p3, p2  }
0x294: {  	s1 =	simm.s32 @p3 $0x0;
	p3 =	seq.s32 s26, $0x0  }
.Ltmp18:
0x295: {  	_ = 	snop;
	(pc) =	sbr.rel @p3 .LBB3_15-.Ltmp18, $4  }
0x296: {  	s6 =	smov.u32 s4;
	s25 =	simm.s32 $0x0  }
0x297: {  	s24 =	sadd.s32 $0x40F8, s0;
	s0 =	simm.s32 @!p2 $0x1;
	s2 =	smin.u32 @!p2 s1, $0xC3FFE  }
0x298: {  	s30 =	sadd.s32 $0x1, s22;
	s0 =	smov.u32 @p2 s25;
	s5 =	sand.u32 @!p2 $0xFFFF8, s2  }
0x299: {  	s1 =	simm.s32 @!p2 $0x1B38;
	s2 =	sand.u32 @!p2 $0x7, s2;
	s5 =	sadd.s32 @!p2 s3, s5  }
.LBB3_14:
0x29a: {  	s4 =	smov.u32 s0  }
0x29b: {  	[tilespmem:s1], [sflag:$0x2] =	stream.linear.gather @!p2 [hbm4b:s5+s2], $0x10, $0x38;
	[tilespmem:$0x1F0F8] =	vst v63  }
0x29c: {  	s26 =	sadd.s32 $0x1, s26;
	s2 =	smov.u32 s31;
	v1 =	vld.msk [tilespmem:s30+$0x0], $0x1  }
0x29d: {  	p3 =	seq.s32 s26, $0x0;
	_ =	sdelay $0x3  }
0x29e: {  	(v2sf) =	vpush v1, $0x0;
	_ =	sdelay $0xe  }
0x29f: {  	s31 =	spop (v2sf)  }
0x2a0: {  	p2 =	seq.s32 s2, s31  }
0x2a1: {  	p4 =	sgt.s32 @!p2 s2, $0x0;
	s1 =	sshll.u32 @!p2 s0, $0x6;
	s0 =	sadd.s32 @!p2 $0x1, s0  }
.Ltmp19:
0x2a2: {  	p4 =	por !p4, p2;
	s1 =	sshra.s32 @!p2 s1, $0x2;
	(pc) =	sbr.rel @!p3 .LBB3_14-.Ltmp19, $4  }
0x2a3: {  	s0 =	smov.u32 @p2 s4;
	s2 =	simm.s32 @p4 $0x0;
	s1 =	sadd.s32 @!p2 $0x1B38, s1  }
0x2a4: {  	s2 =	smin.u32 @!p2 s2, $0xC3FFE  }
0x2a5: {  	s4 =	sand.u32 @!p2 $0xFFFF8, s2;
	s2 =	sand.u32 @!p2 $0x7, s2  }
0x2a6: {  	s30 =	sadd.s32 $0x1, s30;
	s5 =	sadd.s32 @!p2 s3, s4  }
.LBB3_15:
0x2a7: {  	[tilespmem:s1], [sflag:$0x2] =	stream.linear.gather @!p2 [hbm4b:s5+s2], $0x10, $0x38;
	[tilespmem:$0x1F0F8] =	vst v63  }
0x2a8: {  	s0 =	sshll.u32 s0, $0x4  }
0x2a9: {  	s31 =	simm.s32 $0x2;
	s0 =	sand.u32 $0x3FFFFFF0, s0  }
0x2aa: {  	_ =	swait.ge [sflag:s31], s0  }
0x2ab: {  	s0 =	ssub.s32 $0x0, s0;
	[sflag:s31] =	ssyncset.done $0x0  }
0x2ac: {  	[sflag:s31] =	ssyncadd.s32 s0  }
0x2ad: {  	v1 =	vld.msk [tilespmem:s22+$0x0], $0x1;
	_ =	sdelay $0x4  }
0x2ae: {  	(v2sf) =	vpush v1, $0x0;
	_ =	sdelay $0xe  }
0x2af: {  	s26 =	spop (v2sf)  }
0x2b0: {  	p2 =	sne.s32 s28, s26  }
0x2b1: {  	p4 =	sne.s32 @p2 s28, s23  }
0x2b2: {  	p3 =	por !p4, !p2  }
0x2b3: {  	s0 =	simm.s32 @!p3 $0x0  }
0x2b4: {  	v1 =	vld @!p3 [tilespmem:s0+$0x1B38]  }
0x2b5: {  	p5 =	sgt.u32 @!p3 s28, $0xC3FFE  }
0x2b6: {  	s1 =	sshll.u32 @!p3 s21, $0x6;
	p6 =	por @p2 p5, !p4  }
0x2b7: {  	s1 =	sshra.s32 @!p3 s1, $0x2;
	p1 =	por p6, !p2;
	p6 =	por p4, !p2  }
0x2b8: {  	s2 =	sadd.s32 @!p3 $0x28, s1;
	s4 =	sand.u32 @!p1 $0xFFFF8, s28;
	s5 =	sshll.u32 @!p6 s21, $0x6  }
0x2b9: {  	s28 =	sand.u32 @!p1 $0x7, s28;
	[tilespmem:s1+$0x28] =	vst.add.f32.msk @!p3 $0xffff, v1;
	s1 =	sadd.s32 @!p1 s3, s4;
	s4 =	sshra.s32 @!p6 s5, $0x2  }
0x2ba: {  	[hbm4b:s1+s28] =	stream.linear.scatter @!p1 [tilespmem:s2], [sflag:$0xC], $0x10, $0x38;
	[tilespmem:$0x1F0F8] =	vst v63  }
0x2bb: {  	s0 =	rddreg [dreg:$0x4];
	s1 =	sadd.s32 @!p6 $0x28, s4;
	s2 =	simm.s32 @!p6 $0x1  }
0x2bc: {  	[spmem:s0] =	stream.linear.scatter @!p6 [tilespmem:s1], [sflag:$0x1], $0x10, $0x38;
	[tilespmem:$0x1F0F8] =	vst v63  }
0x2bd: {  	s0 =	sadd.s32 @p2 $0x1, s21;
	_ =	swait.ge @!p6 [sflag:s2], $0x10  }
0x2be: {  	s1 =	sshrl.u32 @p2 s0, $0x4;
	[sflag:s2] =	ssyncset.done @!p6 $0x0  }
0x2bf: {  	s1 =	smulhi.u32 @p2 $0x97B425F, s1;
	[sflag:s2] =	ssyncadd.s32 @!p6 $0xFFFFFFF0  }
0x2c0: {  	s28 =	sadd.s32 $0x1, s29;
	v1 =	vld @p2 [tilespmem:s24+$0x0]  }
0x2c1: {  	p1 =	por @p2 !p5, !p4;
	p4 =	seq.s32 s28, $0x0;
	s1 =	smul.u32 @p2 $0x1B0, s1  }
.Ltmp20:
0x2c2: {  	p1 =	por !p1, !p2;
	s2 =	simm.s32 @!p3 $0x0;
	(pc) =	sbr.rel @p4 .LBB3_17-.Ltmp20, $4  }
0x2c3: {  	s4 =	sshll.u32 @!p2 s21, $0x6;
	s2 =	simm.s32 @!p1 $0x40;
	s0 =	ssub.s32 @p2 s0, s1  }
0x2c4: {  	s29 =	simm.s32 $0x0;
	s2 =	sadd.s32 @!p3 $0x0, s2;
	s5 =	sshll.u32 @p2 s0, $0x4  }
0x2c5: {  	s30 =	sshra.s32 @!p2 s4, $0x2;
	s1 =	simm.s32 @p2 $0x1;
	s2 =	smov.u32 @p3 s25;
	[tilespmem:s5+$0x28] =	vst @p2 v1  }
0x2c6: {  	s21 =	smov.u32 @p2 s0;
	s29 =	smov.u32 @p2 s2;
	s25 =	smov.u32 @p2 s1;
	v1 =	vld @!p2 [tilespmem:s24+$0x0]  }
.LBB3_16:
0x2c7: {  	_ =	sdelay $0x3  }
0x2c8: {  	s22 =	sadd.s32 $0x1, s22;
	[tilespmem:s30+$0x28] =	vst.add.f32.msk @!p2 $0xffff, v1  }
0x2c9: {  	v1 =	vld.msk [tilespmem:s22+$0x0], $0x1;
	_ =	sdelay $0x4  }
0x2ca: {  	(v2sf) =	vpush v1, $0x0;
	_ =	sdelay $0xe  }
0x2cb: {  	s0 =	smov.u32 s26;
	s26 =	spop (v2sf)  }
0x2cc: {  	p2 =	sne.s32 s0, s26  }
0x2cd: {  	p5 =	sne.s32 @p2 s0, s23  }
0x2ce: {  	s4 =	sshll.u32 @!p2 s21, $0x6;
	p4 =	por !p5, !p2  }
0x2cf: {  	s30 =	sshra.s32 @!p2 s4, $0x2;
	s4 =	sshll.u32 @!p4 s25, $0x6  }
0x2d0: {  	s4 =	sshra.s32 @!p4 s4, $0x2  }
0x2d1: {  	p1 =	sgt.u32 @!p4 s0, $0xC3FFE;
	v1 =	vld @!p4 [tilespmem:s4+$0x1B38]  }
0x2d2: {  	s31 =	sshll.u32 @!p4 s21, $0x6;
	p6 =	por @p2 p1, !p5;
	p1 =	por @p2 !p1, !p5  }
0x2d3: {  	s8 =	simm.s32 @!p4 $0x0;
	s31 =	sshra.s32 @!p4 s31, $0x2;
	p1 =	por !p1, !p2  }
0x2d4: {  	p5 =	por p5, !p2;
	s8 =	simm.s32 @!p1 $0x40;
	p1 =	por p6, !p2  }
0x2d5: {  	s4 =	sadd.s32 @!p4 $0x28, s31;
	s13 =	sshll.u32 @!p5 s21, $0x6;
	s10 =	sand.u32 @!p1 $0xFFFF8, s0  }
0x2d6: {  	s13 =	sshra.s32 @!p5 s13, $0x2;
	s0 =	sand.u32 @!p1 $0x7, s0;
	s10 =	sadd.s32 @!p1 s3, s10;
	[tilespmem:s31+$0x28] =	vst.add.f32.msk @!p4 $0xffff, v1  }
0x2d7: {  	[hbm4b:s10+s0] =	stream.linear.scatter @!p1 [tilespmem:s4], [sflag:$0xC], $0x10, $0x38;
	[tilespmem:$0x1F0F8] =	vst v63  }
0x2d8: {  	s1 =	rddreg [dreg:$0x4];
	s0 =	sadd.s32 @!p5 $0x28, s13;
	s4 =	simm.s32 @!p5 $0x1  }
0x2d9: {  	[spmem:s1] =	stream.linear.scatter @!p5 [tilespmem:s0], [sflag:$0x1], $0x10, $0x38;
	[tilespmem:$0x1F0F8] =	vst v63  }
0x2da: {  	s2 =	sadd.s32 @p2 $0x1, s21;
	_ =	swait.ge @!p5 [sflag:s4], $0x10  }
0x2db: {  	s5 =	sshrl.u32 @p2 s2, $0x4;
	[sflag:s4] =	ssyncset.done @!p5 $0x0  }
0x2dc: {  	s24 =	sadd.s32 $0x80, s24;
	s5 =	smulhi.u32 @p2 $0x97B425F, s5;
	[sflag:s4] =	ssyncadd.s32 @!p5 $0xFFFFFFF0  }
0x2dd: {  	s28 =	sadd.s32 $0x1, s28;
	v1 =	vld @p2 [tilespmem:s24+$0x0]  }
0x2de: {  	p3 =	seq.s32 s28, $0x0;
	s5 =	smul.u32 @p2 $0x1B0, s5  }
.Ltmp21:
0x2df: {  	_ = 	snop;
	(pc) =	sbr.rel @!p3 .LBB3_16-.Ltmp21, $4  }
0x2e0: {  	s2 =	ssub.s32 @p2 s2, s5  }
0x2e1: {  	s8 =	sadd.s32 @!p4 s8, s29;
	s5 =	sshll.u32 @p2 s2, $0x4  }
0x2e2: {  	s9 =	sadd.s32 @p2 $0x1, s25;
	s8 =	smov.u32 @p4 s29;
	[tilespmem:s5+$0x28] =	vst @p2 v1  }
0x2e3: {  	s25 =	smov.u32 @p2 s9;
	s21 =	smov.u32 @p2 s2;
	s29 =	smov.u32 @p2 s8;
	v1 =	vld @!p2 [tilespmem:s24+$0x0]  }
.LBB3_17:
.Ltmp22:
0x2e4: {  	_ = 	snop;
	(pc) =	sbr.rel .LBB3_19-.Ltmp22, $3  }
0x2e5: {  	s1 =	sld [smem:$0x7FD];
	_ =	sdelay $0x1  }
0x2e6: {  	s0 =	sshrl.u32 s29, $0x2;
	s28 =	smov.u32 s26  }
0x2e7: {  	s4 =	smov.u32 s6;
	s6 =	rddreg [dreg:$0x6];
	p4 =	seq.s32 s1, $0x1;
	[tilespmem:s30+$0x28] =	vst.add.f32.msk @!p2 $0xffff, v1  }
.LBB3_21:
0x2e8: {  	_ =	sfence.sel $0x180000  }
0x2e9: {  	s0 =	simm.s32 $0x9;
	[bflag:$0x0] =	sbarrier.arrive $0xFFFF  }
0x2ea: {  	s24 =	simm.s32 $0xA;
	[sflag:s0] =	ssyncpa.u1 $0x1  }
0x2eb: {  	s25 =	simm.s32 $0xB;
	[sflag:s24] =	ssyncpa.u1 $0x1  }
0x2ec: {  	s26 =	simm.s32 $0x2;
	[sflag:s25] =	ssyncpa.u1 $0x1  }
0x2ed: {  	[sflag:s26] =	ssyncpa.u1 $0x1  }
0x2ee: {  	v0 =	vld [tilespmem:$0x3648];
	_ =	sdelay $0x4  }
0x2ef: {  	(v2sf) =	vpush v0, $0x0  }
0x2f0: {  	(v2sf) =	vpush v0, $0x1;
	_ =	sdelay $0x1  }
0x2f1: {  	(v2sf) =	vpush v0, $0x2;
	_ =	sdelay $0xb  }
0x2f2: {  	s0 =	spop (v2sf)  }
0x2f3: {  	s1 =	spop (v2sf)  }
0x2f4: {  	s2 =	smov.u32 s0;
	p0 =	sne.s32 s0, s1  }
0x2f5: {  	s4 =	spop (v2sf);
	s2 =	simm.s32 @!p0 $0xFFFFFFFF  }
0x2f6: {  	v2 =	vimm.s32 $0x1;
	v3 =	vlaneseq.u32;
	p0 =	seq.s32 s4, $0xFFFFFFFF;
	v1 =	vmov s2  }
0x2f7: {  	s16 =	stileid.u32;
	v0 =	vperm.xlane v0, v2;
	p1 =	sne.s32 @!p0 s0, s1;
	v1 =	vperm.xlane v1, v3  }
0x2f8: {  	vm0 =	vcmask $0x3F04;
	s6 =	simm.s32 $0x3648;
	s0 =	simm.s32 @!p0 $0x1;
	p1 =	por !p1, p0  }
0x2f9: {  	s2 =	sshll.u32 s16, $0x1;
	s1 =	sshll.u32 @!p0 s4, $0x6;
	s0 =	simm.s32 @p1 $0x0;
	v0 =	vsel vm0, v1, v0  }
0x2fa: {  	s5 =	sor.u32 $0x200, s2;
	s1 =	sshra.s32 @!p0 s1, $0x2;
	s0 =	sor.u32 @!p0 s0, s2;
	[tilespmem:$0x3648] =	vst v0  }
0x2fb: {  	[spmem:s5] =	stream.linear.scatter [tilespmem:s6], [sflag:$0x1], $0x2, $0x38;
	[tilespmem:$0x1F0F8] =	vst v63  }
0x2fc: {  	s1 =	sadd.s32 @!p0 $0x28, s1;
	s0 =	sshll.u32 @!p0 s0, $0x4  }
0x2fd: {  	[spmem:s0] =	stream.linear.scatter @!p0 [tilespmem:s1], [sflag:$0x1], $0x10, $0x38;
	[tilespmem:$0x1F0F8] =	vst v63  }
0x2fe: {  	s0 =	simm.s32 @!p0 $0x12  }
0x2ff: {  	s28 =	simm.s32 $0x1;
	s0 =	simm.s32 @p0 $0x2  }
0x300: {  	_ =	swait.ge [sflag:s28], s0  }
0x301: {  	s0 =	ssub.s32 $0x0, s0;
	[sflag:s28] =	ssyncset.done $0x0  }
0x302: {  	p0 =	sne.s32 s16, $0x0;
	[sflag:s28] =	ssyncadd.s32 s0  }
.Ltmp23:
0x303: {  	_ =	sfence.stream.spmem;
	(pc) =	sbr.rel @p0 .LBB3_38-.Ltmp23, $4  }
0x304: {  	s29 =	simm.s32 $0x3;
	[bflag:$0x0] =	sbarrier.arrive $0xFFFF  }
0x305: {  	s30 =	simm.s32 $0x4;
	[sflag:s29] =	ssyncpa.u1 $0x1  }
0x306: {  	s31 =	simm.s32 $0x3C;
	[sflag:s30] =	ssyncpa.u1 $0x1  }
0x307: {  	s17 =	rddreg [dreg:$0x5];
	[sflag:s31] =	ssyncpa.u1 $0x1  }
0x308: {  	_ =	sfence.stream.spmem;
	s0 =	simm.s32 $0x5  }
0x309: {  	s1 =	simm.s32 $0x200;
	s2 =	simm.s32 $0x3658;
	[sflag:s0] =	ssyncpa.u1 $0x0  }
0x30a: {  	[tilespmem:s2], [sflag:$0x5] =	stream.linear.gather [spmem:s1], $0x20, $0x38;
	[tilespmem:$0x1F0F8] =	vst v63  }
0x30b: {  	s26 =	simm.s32 $0x0;
	s28 =	simm.s32 $0x3678  }
0x30c: {  	[tilespmem:s28], [sflag:$0x5] =	stream.linear.gather [spmem:s26], $0x200, $0x38;
	[tilespmem:$0x1F0F8] =	vst v63  }
0x30d: {  	_ =	swait.ge [sflag:s0], $0x220  }
0x30e: {  	[sflag:s0] =	ssyncset.done $0x0  }
0x30f: {  	s29 =	simm.s32 $0x0;
	[sflag:s0] =	ssyncadd.s32 $0xFFFFFDE0  }
0x310: {  	v0 =	vld.msk [tilespmem:s29+$0x3658], $0x1;
	_ =	sdelay $0x1  }
0x311: {  	s30 =	simm.s32 $0x1  }
0x312: {  	v1 =	vld.msk [tilespmem:s30+$0x3658], $0x1;
	_ =	sdelay $0x1  }
0x313: {  	(v2sf) =	vpush v0, $0x0;
	_ =	sdelay $0x2  }
0x314: {  	(v2sf) =	vpush v1, $0x0;
	_ =	sdelay $0x2  }
0x315: {  	s31 =	simm.s32 $0x2  }
0x316: {  	v0 =	vld.msk [tilespmem:s31+$0x3658], $0x1;
	_ =	sdelay $0x2  }
0x317: {  	s6 =	simm.s32 $0xFFFFFFFF;
	s1 =	simm.s32 $0xFFFFFFFF;
	s0 =	simm.s32 $0xC  }
.LBB3_23:
0x318: {  	s2 =	smov.u32 s6;
	s4 =	smov.u32 s1  }
0x319: {  	s1 =	sshra.s32 s0, $0x2;
	p1 =	sne.s32 s0, $0x7C;
	s0 =	sadd.s32 $0x4, s0;
	(v2sf) =	vpush v0, $0x0  }
0x31a: {  	v0 =	vld.msk [tilespmem:s1+$0x3658], $0x1  }
.Ltmp24:
0x31b: {  	(pc) =	sbr.rel @p1 .LBB3_23-.Ltmp24, $4  }
0x31c: {  	s6 =	spop (v2sf)  }
0x31d: {  	p2 =	sne.s32 s4, $0xFFFFFFFF;
	s1 =	smov.u32 s6  }
0x31e: {  	p3 =	seq.s32 s6, $0xFFFFFFFF;
	s1 =	smov.u32 @p2 s4  }
0x31f: {  	s6 =	smov.u32 @p3 s2;
	s1 =	smov.u32 @p3 s4  }
0x320: {  	(v2sf) =	vpush v0, $0x0;
	_ =	sdelay $0x8  }
0x321: {  	s0 =	spop (v2sf)  }
0x322: {  	p1 =	sne.s32 s1, $0xFFFFFFFF;
	s2 =	smov.u32 s0  }
0x323: {  	s9 =	simm.s32 $0x6;
	p2 =	seq.s32 s0, $0xFFFFFFFF;
	s2 =	smov.u32 @p1 s1  }
0x324: {  	s10 =	simm.s32 $0x3638;
	s2 =	smov.u32 @p2 s1;
	s1 =	spop (v2sf)  }
0x325: {  	s0 =	smov.u32 @p2 s6;
	p1 =	sne.s32 s2, $0xFFFFFFFF;
	s4 =	smov.u32 s1  }
.Ltmp25:
0x326: {  	p2 =	seq.s32 s1, $0xFFFFFFFF;
	s4 =	smov.u32 @p1 s2;
	(pc) =	sbr.rel .LBB3_25-.Ltmp25, $4  }
0x327: {  	s11 =	simm.s32 $0x0;
	s4 =	smov.u32 @p2 s2;
	s7 =	spop (v2sf)  }
0x328: {  	[sflag:s9] =	ssyncpa.u1 $0x0;
	p1 =	sne.s32 s4, $0xFFFFFFFF;
	s8 =	smov.u32 s7  }
0x329: {  	s1 =	smov.u32 @p2 s0;
	p2 =	seq.s32 s7, $0xFFFFFFFF;
	s8 =	smov.u32 @p1 s4  }
0x32a: {  	s6 =	simm.s32 $0x0;
	s7 =	smov.u32 @p2 s1;
	s8 =	smov.u32 @p2 s4  }
.LBB3_30:
0x32b: {  	p1 =	sgt.u32 s12, $0xC3FFE  }
0x32c: {  	p2 =	seq.s32 @!p1 s12, s8  }
0x32d: {  	p1 =	por p1, p2  }
0x32e: {  	p2 =	sne.s32 @!p1 s12, s7  }
0x32f: {  	p1 =	por p1, !p2  }
0x330: {  	s0 =	sshll.u32 @p1 s11, $0x6  }
0x331: {  	s0 =	sand.u32 @!p1 $0xFFFF8, s12  }
0x332: {  	s1 =	sand.u32 @!p1 $0x7, s12;
	s0 =	sadd.s32 @!p1 s3, s0  }
0x333: {  	[tilespmem:s10], [sflag:$0x6] =	stream.linear.gather @!p1 [hbm4b:s0+s1], $0x10, $0x38;
	[tilespmem:$0x1F0F8] =	vst v63  }
0x334: {  	_ =	swait.ge @!p1 [sflag:s9], $0x10  }
0x335: {  	[sflag:s9] =	ssyncset.done @!p1 $0x0  }
0x336: {  	[sflag:s9] =	ssyncadd.s32 @!p1 $0xFFFFFFF0  }
0x337: {  	v1 =	vld @!p1 [tilespmem:$0x3638];
	_ =	sdelay $0x2  }
0x338: {  	s0 =	sshll.u32 @!p1 s11, $0x6  }
0x339: {  	s1 =	sshrl.u32 @!p1 s0, $0x2  }
0x33a: {  	[tilespmem:s1+$0x3678] =	vst.add.f32.msk @!p1 $0xffff, v1  }
0x33b: {  	s0 =	sshrl.u32 s0, $0x2;
	[tilespmem:s6+$0x3658] =	vst.msk $0x1, v0  }
0x33c: {  	v0 =	vld [tilespmem:s0+$0x3678];
	_ =	sdelay $0x2  }
0x33d: {  	s31 =	sshll.u32 s6, $0x6  }
0x33e: {  	s0 =	sshra.s32 s31, $0x2  }
0x33f: {  	s6 =	sadd.s32 $0x1, s6;
	[tilespmem:s0+$0x3678] =	vst v0  }
.LBB3_32:
0x340: {  	s11 =	sadd.s32 $0x1, s11  }
0x341: {  	p1 =	sne.s32 s11, $0x20  }
.Ltmp26:
0x342: {  	_ = 	snop;
	(pc) =	sbr.rel @!p1 .LBB3_33-.Ltmp26, $1  }
0x343: {  	_ =	sdelay $0x3  }
.LBB3_25:
0x344: {  	v0 =	vld.msk [tilespmem:s11+$0x3658], $0x1;
	_ =	sdelay $0x4  }
0x345: {  	(v2sf) =	vpush v0, $0x0;
	_ =	sdelay $0xe  }
0x346: {  	s12 =	spop (v2sf)  }
0x347: {  	p1 =	seq.s32 s12, $0xFFFFFFFF  }
.Ltmp27:
0x348: {  	_ = 	snop;
	(pc) =	sbr.rel @p1 .LBB3_32-.Ltmp27, $1  }
0x349: {  	_ =	sdelay $0x3  }
0x34a: {  	p1 =	slt.s32 s6, $0x1  }
.Ltmp28:
0x34b: {  	_ = 	snop;
	(pc) =	sbr.rel @p1 .LBB3_30-.Ltmp28, $1  }
0x34c: {  	_ =	sdelay $0x3  }
0x34d: {  	s13 =	simm.s32 $0x3658;
	p1 =	por $0x0, $0x0  }
0x34e: {  	v1 =	vld.msk @!p1 [tilespmem:s13+$0x0], $0x1;
	_ =	sdelay $0x4  }
0x34f: {  	(v2sf) =	vpush @!p1 v1, $0x0;
	_ =	sdelay $0xd  }
0x350: {  	p3 =	sne.s32 s6, $0x1  }
.Ltmp29:
0x351: {  	s0 =	spop @!p1 (v2sf);
	(pc) =	sbr.rel @!p3 .LBB3_29-.Ltmp29, $4  }
0x352: {  	p2 =	seq.s32 @!p1 s12, s0  }
0x353: {  	s14 =	simm.s32 $0x0;
	p2 =	por !p2, p1  }
0x354: {  	s0 =	simm.s32 $0xFFFFFFFF;
	s14 =	simm.s32 @p2 $0xFFFFFFFF  }
0x355: {  	s15 =	simm.s32 $0x1;
	s14 =	smov.u32 @p1 s0  }
.LBB3_28:
0x356: {  	s0 =	smov.u32 s14;
	p1 =	sne.s32 s14, $0xFFFFFFFF  }
0x357: {  	s13 =	sadd.s32 $0x1, s13;
	s14 =	smov.u32 s15;
	s15 =	sadd.s32 $0x1, s15  }
0x358: {  	p2 =	sne.s32 s6, s15;
	v1 =	vld.msk @!p1 [tilespmem:s13+$0x0], $0x1;
	_ =	sdelay $0x4  }
0x359: {  	(v2sf) =	vpush @!p1 v1, $0x0;
	_ =	sdelay $0xe  }
.Ltmp30:
0x35a: {  	s1 =	spop @!p1 (v2sf);
	(pc) =	sbr.rel @p2 .LBB3_28-.Ltmp30, $4  }
0x35b: {  	p3 =	seq.s32 @!p1 s12, s1  }
0x35c: {  	p3 =	por !p3, p1  }
0x35d: {  	s14 =	simm.s32 @p3 $0xFFFFFFFF  }
0x35e: {  	s14 =	smov.u32 @p1 s0  }
.LBB3_29:
0x35f: {  	p1 =	sne.s32 s14, $0xFFFFFFFF  }
.Ltmp31:
0x360: {  	_ = 	snop;
	(pc) =	sbr.rel @!p1 .LBB3_30-.Ltmp31, $1  }
0x361: {  	_ =	sdelay $0x3  }
0x362: {  	s0 =	sshll.u32 s11, $0x4  }
0x363: {  	s0 =	sand.u32 $0x3FFFFFF0, s0  }
0x364: {  	v0 =	vld [tilespmem:s0+$0x3678]  }
.Ltmp32:
0x365: {  	_ = 	snop;
	(pc) =	sbr.rel .LBB3_32-.Ltmp32, $4  }
0x366: {  	_ = 	snop  }
0x367: {  	s31 =	sshll.u32 s14, $0x6  }
0x368: {  	s0 =	sshra.s32 s31, $0x2  }
0x369: {  	[tilespmem:s0+$0x3678] =	vst.add.f32.msk $0xffff, v0  }
.LBB3_33:
0x36a: {  	s0 =	simm.s32 $0x6;
	p1 =	seq.s32 s6, $0x0  }
0x36b: {  	[sflag:s0] =	ssyncpa.u1 $0x1;
	v0 =	vimm.s32 @p1 $0xFFFFFFFF  }
0x36c: {  	s9 =	sadd.s32 $0xFFFFFFFF, s6;
	[tilespmem:$0x3878] =	vst @p1 v0  }
0x36d: {  	v0 =	vld.msk @!p1 [tilespmem:s9+$0x3658], $0x1;
	_ =	sdelay $0x1  }
0x36e: {  	v1 =	vld.msk @!p1 [tilespmem:$0x3658], $0x1;
	_ =	sdelay $0x2  }
0x36f: {  	p2 =	seq.s32 @!p1 s9, $0x0;
	v0 =	vbroadcast @!p1 v0, $0x0  }
0x370: {  	vm0 =	vmmov @!p1 $0x1;
	p2 =	por !p2, p1  }
0x371: {  	v1 =	vnsel @!p1 vm0, $0xFFFFFFFF, v1;
	vm0 =	vcmask @!p1 $0x308;
	v0 =	vpsel !p2, $0xFFFFFFFF, v0  }
0x372: {  	p2 =	sne.s32 @!p1 s8, s7;
	v0 =	vsel @!p1 vm0, v1, v0  }
0x373: {  	s0 =	simm.s32 @!p1 $0x3678;
	s1 =	simm.s32 @!p1 $0x0;
	p3 =	por !p2, p1;
	[tilespmem:$0x3878] =	vst @!p1 v0  }
0x374: {  	[spmem:s1] =	stream.linear.scatter @!p1 [tilespmem:s0], [sflag:$0x1], $0x10, $0x38;
	[tilespmem:$0x1F0F8] =	vst v63  }
0x375: {  	s0 =	sshll.u32 @!p3 s9, $0x6  }
0x376: {  	s0 =	sshra.s32 @!p3 s0, $0x2  }
0x377: {  	s1 =	simm.s32 @!p3 $0x10;
	s0 =	sadd.s32 @!p3 $0x3678, s0  }
0x378: {  	[spmem:s1] =	stream.linear.scatter @!p3 [tilespmem:s0], [sflag:$0x1], $0x10, $0x38;
	[tilespmem:$0x1F0F8] =	vst v63  }
0x379: {  	s0 =	simm.s32 @!p3 $0x1  }
0x37a: {  	_ =	swait.ge @!p3 [sflag:s0], $0x20  }
0x37b: {  	p1 =	por p2, p1;
	[sflag:s0] =	ssyncset.done @!p3 $0x0  }
0x37c: {  	[sflag:s0] =	ssyncadd.s32 @!p3 $0xFFFFFFE0;
	s0 =	simm.s32 @!p1 $0x1  }
0x37d: {  	_ =	swait.ge @!p1 [sflag:s0], $0x10  }
0x37e: {  	s29 =	simm.s32 $0x3878;
	[sflag:s0] =	ssyncset.done @!p1 $0x0  }
0x37f: {  	s30 =	simm.s32 $0x200;
	s31 =	simm.s32 $0x1;
	[sflag:s0] =	ssyncadd.s32 @!p1 $0xFFFFFFF0  }
0x380: {  	[spmem:s30] =	stream.linear.scatter [tilespmem:s29], [sflag:$0x1], $0x10, $0x38;
	[tilespmem:$0x1F0F8] =	vst v63  }
0x381: {  	_ =	swait.ge [sflag:s31], $0x10  }
0x382: {  	[sflag:s31] =	ssyncset.done $0x0  }
0x383: {  	p1 =	seq.s32 s17, $0x0;
	s8 =	rddreg [dreg:$0x1];
	[sflag:s31] =	ssyncadd.s32 $0xFFFFFFF0  }
0x384: {  	s1 =	sshll.u32 @p1 s8, $0xE;
	s7 =	rddreg [dreg:$0x2]  }
0x385: {  	s0 =	sadd.s32 @p1 $0x15C3C, s1;
	s1 =	sshll.u32 @p1 s7, $0x11  }
0x386: {  	_ =	sfence.stream.spmem;
	s0 =	sor.u32 @p1 s1, s0  }
0x387: {  	[sflag:s0] =	ssyncadd.remote.s32 @p1 $0x1;
	s0 =	simm.s32 @p1 $0x4  }
0x388: {  	s2 =	simm.s32 @!p1 $0x3C;
	s1 =	sand.u32 $0xFFFFFFFE, s8;
	_ =	swait.ge @p1 [sflag:s0], $0x6  }
0x389: {  	s4 =	simm.s32 @!p1 $0x0;
	s1 =	sadd.s32 @!p1 $0x4, s1;
	[sflag:s0] =	ssyncset.done @p1 $0x0  }
0x38a: {  	s5 =	simm.s32 @!p1 $0x20;
	[sflag:s0] =	ssyncadd.s32 @p1 $0xFFFFFFFA;
	s0 =	sshll.u32 @!p1 s1, $0x1A  }
0x38b: {  	s1 =	sshll.u32 @!p1 s1, $0xD;
	s0 =	sor.u32 @!p1 s0, s7;
	_ =	swait.eq @!p1 [sflag:s2], $0x1  }
0x38c: {  	s1 =	sor.u32 @!p1 $0x1C04, s1;
	s2 =	simm.s32 @!p1 $0x1C03;
	s0 =	sor.u32 @!p1 $0x80004000, s0  }
0x38d: {  	[spmem:s5], [sflag:s1] =	dma.general @!p1 [spmem:s4], [sflag:s2], length:$0x4, [dreg:$0x0], stride_count:$0x0, ici_dest:s0, dma_misc:DstOpCode:WRITE  }
0x38e: {  	p2 =	slt.s32 s9, $0x2;
	s4 =	simm.s32 @!p1 $0x40;
	s5 =	simm.s32 @!p1 $0x42  }
0x38f: {  	[spmem:s5], [sflag:s1] =	dma.general @!p1 [spmem:s4], [sflag:s2], length:$0x2, [dreg:$0x0], stride_count:$0x0, ici_dest:s0, dma_misc:DstOpCode:WRITE  }
.Ltmp33:
0x390: {  	s0 =	simm.s32 @!p1 $0x3;
	(pc) =	sbr.rel @p2 .LBB3_37-.Ltmp33, $4  }
0x391: {  	s1 =	sshll.u32 @!p1 s8, $0xE;
	_ =	swait.ge @!p1 [sflag:s0], $0x6  }
0x392: {  	s2 =	sshll.u32 @!p1 s7, $0x11;
	s1 =	sadd.s32 @!p1 $0x11C3C, s1;
	[sflag:s0] =	ssyncset.done @!p1 $0x0  }
0x393: {  	[sflag:s0] =	ssyncadd.s32 @!p1 $0xFFFFFFFA;
	s0 =	sor.u32 @!p1 s2, s1  }
0x394: {  	[sflag:s0] =	ssyncadd.remote.s32 @!p1 $0xFFFFFFFF;
	s0 =	simm.s32 $0x0  }
0x395: {  	s0 =	simm.s32 $0x3659  }
0x396: {  	v0 =	vld.msk [tilespmem:s0+$0x0], $0x1;
	_ =	sdelay $0x4  }
0x397: {  	(v2sf) =	vpush v0, $0x0;
	_ =	sdelay $0xd  }
0x398: {  	s2 =	sadd.s32 $0xFFFFFFFE, s6  }
0x399: {  	s2 =	sadd.s32 $0xFFFFFFFF, s2;
	s0 =	spop (v2sf)  }
0x39a: {  	p2 =	sne.s32 s2, $0x0;
	p1 =	sgt.u32 s0, $0xC3FFE  }
.Ltmp34:
0x39b: {  	s4 =	sand.u32 @!p1 $0xFFFF8, s0;
	(pc) =	sbr.rel @!p2 .LBB3_36-.Ltmp34, $4  }
0x39c: {  	s1 =	simm.s32 $0x3688;
	s0 =	sand.u32 @!p1 $0x7, s0;
	s4 =	sadd.s32 @!p1 s3, s4  }
0x39d: {  	[hbm4b:s4+s0] =	stream.linear.scatter @!p1 [tilespmem:s1], [sflag:$0x5], $0x10, $0x38;
	[tilespmem:$0x1F0F8] =	vst v63  }
0x39e: {  	s0 =	simm.s32 $0x0  }
0x39f: {  	s6 =	simm.s32 $0x0;
	s7 =	simm.s32 $0x365A;
	s0 =	simm.s32 @!p1 $0x40  }
.LBB3_35:
0x3a0: {  	v0 =	vld.msk [tilespmem:s7+$0x0], $0x1;
	s2 =	sadd.s32 $0xFFFFFFFF, s2;
	s6 =	sadd.s32 s6, s0  }
0x3a1: {  	p1 =	sne.s32 s2, $0x0;
	_ =	sdelay $0x3  }
0x3a2: {  	(v2sf) =	vpush v0, $0x0;
	_ =	sdelay $0xe  }
.Ltmp35:
0x3a3: {  	s4 =	spop (v2sf);
	(pc) =	sbr.rel @p1 .LBB3_35-.Ltmp35, $4  }
0x3a4: {  	s0 =	simm.s32 $0x0;
	p2 =	sgt.u32 s4, $0xC3FFE  }
0x3a5: {  	s1 =	sadd.s32 $0x10, s1;
	s0 =	simm.s32 @!p2 $0x40;
	s5 =	sand.u32 @!p2 $0xFFFF8, s4  }
0x3a6: {  	s7 =	sadd.s32 $0x1, s7;
	s4 =	sand.u32 @!p2 $0x7, s4;
	s5 =	sadd.s32 @!p2 s3, s5  }
0x3a7: {  	[hbm4b:s5+s4] =	stream.linear.scatter @!p2 [tilespmem:s1], [sflag:$0x5], $0x10, $0x38;
	[tilespmem:$0x1F0F8] =	vst v63  }
.LBB3_36:
0x3a8: {  	s0 =	sadd.s32 s6, s0  }
0x3a9: {  	s0 =	sshrl.u32 s0, $0x2  }
.LBB3_37:
0x3aa: {  	s1 =	simm.s32 $0x5  }
0x3ab: {  	_ =	swait.ge [sflag:s1], s0  }
0x3ac: {  	s31 =	ssub.s32 $0x0, s0;
	[sflag:s1] =	ssyncset.done $0x0  }
0x3ad: {  	[sflag:s1] =	ssyncadd.s32 s31  }
0x3ae: {  	[sflag:s1] =	ssyncpa.u1 $0x1  }
.LBB3_38:
0x3af: {  	s0 =	sor.u32 s17, s16  }
0x3b0: {  	p1 =	sne.s32 s0, $0x0  }
.Ltmp36:
0x3b1: {  	_ = 	snop;
	(pc) =	sbr.rel @p1 .LBB3_53-.Ltmp36, $3  }
0x3b2: {  	_ =	sdelay $0x1  }
0x3b3: {  	[bflag:$0x0] =	sbarrier.arrive $0xFFFF  }
0x3b4: {  	_ =	sfence  }
0x3b5: {  	s0 =	simm.s32 $0x7  }
0x3b6: {  	s1 =	simm.s32 $0x200;
	s2 =	simm.s32 $0x3658;
	[sflag:s0] =	ssyncpa.u1 $0x0  }
0x3b7: {  	[tilespmem:s2], [sflag:$0x7] =	stream.linear.gather [spmem:s1], $0x20, $0x38;
	[tilespmem:$0x1F0F8] =	vst v63  }
0x3b8: {  	s30 =	simm.s32 $0x3678;
	s1 =	simm.s32 $0x0  }
0x3b9: {  	[tilespmem:s30], [sflag:$0x7] =	stream.linear.gather [spmem:s1], $0x200, $0x38;
	[tilespmem:$0x1F0F8] =	vst v63  }
.Ltmp37:
0x3ba: {  	_ = 	snop;
	(pc) =	sbr.rel .LBB3_40-.Ltmp37, $4  }
0x3bb: {  	_ =	swait.ge [sflag:s0], $0x220  }
0x3bc: {  	[sflag:s0] =	ssyncset.done $0x0  }
0x3bd: {  	s31 =	simm.s32 $0x8;
	[sflag:s0] =	ssyncadd.s32 $0xFFFFFDE0  }
0x3be: {  	s2 =	simm.s32 $0x0;
	[sflag:s31] =	ssyncpa.u1 $0x0  }
.LBB3_45:
0x3bf: {  	p1 =	slt.u32 s4, $0xC3FFF  }
0x3c0: {  	s0 =	sand.u32 @p1 $0xFFFF8, s4  }
0x3c1: {  	s4 =	sand.u32 @p1 $0x7, s4;
	s5 =	simm.s32 @p1 $0x3638;
	s0 =	sadd.s32 @p1 s3, s0  }
0x3c2: {  	[tilespmem:s5], [sflag:$0x8] =	stream.linear.gather @p1 [hbm4b:s0+s4], $0x10, $0x38;
	[tilespmem:$0x1F0F8] =	vst v63  }
0x3c3: {  	s0 =	simm.s32 @p1 $0x8  }
0x3c4: {  	_ =	swait.ge @p1 [sflag:s0], $0x10  }
0x3c5: {  	[sflag:s0] =	ssyncset.done @p1 $0x0  }
0x3c6: {  	[sflag:s0] =	ssyncadd.s32 @p1 $0xFFFFFFF0  }
0x3c7: {  	v1 =	vld @p1 [tilespmem:$0x3638];
	_ =	sdelay $0x2  }
0x3c8: {  	s0 =	sshll.u32 @p1 s2, $0x6  }
0x3c9: {  	s5 =	sshll.u32 @!p1 s2, $0x6;
	s4 =	sshrl.u32 @p1 s0, $0x2  }
0x3ca: {  	s5 =	smov.u32 @p1 s0;
	[tilespmem:s4+$0x3678] =	vst.add.f32.msk @p1 $0xffff, v1  }
0x3cb: {  	s0 =	sshrl.u32 s5, $0x2;
	[tilespmem:s1+$0x3658] =	vst.msk $0x1, v0  }
0x3cc: {  	v0 =	vld [tilespmem:s0+$0x3678];
	_ =	sdelay $0x2  }
0x3cd: {  	s31 =	sshll.u32 s1, $0x6  }
0x3ce: {  	s0 =	sshra.s32 s31, $0x2  }
0x3cf: {  	s1 =	sadd.s32 $0x1, s1;
	[tilespmem:s0+$0x3678] =	vst v0  }
.LBB3_47:
0x3d0: {  	s2 =	sadd.s32 $0x1, s2  }
0x3d1: {  	p1 =	sne.s32 s2, $0x20  }
.Ltmp38:
0x3d2: {  	_ = 	snop;
	(pc) =	sbr.rel @!p1 .LBB3_48-.Ltmp38, $1  }
0x3d3: {  	_ =	sdelay $0x3  }
.LBB3_40:
0x3d4: {  	v0 =	vld.msk [tilespmem:s2+$0x3658], $0x1;
	_ =	sdelay $0x4  }
0x3d5: {  	(v2sf) =	vpush v0, $0x0;
	_ =	sdelay $0xe  }
0x3d6: {  	s4 =	spop (v2sf)  }
0x3d7: {  	p1 =	seq.s32 s4, $0xFFFFFFFF  }
.Ltmp39:
0x3d8: {  	_ = 	snop;
	(pc) =	sbr.rel @p1 .LBB3_47-.Ltmp39, $1  }
0x3d9: {  	_ =	sdelay $0x3  }
0x3da: {  	p1 =	slt.s32 s1, $0x1  }
.Ltmp40:
0x3db: {  	_ = 	snop;
	(pc) =	sbr.rel @p1 .LBB3_45-.Ltmp40, $1  }
0x3dc: {  	_ =	sdelay $0x3  }
0x3dd: {  	s5 =	simm.s32 $0x3658;
	p1 =	por $0x0, $0x0  }
0x3de: {  	v1 =	vld.msk @!p1 [tilespmem:s5+$0x0], $0x1;
	_ =	sdelay $0x4  }
0x3df: {  	(v2sf) =	vpush @!p1 v1, $0x0;
	_ =	sdelay $0xd  }
0x3e0: {  	p3 =	sne.s32 s1, $0x1  }
.Ltmp41:
0x3e1: {  	s0 =	spop @!p1 (v2sf);
	(pc) =	sbr.rel @!p3 .LBB3_44-.Ltmp41, $4  }
0x3e2: {  	p2 =	seq.s32 @!p1 s4, s0  }
0x3e3: {  	s6 =	simm.s32 $0x0;
	p2 =	por !p2, p1  }
0x3e4: {  	s0 =	simm.s32 $0xFFFFFFFF;
	s6 =	simm.s32 @p2 $0xFFFFFFFF  }
0x3e5: {  	s7 =	simm.s32 $0x1;
	s6 =	smov.u32 @p1 s0  }
.LBB3_43:
0x3e6: {  	s0 =	smov.u32 s6;
	p1 =	sne.s32 s6, $0xFFFFFFFF  }
0x3e7: {  	s5 =	sadd.s32 $0x1, s5;
	s6 =	smov.u32 s7;
	s7 =	sadd.s32 $0x1, s7  }
0x3e8: {  	p2 =	sne.s32 s1, s7;
	v1 =	vld.msk @!p1 [tilespmem:s5+$0x0], $0x1;
	_ =	sdelay $0x4  }
0x3e9: {  	(v2sf) =	vpush @!p1 v1, $0x0;
	_ =	sdelay $0xe  }
.Ltmp42:
0x3ea: {  	s8 =	spop @!p1 (v2sf);
	(pc) =	sbr.rel @p2 .LBB3_43-.Ltmp42, $4  }
0x3eb: {  	p3 =	seq.s32 @!p1 s4, s8  }
0x3ec: {  	p3 =	por !p3, p1  }
0x3ed: {  	s6 =	simm.s32 @p3 $0xFFFFFFFF  }
0x3ee: {  	s6 =	smov.u32 @p1 s0  }
.LBB3_44:
0x3ef: {  	p1 =	sne.s32 s6, $0xFFFFFFFF  }
.Ltmp43:
0x3f0: {  	_ = 	snop;
	(pc) =	sbr.rel @!p1 .LBB3_45-.Ltmp43, $1  }
0x3f1: {  	_ =	sdelay $0x3  }
0x3f2: {  	s0 =	sshll.u32 s2, $0x4  }
0x3f3: {  	s0 =	sand.u32 $0x3FFFFFF0, s0  }
0x3f4: {  	v0 =	vld [tilespmem:s0+$0x3678]  }
.Ltmp44:
0x3f5: {  	_ = 	snop;
	(pc) =	sbr.rel .LBB3_47-.Ltmp44, $4  }
0x3f6: {  	_ = 	snop  }
0x3f7: {  	s31 =	sshll.u32 s6, $0x6  }
0x3f8: {  	s0 =	sshra.s32 s31, $0x2  }
0x3f9: {  	[tilespmem:s0+$0x3678] =	vst.add.f32.msk $0xffff, v0  }
.LBB3_48:
0x3fa: {  	p1 =	slt.s32 s1, $0x1  }
.Ltmp45:
0x3fb: {  	_ = 	snop;
	(pc) =	sbr.rel @p1 .LBB3_52-.Ltmp45, $3  }
0x3fc: {  	_ =	sdelay $0x1  }
0x3fd: {  	s0 =	simm.s32 $0x8  }
0x3fe: {  	s2 =	simm.s32 $0x0;
	[sflag:s0] =	ssyncpa.u1 $0x1  }
0x3ff: {  	s0 =	simm.s32 $0x3658  }
0x400: {  	v0 =	vld.msk [tilespmem:s0+$0x0], $0x1;
	_ =	sdelay $0x4  }
0x401: {  	(v2sf) =	vpush v0, $0x0;
	_ =	sdelay $0xe  }
0x402: {  	s1 =	sadd.s32 $0xFFFFFFFF, s1;
	s0 =	spop (v2sf)  }
0x403: {  	p2 =	sne.s32 s1, $0x0;
	p1 =	sgt.u32 s0, $0xC3FFE  }
.Ltmp46:
0x404: {  	s5 =	sand.u32 @!p1 $0xFFFF8, s0;
	(pc) =	sbr.rel @!p2 .LBB3_51-.Ltmp46, $4  }
0x405: {  	s4 =	simm.s32 $0x3678;
	s0 =	sand.u32 @!p1 $0x7, s0;
	s5 =	sadd.s32 @!p1 s3, s5  }
0x406: {  	[hbm4b:s5+s0] =	stream.linear.scatter @!p1 [tilespmem:s4], [sflag:$0x7], $0x10, $0x38;
	[tilespmem:$0x1F0F8] =	vst v63  }
0x407: {  	s0 =	simm.s32 $0x0  }
0x408: {  	s5 =	simm.s32 $0x3659;
	s0 =	simm.s32 @!p1 $0x40  }
.LBB3_50:
0x409: {  	v0 =	vld.msk [tilespmem:s5+$0x0], $0x1;
	s1 =	sadd.s32 $0xFFFFFFFF, s1;
	s2 =	sadd.s32 s2, s0  }
0x40a: {  	p1 =	sne.s32 s1, $0x0;
	_ =	sdelay $0x3  }
0x40b: {  	(v2sf) =	vpush v0, $0x0;
	_ =	sdelay $0xe  }
.Ltmp47:
0x40c: {  	s6 =	spop (v2sf);
	(pc) =	sbr.rel @p1 .LBB3_50-.Ltmp47, $4  }
0x40d: {  	s0 =	simm.s32 $0x0;
	p2 =	sgt.u32 s6, $0xC3FFE  }
0x40e: {  	s4 =	sadd.s32 $0x10, s4;
	s0 =	simm.s32 @!p2 $0x40;
	s7 =	sand.u32 @!p2 $0xFFFF8, s6  }
0x40f: {  	s5 =	sadd.s32 $0x1, s5;
	s6 =	sand.u32 @!p2 $0x7, s6;
	s7 =	sadd.s32 @!p2 s3, s7  }
0x410: {  	[hbm4b:s7+s6] =	stream.linear.scatter @!p2 [tilespmem:s4], [sflag:$0x7], $0x10, $0x38;
	[tilespmem:$0x1F0F8] =	vst v63  }
.LBB3_51:
0x411: {  	s0 =	sadd.s32 s2, s0  }
0x412: {  	s2 =	sshrl.u32 s0, $0x2  }
.LBB3_52:
0x413: {  	s0 =	simm.s32 $0x7  }
0x414: {  	_ =	swait.ge [sflag:s0], s2  }
0x415: {  	s1 =	ssub.s32 $0x0, s2;
	[sflag:s0] =	ssyncset.done $0x0  }
0x416: {  	[sflag:s0] =	ssyncadd.s32 s1  }
0x417: {  	[sflag:s0] =	ssyncpa.u1 $0x1  }
.LBB3_53:
0x418: {  	_ =	sfence;
	s0 =	simm.s32 $0x1  }
0x419: {  	[sflag:s0] =	ssyncpa.u1 $0x1  }
0x41a: {  	_ =	strace $0x90000053  }
0x41b: {  	[bflag:$0x2] =	sbarrier.arrive $0xFFFF  }
0x41c: {  	s0 =	rddreg [dreg:$0x3]  }
0x41d: {  	s0 =	sadd.s32 @!p0 $0x100000, s0  }
0x41e: {  	[sflag:s0] =	ssyncadd.tile.s32 @!p0 $0x1;
	_ =	shalt  }
.Lfunc_end3:
_tile_overlayer_lowered:
.L_overlay_start_3:
0x41f: {  	(tag) =	ssettag $0x3  }
0x420: {  	s0 =	rddreg [dreg:$0x0];
	s2 =	stileid.u32  }
0x421: {  	s1 =	rddreg [dreg:$0x1];
	p0 =	sne.s32 s2, $0x0  }
0x422: {  	s3 =	rddreg [dreg:$0x2];
	[bflag:$0x3] =	sbarrier.arrive $0xFFFF;
	s2 =	simm.s32 @!p0 $0x1C01  }
0x423: {  	[timem:s3], [sflag:s2] =	dma.local @!p0 [hbm:s0], s1  }
0x424: {  	s0 =	simm.s32 @!p0 $0x1  }
0x425: {  	_ =	swait.ge @!p0 [sflag:s0], s1  }
0x426: {  	s1 =	ssub.s32 @!p0 $0x0, s1;
	[sflag:s0] =	ssyncset.done @!p0 $0x0  }
0x427: {  	[sflag:s0] =	ssyncadd.s32 @!p0 s1  }
0x428: {  	[bflag:$0x3] =	sbarrier.arrive $0xFFFF  }
0x429: {  	_ =	shalt  }

// kernel: scatter_offload_async_start
scs
__scs_entry_jumppad:
0x0: {  	(pc) =	sbr.rel $0x88, $3  }
0x1: {  	(tag) =	ssettag $0x0;
	lr =	simm.s32 $0x1  }
0x2: {  	[smem:$0x3F9B] =	sst lr;
	_ =	strace $0xD0000000  }
0x3: {  	_ = 	snop  }
0x4: {  	_ = 	snop  }
0x5: {  	_ = 	snop  }
0x6: {  	_ = 	snop  }
0x7: {  	_ = 	snop  }
__scs_overlays_trampoline_lowered:
0x8: {  	[smem:$0x3FAA] =	sst s0  }
0x9: {  	[smem:$0x3FAB] =	sst s1  }
0xa: {  	[smem:$0x3FAC] =	sst s2  }
0xb: {  	[smem:$0x3FAD] =	sst s3  }
0xc: {  	[smem:$0x3FAE] =	sst s4  }
0xd: {  	[smem:$0x3FAF] =	sst s5  }
0xe: {  	[smem:$0x3FB0] =	sst s6  }
0xf: {  	[smem:$0x3FB1] =	sst s7  }
0x10: {  	[smem:$0x3FB2] =	sst s8  }
0x11: {  	[smem:$0x3FB3] =	sst s9;
	s0 =	simm.s32 @!p0 $0x0  }
0x12: {  	s1 =	sld [smem:$0x3F99];
	s0 =	simm.s32 @p0 $0x1  }
0x13: {  	[smem:$0x3FB4] =	sst s0;
	s0 =	simm.s32 @!p1 $0x0  }
0x14: {  	s2 =	sld [smem:$0x3F98];
	s0 =	simm.s32 @p1 $0x1  }
0x15: {  	[smem:$0x3FB5] =	sst s0;
	s0 =	simm.s32 @!p2 $0x0  }
0x16: {  	s3 =	sld [smem:$0x3FDB];
	s0 =	simm.s32 @p2 $0x1  }
0x17: {  	s4 =	simm.s32 $0x1BF5;
	[smem:$0x3FB7] =	sst s0  }
0x18: {  	s0 =	sld [smem:$0x3F9A];
	_ =	swait.ge [sflag:s4], $0x0  }
0x19: {  	s7 =	sld [smem:$0x3F9B]  }
0x1a: {  	s8 =	sadd.s32 $0xFFFFE003, lr  }
0x1b: {  	s9 =	sadd.s32 $0xFFFFFEF7, lr;
	s5 =	simm.s32 $0xFFFFFFFF;
	p2 =	slt.u32 s8, $0xFFFFF086  }
0x1c: {  	p1 =	slt.u32 s9, $0xF7A;
	s5 =	simm.s32 @!p2 $0x0  }
0x1d: {  	s5 =	simm.s32 @p1 $0x1;
	p0 =	seq.s32 s7, s2  }
0x1e: {  	s7 =	smul.u32 @!p0 $0xF7A, s2;
	p2 =	seq.s32 @!p0 s5, $0x0  }
0x1f: {  	s9 =	smul.u32 $0xF7A, s1;
	s8 =	simm.s32 @!p0 $0x1BF5;
	p2 =	por !p2, p0  }
0x20: {  	[sflag:s8] =	ssyncset.s32 @!p0 $0xFFFFF086;
	s6 =	sadd.s32 @!p0 s3, s7;
	s7 =	simm.s32 @!p0 $0x108  }
0x21: {  	s3 =	sadd.s32 s3, s9;
	s6 =	sadd.s32 @!p0 $0x88, s6;
	s7 =	simm.s32 @p2 $0x1082  }
0x22: {  	[simem:s7], [sflag:s8] =	dma.local @!p0 [hbm:s6], $0xF7A  }
0x23: {  	s9 =	sor.u32 $0xD0000000, s2;
	s6 =	simm.s32 $0x108;
	_ =	swait.ge @!p0 [sflag:s8], $0x0  }
0x24: {  	s3 =	sadd.s32 $0x88, s3;
	s6 =	simm.s32 @!p1 $0x1082;
	[sflag:s4] =	ssyncset.s32 $0xFFFFF086  }
0x25: {  	[simem:s6], [sflag:s4] =	dma.local [hbm:s3], $0xF7A  }
0x26: {  	[smem:$0x3F9B] =	sst s1;
	(tag) =	ssettag s2;
	_ =	strace s9  }
0x27: {  	s1 =	sld [smem:$0x3FAB]  }
0x28: {  	s2 =	sld [smem:$0x3FAC]  }
0x29: {  	s4 =	sld [smem:$0x3FAE]  }
0x2a: {  	p0 =	seq.s32 s5, $0x0;
	s5 =	sld [smem:$0x3FAF]  }
0x2b: {  	s6 =	sld [smem:$0x3FB0]  }
0x2c: {  	s7 =	sld [smem:$0x3FB1]  }
0x2d: {  	s3 =	simm.s32 $0x108;
	s8 =	sld [smem:$0x3FB2]  }
0x2e: {  	s3 =	simm.s32 @!p0 $0x1082;
	s9 =	sld [smem:$0x3FB3]  }
0x2f: {  	lr =	sadd.s32 s0, s3;
	s0 =	sld [smem:$0x3FAA]  }
0x30: {  	s3 =	sld [smem:$0x3FAD]  }
0x31: {  	[smem:$0x3FB6] =	sst s10  }
0x32: {  	s10 =	sld [smem:$0x3FB4];
	_ =	sdelay $0x3  }
0x33: {  	p0 =	seq.s32 s10, $0x1;
	s10 =	sld [smem:$0x3FB6];
	_ =	sdelay $0x3  }
0x34: {  	[smem:$0x3FB6] =	sst s10  }
0x35: {  	s10 =	sld [smem:$0x3FB5];
	_ =	sdelay $0x3  }
0x36: {  	p1 =	seq.s32 s10, $0x1;
	s10 =	sld [smem:$0x3FB6];
	_ =	sdelay $0x3  }
0x37: {  	[smem:$0x3FB6] =	sst s10  }
0x38: {  	s10 =	sld [smem:$0x3FB7]  }
0x39: {  	_ = 	snop;
	(pc) =	sbr.ind lr, $3  }
0x3a: {  	_ = 	snop  }
0x3b: {  	_ = 	snop  }
0x3c: {  	p2 =	seq.s32 s10, $0x1;
	s10 =	sld [smem:$0x3FB6]  }
0x3d: {  	_ =	shalt  }
0x3e: {  	_ =	shalt  }
0x3f: {  	_ =	shalt  }
0x40: {  	_ =	shalt  }
0x41: {  	_ =	shalt  }
0x42: {  	_ =	shalt  }
0x43: {  	_ =	shalt  }
0x44: {  	_ =	shalt  }
0x45: {  	_ =	shalt  }
0x46: {  	_ =	shalt  }
0x47: {  	_ =	shalt  }
0x48: {  	_ =	shalt  }
0x49: {  	_ =	shalt  }
0x4a: {  	_ =	shalt  }
0x4b: {  	_ =	shalt  }
0x4c: {  	_ =	shalt  }
0x4d: {  	_ =	shalt  }
0x4e: {  	_ =	shalt  }
0x4f: {  	_ =	shalt  }
0x50: {  	_ =	shalt  }
0x51: {  	_ =	shalt  }
0x52: {  	_ =	shalt  }
0x53: {  	_ =	shalt  }
0x54: {  	_ =	shalt  }
0x55: {  	_ =	shalt  }
0x56: {  	_ =	shalt  }
0x57: {  	_ =	shalt  }
0x58: {  	_ =	shalt  }
0x59: {  	_ =	shalt  }
0x5a: {  	_ =	shalt  }
0x5b: {  	_ =	shalt  }
0x5c: {  	_ =	shalt  }
0x5d: {  	_ =	shalt  }
0x5e: {  	_ =	shalt  }
0x5f: {  	_ =	shalt  }
0x60: {  	_ =	shalt  }
0x61: {  	_ =	shalt  }
0x62: {  	_ =	shalt  }
0x63: {  	_ =	shalt  }
0x64: {  	_ =	shalt  }
0x65: {  	_ =	shalt  }
0x66: {  	_ =	shalt  }
0x67: {  	_ =	shalt  }
0x68: {  	_ =	shalt  }
0x69: {  	_ =	shalt  }
0x6a: {  	_ =	shalt  }
0x6b: {  	_ =	shalt  }
0x6c: {  	_ =	shalt  }
0x6d: {  	_ =	shalt  }
0x6e: {  	_ =	shalt  }
0x6f: {  	_ =	shalt  }
0x70: {  	_ =	shalt  }
0x71: {  	_ =	shalt  }
0x72: {  	_ =	shalt  }
0x73: {  	_ =	shalt  }
0x74: {  	_ =	shalt  }
0x75: {  	_ =	shalt  }
0x76: {  	_ =	shalt  }
0x77: {  	_ =	shalt  }
0x78: {  	_ =	shalt  }
0x79: {  	_ =	shalt  }
0x7a: {  	_ =	shalt  }
0x7b: {  	_ =	shalt  }
0x7c: {  	_ =	shalt  }
0x7d: {  	_ =	shalt  }
0x7e: {  	_ =	shalt  }
0x7f: {  	_ =	shalt  }
0x80: {  	_ =	shalt  }
0x81: {  	_ =	shalt  }
0x82: {  	_ =	shalt  }
0x83: {  	_ =	shalt  }
0x84: {  	_ =	shalt  }
0x85: {  	_ =	shalt  }
0x86: {  	_ =	shalt  }
0x87: {  	_ =	shalt  }
.Lfunc_end0:
.L_simem_size_0:
called_computation_lowered:
.L_overlay_start_0:
0x88: {  	s2 =	sld [smem:$0x3FD9]  }
0x89: {  	s3 =	sld [smem:$0x3FFE];
	_ =	sdelay $0x1  }
0x8a: {  	s1 =	srdreg.scid  }
0x8b: {  	s0 =	sand.u32 $0x1, s1  }
0x8c: {  	s15 =	sshll.u32 s0, $0xA;
	s2 =	sadd.s32 s3, s2  }
0x8d: {  	s2 =	sadd.s32 s2, s15  }
0x8e: {  	[smem:$0x3FC2] =	sst s2  }
0x8f: {  	_ = 	snop  }
0x90: {  	(tm) =	ssettm $0x1  }
0x91: {  	s16 =	sld [smem:$0x3FFB];
	_ =	sdelay $0x3  }
0x92: {  	_ =	strace s16  }
0x93: {  	s2 =	sld [smem:$0x3FFC];
	_ =	sdelay $0x3  }
0x94: {  	_ =	strace s2  }
0x95: {  	s2 =	sld [smem:$0x3FFD];
	_ =	sdelay $0x3  }
0x96: {  	_ =	strace s2  }
0x97: {  	_ =	strace $0x8FFFFFFF  }
0x98: {  	s17 =	sld [smem:$0x3FDB];
	_ =	sdelay $0x1  }
0x99: {  	s18 =	simm.s32 $_scs_section_size  }
0x9a: {  	s4 =	simm.s32 $_size__tile_overlayer_lowered;
	s5 =	simm.s32 $_tile_overlayer_lowered  }
0x9b: {  	s6 =	simm.s32 $0x1BFF;
	s19 =	sshll.u32 s5, $0x1;
	s3 =	sadd.s32 s18, s17  }
0x9c: {  	s20 =	simm.s32 $0x0;
	s4 =	sshll.u32 s4, $0x1;
	s5 =	sadd.s32 s19, s3  }
0x9d: {  	[timem:s20], [sflag:s6] =	dma.local [hbm:s5], s4  }
0x9e: {  	_ =	swait.ge [sflag:s6], s4  }
0x9f: {  	s4 =	ssub.s32 $0x0, s4;
	[sflag:s6] =	ssyncset.done $0x0  }
0xa0: {  	[sflag:s6] =	ssyncadd.s32 s4;
	_ =	sdelay $0x1  }
0xa1: {  	s21 =	simm.s32 $0x1B8B  }
0xa2: {  	_ =	swait.ge [sflag:s21], $0x1  }
0xa3: {  	[sflag:s21] =	ssyncset.done $0x0  }
0xa4: {  	s22 =	sld [smem:$0x3FFE];
	[sflag:s21] =	ssyncadd.s32 $0xFFFFFFFF  }
0xa5: {  	s24 =	simm.s32 $0x1B8E;
	s23 =	sld [smem:$0x0]  }
0xa6: {  	s25 =	simm.s32 $execute0_lowered;
	[smem:$0x3FD2] =	sst s24  }
0xa7: {  	s6 =	sshll.u32 s25, $0x1;
	_ =	strace $0x80000049;
	[dreg:$0x1] =	wrdreg $0xFFFFFFFF  }
0xa8: {  	s7 =	simm.s32 $_size_execute0_lowered;
	s6 =	sadd.s32 s3, s6;
	[dreg:$0x0] =	wrdreg $0x0  }
0xa9: {  	s7 =	sshll.u32 s7, $0x1;
	[dreg:$0x2] =	wrdreg s6  }
0xaa: {  	[dreg:$0x3] =	wrdreg s7  }
0xab: {  	[dreg:$0x4] =	wrdreg $0xC0  }
0xac: {  	s26 =	simm.s32 $execute1_lowered;
	_ =	task [dreg:s20], $0x5FFFF  }
0xad: {  	s6 =	sshll.u32 s26, $0x1;
	[dreg:$0x1] =	wrdreg $0xFFFFFFFF  }
0xae: {  	s3 =	sadd.s32 s3, s6;
	[dreg:$0x0] =	wrdreg $0x60  }
0xaf: {  	[dreg:$0x2] =	wrdreg s3  }
0xb0: {  	[dreg:$0x3] =	wrdreg s22  }
0xb1: {  	[dreg:$0x4] =	wrdreg $0x9  }
0xb2: {  	_ =	task.clear_ibuf [dreg:s20], $0x5FFFF;
	_ =	strace $0x90000049  }
0xb3: {  	s28 =	simm.s32 $0x9;
	_ =	strace $0x8000004B  }
0xb4: {  	_ =	swait.ge [sflag:s28], $0x1  }
0xb5: {  	[sflag:s28] =	ssyncadd.s32 $0xFFFFFFFF  }
0xb6: {  	_ =	strace $0x9000004B  }
0xb7: {  	s3 =	sld [smem:$0x0]  }
0xb8: {  	s6 =	sand.u32 $0xFFFFFFFE, s1  }
0xb9: {  	p0 =	sne.s32 s1, s6  }
0xba: {  	s6 =	sshll.u32 @p0 s6, $0xE  }
0xbb: {  	s6 =	sadd.s32 @p0 $0x11BF3, s6;
	s7 =	sshll.u32 @p0 s3, $0x11  }
0xbc: {  	s6 =	sor.u32 @p0 s7, s6  }
0xbd: {  	[sflag:s6] =	ssyncadd.remote.s32 @p0 $0x1;
	_ =	sdelay $0x1  }
0xbe: {  	s6 =	simm.s32 @p0 $0x1BF3  }
0xbf: {  	_ =	swait.eq @p0 [sflag:s6], $0x1  }
0xc0: {  	[sflag:s6] =	ssyncadd.s32 @p0 $0xFFFFFFFF  }
0xc1: {  	s7 =	sshll.u32 @!p0 s1, $0xE  }
0xc2: {  	s7 =	sor.u32 @!p0 $0x4000, s7;
	s6 =	simm.s32 @!p0 $0x1BF3  }
0xc3: {  	s3 =	sshll.u32 @!p0 s3, $0x11;
	s7 =	sadd.s32 @!p0 $0x11BF3, s7;
	_ =	swait.eq @!p0 [sflag:s6], $0x1  }
0xc4: {  	s3 =	sor.u32 @!p0 s3, s7;
	[sflag:s6] =	ssyncadd.s32 @!p0 $0xFFFFFFFF  }
0xc5: {  	[sflag:s3] =	ssyncadd.remote.s32 @!p0 $0x1  }
0xc6: {  	_ =	strace $0x8000004C;
	[dreg:$0x1] =	wrdreg $0xFFFFFFFF  }
0xc7: {  	[dreg:$0x0] =	wrdreg $0x2030  }
0xc8: {  	[dreg:$0x2] =	wrdreg s22  }
0xc9: {  	[dreg:$0x3] =	wrdreg s1  }
0xca: {  	[dreg:$0x4] =	wrdreg s23  }
0xcb: {  	[dreg:$0x5] =	wrdreg $0xA  }
0xcc: {  	_ =	task.clear_ibuf [dreg:s20], $0x6FFFF;
	_ =	strace $0x9000004C  }
0xcd: {  	s29 =	simm.s32 $0xA;
	_ =	strace $0x8000004E  }
0xce: {  	_ =	swait.ge [sflag:s29], $0x1  }
0xcf: {  	[sflag:s29] =	ssyncadd.s32 $0xFFFFFFFF  }
0xd0: {  	_ =	strace $0x9000004E  }
0xd1: {  	_ =	sfence  }
0xd2: {  	s30 =	sld [smem:$0x0];
	_ =	sdelay $0x2  }
0xd3: {  	s31 =	sshll.u32 s1, $0xD;
	s1 =	sshrl.u32 s1, $0x2  }
0xd4: {  	s4 =	sand.u32 $0x4000, s31;
	s1 =	sadd.s32 s1, s30  }
0xd5: {  	s0 =	sor.u32 s4, s0;
	s1 =	sshll.u32 s1, $0x11  }
0xd6: {  	s0 =	sor.u32 s1, s0  }
0xd7: {  	s0 =	sadd.s32 $0x8F2B, s0  }
0xd8: {  	[sflag:s0] =	ssyncadd.remote.s32 $0x1  }
0xd9: {  	_ =	sfence.sel $0xFFFF  }
0xda: {  	[dreg:$0x0] =	wrdreg $0xFFFFFFFF;
	(pc) =	sbr.abs _section_cstart, $3  }
0xdb: {  	[dreg:$0x1] =	wrdreg $0xFFFFFFFF  }
0xdc: {  	_ =	task.clear_ibuf [dreg:s20], $0x2FFFF;
	_ =	strace $0x9FFFFFFF  }
0xdd: {  	(tm) =	ssettm $0x7FFFFFFF  }
tec
execute0_lowered:
.L_overlay_start_1:
0x0: {  	(tag) =	ssettag $0x1  }
0x1: {  	s2 =	rddreg [dreg:$0x0]  }
0x2: {  	s5 =	rddreg [dreg:$0x1]  }
0x3: {  	s0 =	rddreg [dreg:$0x2];
	s3 =	stileid.u32;
	[bflag:$0x3] =	sbarrier.arrive $0xFFFF  }
0x4: {  	s1 =	simm.s32 $_size_execute1_lowered;
	s30 =	srdreg.scid;
	p0 =	sne.s32 s3, $0x0  }
0x5: {  	s1 =	sshll.u32 s1, $0x1;
	s4 =	simm.s32 @!p0 $0x1C3F;
	s6 =	simm.s32 @!p0 $0x4060  }
0x6: {  	[timem:s6], [sflag:s4] =	dma.local @!p0 [hbm:s2], s1  }
0x7: {  	s8 =	simm.s32 $0x2;
	s2 =	sshll.u32 s30, $0x9  }
0x8: {  	s13 =	simm.s32 $0x0;
	s3 =	sshll.u32 s3, $0xA;
	s2 =	sand.u32 $0x200, s2  }
0x9: {  	s9 =	simm.s32 $0x80;
	s10 =	simm.s32 $0x0;
	s2 =	sor.u32 s3, s2  }
0xa: {  	s12 =	simm.s32 $0x0;
	s4 =	simm.s32 $0x1;
	s31 =	ssub.s32 $0xC400, s2  }
.Ltmp0:
0xb: {  	_ =	strace $0x8000004A;
	s7 =	sand.u32 $0x3E00, s31;
	(pc) =	sbr.rel .LBB2_1-.Ltmp0, $4  }
0xc: {  	s3 =	sadd.s32 $0x1EC200, s5;
	p1 =	sne.s32 s7, $0x0;
	s7 =	simm.s32 $0x1  }
0xd: {  	[sflag:s4] =	ssyncpa.u1 $0x0;
	s6 =	sshrl.u32 s31, $0xE;
	s7 =	simm.s32 @!p1 $0x0  }
0xe: {  	s5 =	sadd.s32 $0xEE5200, s5;
	[sflag:s8] =	ssyncpa.u1 $0x0;
	s6 =	sadd.s32 s7, s6  }
0xf: {  	s8 =	simm.s32 $0x20;
	s11 =	smov.u32 s2;
	s7 =	sadd.s32 $0x1, s6  }
.LBB2_4:
0x10: {  	s13 =	sand.u32 $0x1FFFFFF, s13  }
0x11: {  	s16 =	smulhi.u32 $0x14E5E0B, s13;
	_ =	sdelay $0x1  }
0x12: {  	s16 =	sshrl.u32 s16, $0x8  }
0x13: {  	s16 =	smul.u32 $0xC400, s16;
	_ =	sdelay $0x1  }
0x14: {  	s13 =	ssub.s32 s13, s16  }
0x15: {  	[tilespmem:v1+s14+$0x0 ss:$0x1] =	vst.idx.msk $0xffff, v2;
	s13 =	sshll.u32 s13, $0x4  }
0x16: {  	[tilespmem:v1+s14+$0xFFFFFFF0 ss:$0x1] =	vst.idx.msk $0xffff, v3;
	s13 =	sadd.s32 s5, s13  }
0x17: {  	[hbm4b:s13+s8] =	stream.strided.scatter [tilespmem:s15], [sflag:$0x2], $0x4000, s9, s8, $0x38;
	[tilespmem:$0x10000] =	vst v63  }
.LBB2_5:
0x18: {  	s15 =	sadd.s32 $0x4000, s11  }
0x19: {  	p2 =	sgt.s32 s15, $0xC3FF  }
0x1a: {  	s15 =	smov.u32 @p2 s2;
	p2 =	sne.s32 s12, s7  }
.Ltmp1:
0x1b: {  	p1 =	slt.u32 s12, $0x2;
	(pc) =	sbr.rel @!p2 .LBB2_6-.Ltmp1, $4  }
0x1c: {  	s14 =	simm.s32 @!p1 $0x2  }
0x1d: {  	s16 =	sadd.s32 $0x1, s12;
	_ =	swait.ge @!p1 [sflag:s14], $0x4000  }
0x1e: {  	s13 =	smov.u32 s11;
	s10 =	sadd.s32 $0x4000, s10;
	[sflag:s14] =	ssyncset.done @!p1 $0x0  }
0x1f: {  	s12 =	smov.u32 s16;
	s11 =	smov.u32 s15;
	[sflag:s14] =	ssyncadd.s32 @!p1 $0xFFFFC000  }
.LBB2_1:
0x20: {  	p1 =	sge.u32 s12, s6  }
0x21: {  	s14 =	sand.u32 @!p1 $0x1FFFFFF, s11  }
0x22: {  	s15 =	smulhi.u32 @!p1 $0x14E5E0B, s14;
	_ =	sdelay $0x1  }
0x23: {  	s15 =	sshrl.u32 @!p1 s15, $0x8  }
0x24: {  	s15 =	smul.u32 @!p1 $0xC400, s15;
	_ =	sdelay $0x1  }
0x25: {  	s31 =	sadd.s32 $0xFFFFFFFF, s12;
	s16 =	sxor.u32 @!p1 $0xFFFFFFFF, s12;
	s14 =	ssub.s32 @!p1 s14, s15  }
0x26: {  	s17 =	simm.s32 @!p1 $0x80;
	s16 =	sshll.u32 @!p1 s16, $0xE;
	s14 =	sshll.u32 @!p1 s14, $0x4  }
0x27: {  	s15 =	sand.u32 @!p1 $0x4000, s16;
	s16 =	simm.s32 @!p1 $0x20;
	s14 =	sadd.s32 @!p1 s3, s14  }
0x28: {  	[tilespmem:s15], [sflag:$0x1] =	stream.strided.gather @!p1 [hbm4b:s14+s16], $0x4000, s17, s16, $0x38;
	[tilespmem:$0x10000] =	vst v63  }
0x29: {  	p1 =	sge.u32 s31, s6  }
.Ltmp2:
0x2a: {  	_ = 	snop;
	(pc) =	sbr.rel @p1 .LBB2_5-.Ltmp2, $1  }
0x2b: {  	_ =	sdelay $0x3  }
0x2c: {  	s15 =	sand.u32 $0x4000, s10  }
0x2d: {  	s14 =	sor.u32 $0x10, s15  }
0x2e: {  	v0 =	vmov s14;
	_ =	sdelay $0x1  }
0x2f: {  	_ =	swait.ge [sflag:s4], $0x4000  }
0x30: {  	[sflag:s4] =	ssyncset.done $0x0  }
0x31: {  	s16 =	sshll.u32 s12, $0xE;
	[sflag:s4] =	ssyncadd.s32 $0xFFFFC000;
	s14 =	simm.s32 $0x0  }
0x32: {  	s17 =	sor.u32 $0x8010, s15;
	s31 =	sand.u32 $0x4000, s16;
	v2 =	vld.idx.msk [tilespmem:v0+s14+$0x0 ss:$0x1], $0xffff  }
0x33: {  	s16 =	simm.s32 $0x80;
	s15 =	sor.u32 $0x8000, s31;
	v1 =	vmov s17;
	v3 =	vld.idx.msk [tilespmem:v0+s14+$0xFFFFFFF0 ss:$0x1], $0xffff  }
.LBB2_3:
0x34: {  	p1 =	sne.s32 s16, $0xFF80  }
.Ltmp3:
0x35: {  	_ = 	snop;
	(pc) =	sbr.rel @p1 .LBB2_3-.Ltmp3, $4  }
0x36: {  	_ = 	snop  }
0x37: {  	s17 =	sshra.s32 s16, $0x2;
	s16 =	sadd.s32 $0x80, s16  }
0x38: {  	[tilespmem:v1+s14+$0x0 ss:$0x1] =	vst.idx.msk $0xffff, v2;
	v2 =	vld.idx.msk [tilespmem:v0+s17+$0x0 ss:$0x1], $0xffff  }
0x39: {  	[tilespmem:v1+s14+$0xFFFFFFF0 ss:$0x1] =	vst.idx.msk $0xffff, v3;
	v3 =	vld.idx.msk [tilespmem:v0+s17+$0xFFFFFFF0 ss:$0x1], $0xffff;
	s14 =	smov.u32 s17  }
.Ltmp4:
0x3a: {  	_ = 	snop;
	(pc) =	sbr.rel .LBB2_4-.Ltmp4, $1  }
0x3b: {  	_ =	sdelay $0x3  }
.LBB2_6:
0x3c: {  	_ =	sfence.sel $0x180000  }
0x3d: {  	s2 =	simm.s32 $0x1;
	[bflag:$0x0] =	sbarrier.arrive $0xFFFF  }
0x3e: {  	s31 =	simm.s32 $0x2;
	[sflag:s2] =	ssyncpa.u1 $0x1  }
0x3f: {  	[sflag:s31] =	ssyncpa.u1 $0x1  }
0x40: {  	_ =	strace $0x9000004A  }
0x41: {  	s0 =	sadd.s32 @!p0 $0x100000, s0;
	[bflag:$0x2] =	sbarrier.arrive $0xFFFF  }
0x42: {  	[sflag:s0] =	ssyncadd.tile.s32 @!p0 $0x1;
	s0 =	simm.s32 @!p0 $0x3F  }
0x43: {  	_ =	swait.ge @!p0 [sflag:s0], s1  }
0x44: {  	s1 =	ssub.s32 @!p0 $0x0, s1;
	[sflag:s0] =	ssyncset.done @!p0 $0x0  }
0x45: {  	[sflag:s0] =	ssyncadd.s32 @!p0 s1  }
0x46: {  	[bflag:$0x3] =	sbarrier.arrive $0xFFFF  }
0x47: {  	_ =	shalt  }
.Lfunc_end2:
execute1_lowered:
.L_overlay_start_2:
0x48: {  	(tag) =	ssettag $0x2  }
0x49: {  	s11 =	rddreg [dreg:$0x0]  }
0x4a: {  	s2 =	rddreg [dreg:$0x1];
	_ =	strace $0x8000004D;
	s12 =	simm.s32 $0x1  }
0x4b: {  	v0 =	vimm.s32 $0x0;
	[sflag:s12] =	ssyncpa.u1 $0x0  }
0x4c: {  	[tilespmem:$0x28] =	vst v0  }
0x4d: {  	[tilespmem:$0x38] =	vst v0  }
0x4e: {  	[tilespmem:$0x48] =	vst v0  }
0x4f: {  	[tilespmem:$0x58] =	vst v0  }
0x50: {  	[tilespmem:$0x68] =	vst v0  }
0x51: {  	[tilespmem:$0x78] =	vst v0  }
0x52: {  	[tilespmem:$0x88] =	vst v0  }
0x53: {  	[tilespmem:$0x98] =	vst v0  }
0x54: {  	[tilespmem:$0xA8] =	vst v0  }
0x55: {  	[tilespmem:$0xB8] =	vst v0  }
0x56: {  	[tilespmem:$0xC8] =	vst v0  }
0x57: {  	[tilespmem:$0xD8] =	vst v0  }
0x58: {  	[tilespmem:$0xE8] =	vst v0  }
0x59: {  	[tilespmem:$0xF8] =	vst v0  }
0x5a: {  	[tilespmem:$0x108] =	vst v0  }
0x5b: {  	[tilespmem:$0x118] =	vst v0  }
0x5c: {  	[tilespmem:$0x128] =	vst v0  }
0x5d: {  	[tilespmem:$0x138] =	vst v0  }
0x5e: {  	[tilespmem:$0x148] =	vst v0  }
0x5f: {  	[tilespmem:$0x158] =	vst v0  }
0x60: {  	[tilespmem:$0x168] =	vst v0  }
0x61: {  	[tilespmem:$0x178] =	vst v0  }
0x62: {  	[tilespmem:$0x188] =	vst v0  }
0x63: {  	[tilespmem:$0x198] =	vst v0  }
0x64: {  	[tilespmem:$0x1A8] =	vst v0  }
0x65: {  	[tilespmem:$0x1B8] =	vst v0  }
0x66: {  	[tilespmem:$0x1C8] =	vst v0  }
0x67: {  	[tilespmem:$0x1D8] =	vst v0  }
0x68: {  	[tilespmem:$0x1E8] =	vst v0  }
0x69: {  	[tilespmem:$0x1F8] =	vst v0  }
0x6a: {  	[tilespmem:$0x208] =	vst v0  }
0x6b: {  	[tilespmem:$0x218] =	vst v0  }
0x6c: {  	[tilespmem:$0x228] =	vst v0  }
0x6d: {  	[tilespmem:$0x238] =	vst v0  }
0x6e: {  	[tilespmem:$0x248] =	vst v0  }
0x6f: {  	[tilespmem:$0x258] =	vst v0  }
0x70: {  	[tilespmem:$0x268] =	vst v0  }
0x71: {  	[tilespmem:$0x278] =	vst v0  }
0x72: {  	[tilespmem:$0x288] =	vst v0  }
0x73: {  	[tilespmem:$0x298] =	vst v0  }
0x74: {  	[tilespmem:$0x2A8] =	vst v0  }
0x75: {  	[tilespmem:$0x2B8] =	vst v0  }
0x76: {  	[tilespmem:$0x2C8] =	vst v0  }
0x77: {  	[tilespmem:$0x2D8] =	vst v0  }
0x78: {  	[tilespmem:$0x2E8] =	vst v0  }
0x79: {  	[tilespmem:$0x2F8] =	vst v0  }
0x7a: {  	[tilespmem:$0x308] =	vst v0  }
0x7b: {  	[tilespmem:$0x318] =	vst v0  }
0x7c: {  	[tilespmem:$0x328] =	vst v0  }
0x7d: {  	[tilespmem:$0x338] =	vst v0  }
0x7e: {  	[tilespmem:$0x348] =	vst v0  }
0x7f: {  	[tilespmem:$0x358] =	vst v0  }
0x80: {  	[tilespmem:$0x368] =	vst v0  }
0x81: {  	[tilespmem:$0x378] =	vst v0  }
0x82: {  	[tilespmem:$0x388] =	vst v0  }
0x83: {  	[tilespmem:$0x398] =	vst v0  }
0x84: {  	[tilespmem:$0x3A8] =	vst v0  }
0x85: {  	[tilespmem:$0x3B8] =	vst v0  }
0x86: {  	[tilespmem:$0x3C8] =	vst v0  }
0x87: {  	[tilespmem:$0x3D8] =	vst v0  }
0x88: {  	[tilespmem:$0x3E8] =	vst v0  }
0x89: {  	[tilespmem:$0x3F8] =	vst v0  }
0x8a: {  	[tilespmem:$0x408] =	vst v0  }
0x8b: {  	[tilespmem:$0x418] =	vst v0  }
0x8c: {  	[tilespmem:$0x428] =	vst v0  }
0x8d: {  	[tilespmem:$0x438] =	vst v0  }
0x8e: {  	[tilespmem:$0x448] =	vst v0  }
0x8f: {  	[tilespmem:$0x458] =	vst v0  }
0x90: {  	[tilespmem:$0x468] =	vst v0  }
0x91: {  	[tilespmem:$0x478] =	vst v0  }
0x92: {  	[tilespmem:$0x488] =	vst v0  }
0x93: {  	[tilespmem:$0x498] =	vst v0  }
0x94: {  	[tilespmem:$0x4A8] =	vst v0  }
0x95: {  	[tilespmem:$0x4B8] =	vst v0  }
0x96: {  	[tilespmem:$0x4C8] =	vst v0  }
0x97: {  	[tilespmem:$0x4D8] =	vst v0  }
0x98: {  	[tilespmem:$0x4E8] =	vst v0  }
0x99: {  	[tilespmem:$0x4F8] =	vst v0  }
0x9a: {  	[tilespmem:$0x508] =	vst v0  }
0x9b: {  	[tilespmem:$0x518] =	vst v0  }
0x9c: {  	[tilespmem:$0x528] =	vst v0  }
0x9d: {  	[tilespmem:$0x538] =	vst v0  }
0x9e: {  	[tilespmem:$0x548] =	vst v0  }
0x9f: {  	[tilespmem:$0x558] =	vst v0  }
0xa0: {  	[tilespmem:$0x568] =	vst v0  }
0xa1: {  	[tilespmem:$0x578] =	vst v0  }
0xa2: {  	[tilespmem:$0x588] =	vst v0  }
0xa3: {  	[tilespmem:$0x598] =	vst v0  }
0xa4: {  	[tilespmem:$0x5A8] =	vst v0  }
0xa5: {  	[tilespmem:$0x5B8] =	vst v0  }
0xa6: {  	[tilespmem:$0x5C8] =	vst v0  }
0xa7: {  	[tilespmem:$0x5D8] =	vst v0  }
0xa8: {  	[tilespmem:$0x5E8] =	vst v0  }
0xa9: {  	[tilespmem:$0x5F8] =	vst v0  }
0xaa: {  	[tilespmem:$0x608] =	vst v0  }
0xab: {  	[tilespmem:$0x618] =	vst v0  }
0xac: {  	[tilespmem:$0x628] =	vst v0  }
0xad: {  	[tilespmem:$0x638] =	vst v0  }
0xae: {  	[tilespmem:$0x648] =	vst v0  }
0xaf: {  	[tilespmem:$0x658] =	vst v0  }
0xb0: {  	[tilespmem:$0x668] =	vst v0  }
0xb1: {  	[tilespmem:$0x678] =	vst v0  }
0xb2: {  	[tilespmem:$0x688] =	vst v0  }
0xb3: {  	[tilespmem:$0x698] =	vst v0  }
0xb4: {  	[tilespmem:$0x6A8] =	vst v0  }
0xb5: {  	[tilespmem:$0x6B8] =	vst v0  }
0xb6: {  	[tilespmem:$0x6C8] =	vst v0  }
0xb7: {  	[tilespmem:$0x6D8] =	vst v0  }
0xb8: {  	[tilespmem:$0x6E8] =	vst v0  }
0xb9: {  	[tilespmem:$0x6F8] =	vst v0  }
0xba: {  	[tilespmem:$0x708] =	vst v0  }
0xbb: {  	[tilespmem:$0x718] =	vst v0  }
0xbc: {  	[tilespmem:$0x728] =	vst v0  }
0xbd: {  	[tilespmem:$0x738] =	vst v0  }
0xbe: {  	[tilespmem:$0x748] =	vst v0  }
0xbf: {  	[tilespmem:$0x758] =	vst v0  }
0xc0: {  	[tilespmem:$0x768] =	vst v0  }
0xc1: {  	[tilespmem:$0x778] =	vst v0  }
0xc2: {  	[tilespmem:$0x788] =	vst v0  }
0xc3: {  	[tilespmem:$0x798] =	vst v0  }
0xc4: {  	[tilespmem:$0x7A8] =	vst v0  }
0xc5: {  	[tilespmem:$0x7B8] =	vst v0  }
0xc6: {  	[tilespmem:$0x7C8] =	vst v0  }
0xc7: {  	[tilespmem:$0x7D8] =	vst v0  }
0xc8: {  	[tilespmem:$0x7E8] =	vst v0  }
0xc9: {  	[tilespmem:$0x7F8] =	vst v0  }
0xca: {  	[tilespmem:$0x808] =	vst v0  }
0xcb: {  	[tilespmem:$0x818] =	vst v0  }
0xcc: {  	[tilespmem:$0x828] =	vst v0  }
0xcd: {  	[tilespmem:$0x838] =	vst v0  }
0xce: {  	[tilespmem:$0x848] =	vst v0  }
0xcf: {  	[tilespmem:$0x858] =	vst v0  }
0xd0: {  	[tilespmem:$0x868] =	vst v0  }
0xd1: {  	[tilespmem:$0x878] =	vst v0  }
0xd2: {  	[tilespmem:$0x888] =	vst v0  }
0xd3: {  	[tilespmem:$0x898] =	vst v0  }
0xd4: {  	[tilespmem:$0x8A8] =	vst v0  }
0xd5: {  	[tilespmem:$0x8B8] =	vst v0  }
0xd6: {  	[tilespmem:$0x8C8] =	vst v0  }
0xd7: {  	[tilespmem:$0x8D8] =	vst v0  }
0xd8: {  	[tilespmem:$0x8E8] =	vst v0  }
0xd9: {  	[tilespmem:$0x8F8] =	vst v0  }
0xda: {  	[tilespmem:$0x908] =	vst v0  }
0xdb: {  	[tilespmem:$0x918] =	vst v0  }
0xdc: {  	[tilespmem:$0x928] =	vst v0  }
0xdd: {  	[tilespmem:$0x938] =	vst v0  }
0xde: {  	[tilespmem:$0x948] =	vst v0  }
0xdf: {  	[tilespmem:$0x958] =	vst v0  }
0xe0: {  	[tilespmem:$0x968] =	vst v0  }
0xe1: {  	[tilespmem:$0x978] =	vst v0  }
0xe2: {  	[tilespmem:$0x988] =	vst v0  }
0xe3: {  	[tilespmem:$0x998] =	vst v0  }
0xe4: {  	[tilespmem:$0x9A8] =	vst v0  }
0xe5: {  	[tilespmem:$0x9B8] =	vst v0  }
0xe6: {  	[tilespmem:$0x9C8] =	vst v0  }
0xe7: {  	[tilespmem:$0x9D8] =	vst v0  }
0xe8: {  	[tilespmem:$0x9E8] =	vst v0  }
0xe9: {  	[tilespmem:$0x9F8] =	vst v0  }
0xea: {  	[tilespmem:$0xA08] =	vst v0  }
0xeb: {  	[tilespmem:$0xA18] =	vst v0  }
0xec: {  	[tilespmem:$0xA28] =	vst v0  }
0xed: {  	[tilespmem:$0xA38] =	vst v0  }
0xee: {  	[tilespmem:$0xA48] =	vst v0  }
0xef: {  	[tilespmem:$0xA58] =	vst v0  }
0xf0: {  	[tilespmem:$0xA68] =	vst v0  }
0xf1: {  	[tilespmem:$0xA78] =	vst v0  }
0xf2: {  	[tilespmem:$0xA88] =	vst v0  }
0xf3: {  	[tilespmem:$0xA98] =	vst v0  }
0xf4: {  	[tilespmem:$0xAA8] =	vst v0  }
0xf5: {  	[tilespmem:$0xAB8] =	vst v0  }
0xf6: {  	[tilespmem:$0xAC8] =	vst v0  }
0xf7: {  	[tilespmem:$0xAD8] =	vst v0  }
0xf8: {  	[tilespmem:$0xAE8] =	vst v0  }
0xf9: {  	[tilespmem:$0xAF8] =	vst v0  }
0xfa: {  	[tilespmem:$0xB08] =	vst v0  }
0xfb: {  	[tilespmem:$0xB18] =	vst v0  }
0xfc: {  	[tilespmem:$0xB28] =	vst v0  }
0xfd: {  	[tilespmem:$0xB38] =	vst v0  }
0xfe: {  	[tilespmem:$0xB48] =	vst v0  }
0xff: {  	[tilespmem:$0xB58] =	vst v0  }
0x100: {  	[tilespmem:$0xB68] =	vst v0  }
0x101: {  	[tilespmem:$0xB78] =	vst v0  }
0x102: {  	[tilespmem:$0xB88] =	vst v0  }
0x103: {  	[tilespmem:$0xB98] =	vst v0  }
0x104: {  	[tilespmem:$0xBA8] =	vst v0  }
0x105: {  	[tilespmem:$0xBB8] =	vst v0  }
0x106: {  	[tilespmem:$0xBC8] =	vst v0  }
0x107: {  	[tilespmem:$0xBD8] =	vst v0  }
0x108: {  	[tilespmem:$0xBE8] =	vst v0  }
0x109: {  	[tilespmem:$0xBF8] =	vst v0  }
0x10a: {  	[tilespmem:$0xC08] =	vst v0  }
0x10b: {  	[tilespmem:$0xC18] =	vst v0  }
0x10c: {  	[tilespmem:$0xC28] =	vst v0  }
0x10d: {  	[tilespmem:$0xC38] =	vst v0  }
0x10e: {  	[tilespmem:$0xC48] =	vst v0  }
0x10f: {  	[tilespmem:$0xC58] =	vst v0  }
0x110: {  	[tilespmem:$0xC68] =	vst v0  }
0x111: {  	[tilespmem:$0xC78] =	vst v0  }
0x112: {  	[tilespmem:$0xC88] =	vst v0  }
0x113: {  	[tilespmem:$0xC98] =	vst v0  }
0x114: {  	[tilespmem:$0xCA8] =	vst v0  }
0x115: {  	[tilespmem:$0xCB8] =	vst v0  }
0x116: {  	[tilespmem:$0xCC8] =	vst v0  }
0x117: {  	[tilespmem:$0xCD8] =	vst v0  }
0x118: {  	[tilespmem:$0xCE8] =	vst v0  }
0x119: {  	[tilespmem:$0xCF8] =	vst v0  }
0x11a: {  	[tilespmem:$0xD08] =	vst v0  }
0x11b: {  	[tilespmem:$0xD18] =	vst v0  }
0x11c: {  	[tilespmem:$0xD28] =	vst v0  }
0x11d: {  	[tilespmem:$0xD38] =	vst v0  }
0x11e: {  	[tilespmem:$0xD48] =	vst v0  }
0x11f: {  	[tilespmem:$0xD58] =	vst v0  }
0x120: {  	[tilespmem:$0xD68] =	vst v0  }
0x121: {  	[tilespmem:$0xD78] =	vst v0  }
0x122: {  	[tilespmem:$0xD88] =	vst v0  }
0x123: {  	[tilespmem:$0xD98] =	vst v0  }
0x124: {  	[tilespmem:$0xDA8] =	vst v0  }
0x125: {  	[tilespmem:$0xDB8] =	vst v0  }
0x126: {  	[tilespmem:$0xDC8] =	vst v0  }
0x127: {  	[tilespmem:$0xDD8] =	vst v0  }
0x128: {  	[tilespmem:$0xDE8] =	vst v0  }
0x129: {  	[tilespmem:$0xDF8] =	vst v0  }
0x12a: {  	[tilespmem:$0xE08] =	vst v0  }
0x12b: {  	[tilespmem:$0xE18] =	vst v0  }
0x12c: {  	[tilespmem:$0xE28] =	vst v0  }
0x12d: {  	[tilespmem:$0xE38] =	vst v0  }
0x12e: {  	[tilespmem:$0xE48] =	vst v0  }
0x12f: {  	[tilespmem:$0xE58] =	vst v0  }
0x130: {  	[tilespmem:$0xE68] =	vst v0  }
0x131: {  	[tilespmem:$0xE78] =	vst v0  }
0x132: {  	[tilespmem:$0xE88] =	vst v0  }
0x133: {  	[tilespmem:$0xE98] =	vst v0  }
0x134: {  	[tilespmem:$0xEA8] =	vst v0  }
0x135: {  	[tilespmem:$0xEB8] =	vst v0  }
0x136: {  	[tilespmem:$0xEC8] =	vst v0  }
0x137: {  	[tilespmem:$0xED8] =	vst v0  }
0x138: {  	[tilespmem:$0xEE8] =	vst v0  }
0x139: {  	[tilespmem:$0xEF8] =	vst v0  }
0x13a: {  	[tilespmem:$0xF08] =	vst v0  }
0x13b: {  	[tilespmem:$0xF18] =	vst v0  }
0x13c: {  	[tilespmem:$0xF28] =	vst v0  }
0x13d: {  	[tilespmem:$0xF38] =	vst v0  }
0x13e: {  	[tilespmem:$0xF48] =	vst v0  }
0x13f: {  	[tilespmem:$0xF58] =	vst v0  }
0x140: {  	[tilespmem:$0xF68] =	vst v0  }
0x141: {  	[tilespmem:$0xF78] =	vst v0  }
0x142: {  	[tilespmem:$0xF88] =	vst v0  }
0x143: {  	[tilespmem:$0xF98] =	vst v0  }
0x144: {  	[tilespmem:$0xFA8] =	vst v0  }
0x145: {  	[tilespmem:$0xFB8] =	vst v0  }
0x146: {  	[tilespmem:$0xFC8] =	vst v0  }
0x147: {  	[tilespmem:$0xFD8] =	vst v0  }
0x148: {  	[tilespmem:$0xFE8] =	vst v0  }
0x149: {  	[tilespmem:$0xFF8] =	vst v0  }
0x14a: {  	[tilespmem:$0x1028] =	vst v0  }
0x14b: {  	[tilespmem:$0x10E8] =	vst v0  }
0x14c: {  	[tilespmem:$0x1068] =	vst v0  }
0x14d: {  	[tilespmem:$0x1B28] =	vst v0  }
0x14e: {  	[tilespmem:$0x1B18] =	vst v0  }
0x14f: {  	[tilespmem:$0x1B08] =	vst v0  }
0x150: {  	[tilespmem:$0x1AF8] =	vst v0  }
0x151: {  	[tilespmem:$0x1AE8] =	vst v0  }
0x152: {  	[tilespmem:$0x1AD8] =	vst v0  }
0x153: {  	[tilespmem:$0x1AC8] =	vst v0  }
0x154: {  	[tilespmem:$0x1AB8] =	vst v0  }
0x155: {  	[tilespmem:$0x1AA8] =	vst v0  }
0x156: {  	[tilespmem:$0x1A98] =	vst v0  }
0x157: {  	[tilespmem:$0x1A88] =	vst v0  }
0x158: {  	[tilespmem:$0x1A78] =	vst v0  }
0x159: {  	[tilespmem:$0x1A68] =	vst v0  }
0x15a: {  	[tilespmem:$0x1A58] =	vst v0  }
0x15b: {  	[tilespmem:$0x1A48] =	vst v0  }
0x15c: {  	[tilespmem:$0x1A38] =	vst v0  }
0x15d: {  	[tilespmem:$0x1A28] =	vst v0  }
0x15e: {  	[tilespmem:$0x1A18] =	vst v0  }
0x15f: {  	[tilespmem:$0x1A08] =	vst v0  }
0x160: {  	[tilespmem:$0x19F8] =	vst v0  }
0x161: {  	[tilespmem:$0x19E8] =	vst v0  }
0x162: {  	[tilespmem:$0x19D8] =	vst v0  }
0x163: {  	[tilespmem:$0x19C8] =	vst v0  }
0x164: {  	[tilespmem:$0x19B8] =	vst v0  }
0x165: {  	[tilespmem:$0x19A8] =	vst v0  }
0x166: {  	[tilespmem:$0x1998] =	vst v0  }
0x167: {  	[tilespmem:$0x1988] =	vst v0  }
0x168: {  	[tilespmem:$0x1978] =	vst v0  }
0x169: {  	[tilespmem:$0x1968] =	vst v0  }
0x16a: {  	[tilespmem:$0x1958] =	vst v0  }
0x16b: {  	[tilespmem:$0x1948] =	vst v0  }
0x16c: {  	[tilespmem:$0x1938] =	vst v0  }
0x16d: {  	[tilespmem:$0x1928] =	vst v0  }
0x16e: {  	[tilespmem:$0x1918] =	vst v0  }
0x16f: {  	[tilespmem:$0x1908] =	vst v0  }
0x170: {  	[tilespmem:$0x18F8] =	vst v0  }
0x171: {  	[tilespmem:$0x18E8] =	vst v0  }
0x172: {  	[tilespmem:$0x18D8] =	vst v0  }
0x173: {  	[tilespmem:$0x18C8] =	vst v0  }
0x174: {  	[tilespmem:$0x18B8] =	vst v0  }
0x175: {  	[tilespmem:$0x18A8] =	vst v0  }
0x176: {  	[tilespmem:$0x1898] =	vst v0  }
0x177: {  	[tilespmem:$0x1888] =	vst v0  }
0x178: {  	[tilespmem:$0x1878] =	vst v0  }
0x179: {  	[tilespmem:$0x1868] =	vst v0  }
0x17a: {  	[tilespmem:$0x1858] =	vst v0  }
0x17b: {  	[tilespmem:$0x1848] =	vst v0  }
0x17c: {  	[tilespmem:$0x1838] =	vst v0  }
0x17d: {  	[tilespmem:$0x1828] =	vst v0  }
0x17e: {  	[tilespmem:$0x1818] =	vst v0  }
0x17f: {  	[tilespmem:$0x1808] =	vst v0  }
0x180: {  	[tilespmem:$0x17F8] =	vst v0  }
0x181: {  	[tilespmem:$0x17E8] =	vst v0  }
0x182: {  	[tilespmem:$0x17D8] =	vst v0  }
0x183: {  	[tilespmem:$0x17C8] =	vst v0  }
0x184: {  	[tilespmem:$0x17B8] =	vst v0  }
0x185: {  	[tilespmem:$0x17A8] =	vst v0  }
0x186: {  	[tilespmem:$0x1798] =	vst v0  }
0x187: {  	[tilespmem:$0x1788] =	vst v0  }
0x188: {  	[tilespmem:$0x1778] =	vst v0  }
0x189: {  	[tilespmem:$0x1768] =	vst v0  }
0x18a: {  	[tilespmem:$0x1758] =	vst v0  }
0x18b: {  	[tilespmem:$0x1748] =	vst v0  }
0x18c: {  	[tilespmem:$0x1738] =	vst v0  }
0x18d: {  	[tilespmem:$0x1728] =	vst v0  }
0x18e: {  	[tilespmem:$0x1718] =	vst v0  }
0x18f: {  	[tilespmem:$0x1708] =	vst v0  }
0x190: {  	[tilespmem:$0x16F8] =	vst v0  }
0x191: {  	[tilespmem:$0x16E8] =	vst v0  }
0x192: {  	[tilespmem:$0x16D8] =	vst v0  }
0x193: {  	[tilespmem:$0x16C8] =	vst v0  }
0x194: {  	[tilespmem:$0x16B8] =	vst v0  }
0x195: {  	[tilespmem:$0x16A8] =	vst v0  }
0x196: {  	[tilespmem:$0x1698] =	vst v0  }
0x197: {  	[tilespmem:$0x1688] =	vst v0  }
0x198: {  	[tilespmem:$0x1678] =	vst v0  }
0x199: {  	[tilespmem:$0x1668] =	vst v0  }
0x19a: {  	[tilespmem:$0x1658] =	vst v0  }
0x19b: {  	[tilespmem:$0x1648] =	vst v0  }
0x19c: {  	[tilespmem:$0x1638] =	vst v0  }
0x19d: {  	[tilespmem:$0x1628] =	vst v0  }
0x19e: {  	[tilespmem:$0x1618] =	vst v0  }
0x19f: {  	[tilespmem:$0x1608] =	vst v0  }
0x1a0: {  	[tilespmem:$0x15F8] =	vst v0  }
0x1a1: {  	[tilespmem:$0x15E8] =	vst v0  }
0x1a2: {  	[tilespmem:$0x15D8] =	vst v0  }
0x1a3: {  	[tilespmem:$0x15C8] =	vst v0  }
0x1a4: {  	[tilespmem:$0x15B8] =	vst v0  }
0x1a5: {  	[tilespmem:$0x15A8] =	vst v0  }
0x1a6: {  	[tilespmem:$0x1598] =	vst v0  }
0x1a7: {  	[tilespmem:$0x1588] =	vst v0  }
0x1a8: {  	[tilespmem:$0x1578] =	vst v0  }
0x1a9: {  	[tilespmem:$0x1568] =	vst v0  }
0x1aa: {  	[tilespmem:$0x1558] =	vst v0  }
0x1ab: {  	[tilespmem:$0x1548] =	vst v0  }
0x1ac: {  	[tilespmem:$0x1538] =	vst v0  }
0x1ad: {  	[tilespmem:$0x1528] =	vst v0  }
0x1ae: {  	[tilespmem:$0x1518] =	vst v0  }
0x1af: {  	[tilespmem:$0x1508] =	vst v0  }
0x1b0: {  	[tilespmem:$0x14F8] =	vst v0  }
0x1b1: {  	[tilespmem:$0x14E8] =	vst v0  }
0x1b2: {  	[tilespmem:$0x14D8] =	vst v0  }
0x1b3: {  	[tilespmem:$0x14C8] =	vst v0  }
0x1b4: {  	[tilespmem:$0x14B8] =	vst v0  }
0x1b5: {  	[tilespmem:$0x14A8] =	vst v0  }
0x1b6: {  	[tilespmem:$0x1498] =	vst v0  }
0x1b7: {  	[tilespmem:$0x1488] =	vst v0  }
0x1b8: {  	[tilespmem:$0x1478] =	vst v0  }
0x1b9: {  	[tilespmem:$0x1468] =	vst v0  }
0x1ba: {  	[tilespmem:$0x1458] =	vst v0  }
0x1bb: {  	[tilespmem:$0x1448] =	vst v0  }
0x1bc: {  	[tilespmem:$0x1438] =	vst v0  }
0x1bd: {  	[tilespmem:$0x1428] =	vst v0  }
0x1be: {  	[tilespmem:$0x1418] =	vst v0  }
0x1bf: {  	[tilespmem:$0x1408] =	vst v0  }
0x1c0: {  	[tilespmem:$0x13F8] =	vst v0  }
0x1c1: {  	[tilespmem:$0x13E8] =	vst v0  }
0x1c2: {  	[tilespmem:$0x13D8] =	vst v0  }
0x1c3: {  	[tilespmem:$0x13C8] =	vst v0  }
0x1c4: {  	[tilespmem:$0x13B8] =	vst v0  }
0x1c5: {  	[tilespmem:$0x13A8] =	vst v0  }
0x1c6: {  	[tilespmem:$0x1398] =	vst v0  }
0x1c7: {  	[tilespmem:$0x1388] =	vst v0  }
0x1c8: {  	[tilespmem:$0x1378] =	vst v0  }
0x1c9: {  	[tilespmem:$0x1368] =	vst v0  }
0x1ca: {  	[tilespmem:$0x1358] =	vst v0  }
0x1cb: {  	[tilespmem:$0x1348] =	vst v0  }
0x1cc: {  	[tilespmem:$0x1338] =	vst v0  }
0x1cd: {  	[tilespmem:$0x1328] =	vst v0  }
0x1ce: {  	[tilespmem:$0x1318] =	vst v0  }
0x1cf: {  	[tilespmem:$0x1308] =	vst v0  }
0x1d0: {  	[tilespmem:$0x12F8] =	vst v0  }
0x1d1: {  	[tilespmem:$0x12E8] =	vst v0  }
0x1d2: {  	[tilespmem:$0x12D8] =	vst v0  }
0x1d3: {  	[tilespmem:$0x12C8] =	vst v0  }
0x1d4: {  	[tilespmem:$0x12B8] =	vst v0  }
0x1d5: {  	[tilespmem:$0x12A8] =	vst v0  }
0x1d6: {  	[tilespmem:$0x1298] =	vst v0  }
0x1d7: {  	[tilespmem:$0x1288] =	vst v0  }
0x1d8: {  	[tilespmem:$0x1278] =	vst v0  }
0x1d9: {  	[tilespmem:$0x1268] =	vst v0  }
0x1da: {  	[tilespmem:$0x1258] =	vst v0  }
0x1db: {  	[tilespmem:$0x1248] =	vst v0  }
0x1dc: {  	[tilespmem:$0x1238] =	vst v0  }
0x1dd: {  	[tilespmem:$0x1228] =	vst v0  }
0x1de: {  	[tilespmem:$0x1218] =	vst v0  }
0x1df: {  	[tilespmem:$0x1208] =	vst v0  }
0x1e0: {  	[tilespmem:$0x11F8] =	vst v0  }
0x1e1: {  	[tilespmem:$0x11E8] =	vst v0  }
0x1e2: {  	[tilespmem:$0x11D8] =	vst v0  }
0x1e3: {  	[tilespmem:$0x11C8] =	vst v0  }
0x1e4: {  	[tilespmem:$0x11B8] =	vst v0  }
0x1e5: {  	[tilespmem:$0x11A8] =	vst v0  }
0x1e6: {  	[tilespmem:$0x1198] =	vst v0  }
0x1e7: {  	[tilespmem:$0x1188] =	vst v0  }
0x1e8: {  	[tilespmem:$0x1178] =	vst v0  }
0x1e9: {  	[tilespmem:$0x1168] =	vst v0  }
0x1ea: {  	[tilespmem:$0x1158] =	vst v0  }
0x1eb: {  	[tilespmem:$0x1148] =	vst v0  }
0x1ec: {  	[tilespmem:$0x1138] =	vst v0  }
0x1ed: {  	[tilespmem:$0x1128] =	vst v0  }
0x1ee: {  	[tilespmem:$0x1118] =	vst v0  }
0x1ef: {  	s4 =	stileid.u32;
	[tilespmem:$0x1108] =	vst v0  }
0x1f0: {  	s0 =	smul.u32 $0x39, s4;
	[tilespmem:$0x10F8] =	vst v0  }
0x1f1: {  	s1 =	smin.u32 s4, $0xE;
	[tilespmem:$0x10C8] =	vst v0  }
0x1f2: {  	[tilespmem:$0x10D8] =	vst v0;
	s0 =	sadd.s32 s1, s0  }
0x1f3: {  	p0 =	slt.u32 s4, $0xE;
	[tilespmem:$0x10B8] =	vst v0;
	s1 =	simm.s32 $0x61E0;
	s6 =	smul.u32 $0x1B0, s0  }
0x1f4: {  	s1 =	simm.s32 @!p0 $0x6030;
	[tilespmem:$0x1038] =	vst v0  }
0x1f5: {  	[tilespmem:$0x10A8] =	vst v0;
	s0 =	sadd.s32 s1, s6  }
0x1f6: {  	s3 =	simm.s32 $0x2;
	s8 =	simm.s32 $0x9;
	[tilespmem:$0x1098] =	vst v0;
	s7 =	smin.u32 s0, $0x61A80  }
0x1f7: {  	s10 =	simm.s32 $0xA;
	s30 =	simm.s32 $0xB;
	[tilespmem:$0x1088] =	vst v0;
	s0 =	ssub.s32 s7, s6  }
0x1f8: {  	s16 =	simm.s32 $0x0;
	p4 =	por $0x0, $0x0;
	[tilespmem:$0x1078] =	vst v0;
	p0 =	sgt.s32 s0, $0x0  }
0x1f9: {  	s17 =	simm.s32 $0xC;
	s21 =	simm.s32 $0x0;
	[tilespmem:$0x1058] =	vst v0;
	s0 =	simm.s32 @!p0 $0x0  }
0x1fa: {  	s18 =	simm.s32 $0x0;
	s2 =	sand.u32 $0x1, s2;
	[tilespmem:$0x1048] =	vst v0;
	s29 =	smulhi.u32 $0x4BDA12F7, s0  }
0x1fb: {  	s20 =	simm.s32 $0x0;
	s31 =	sshll.u32 s4, $0x5;
	[tilespmem:$0x1018] =	vst v0;
	[dreg:$0x5] =	wrdreg s2  }
0x1fc: {  	s2 =	smul.u32 $0xC350, s2;
	[tilespmem:$0x1008] =	vst v0;
	[sflag:s3] =	ssyncpa.u1 $0x0;
	s1 =	sshrl.u32 s29, $0x7  }
0x1fd: {  	v0 =	vimm.s32 $0xFFFFFFFF;
	s3 =	sadd.s32 $0xEE5200, s11;
	[dreg:$0x4] =	wrdreg s31;
	s5 =	smul.u32 $0x1B0, s1  }
.Ltmp5:
0x1fe: {  	[tilespmem:$0x3648] =	vst v0;
	[sflag:s8] =	ssyncpa.u1 $0x0;
	s2 =	sadd.s32 s2, s11;
	(pc) =	sbr.rel .LBB3_1-.Ltmp5, $4  }
0x1ff: {  	[sflag:s10] =	ssyncpa.u1 $0x0;
	s11 =	sadd.s32 $0x2B0200, s11;
	p0 =	sne.s32 s0, s5  }
0x200: {  	[sflag:s30] =	ssyncpa.u1 $0x0;
	s14 =	sadd.s32 $0x33200, s2;
	s12 =	simm.s32 @!p0 $0x0  }
0x201: {  	s15 =	sadd.s32 $0x1AA00, s2;
	s19 =	smov.u32 s6;
	s12 =	sadd.s32 s12, s1  }
0x202: {  	v0 =	vlaneseq.u32;
	[dreg:$0x6] =	wrdreg s6;
	p0 =	por $0x1, $0x1;
	s4 =	sadd.s32 $0x1, s12  }
.LBB3_18:
0x203: {  	s0 =	simm.s32 $0x2  }
0x204: {  	_ =	swait.ge [sflag:s0], $0x0  }
0x205: {  	[sflag:s0] =	ssyncset.done $0x0;
	s0 =	simm.s32 $0x0  }
.LBB3_19:
0x206: {  	_ =	swait.ge [sflag:s17], s0  }
0x207: {  	s31 =	ssub.s32 $0x0, s0;
	v1 =	vmov s23;
	vm0 =	veq.s32 v0, $0x0;
	[sflag:s17] =	ssyncset.done $0x0  }
0x208: {  	vm15 =	veq.s32 v0, $0x2;
	v1 =	vsel vm0, s28, v1;
	[sflag:s17] =	ssyncadd.s32 s31  }
0x209: {  	v1 =	vsel vm15, s21, v1;
	[sflag:s17] =	ssyncpa.u1 $0x1  }
0x20a: {  	[tilespmem:$0x3648] =	vst v1  }
.LBB3_20:
0x20b: {  	s0 =	sadd.s32 $0x1B0, s19  }
0x20c: {  	s1 =	smov.u32 s6;
	p1 =	slt.s32 s0, s7  }
0x20d: {  	s1 =	smov.u32 @p1 s0;
	p1 =	sne.s32 s20, s4  }
.Ltmp6:
0x20e: {  	_ = 	snop;
	(pc) =	sbr.rel @!p1 .LBB3_21-.Ltmp6, $4  }
0x20f: {  	_ = 	snop  }
0x210: {  	s21 =	smov.u32 s18  }
0x211: {  	s31 =	sadd.s32 $0x1, s20;
	s18 =	smov.u32 s19;
	p0 =	por !p0, !p0  }
0x212: {  	p4 =	por !p4, !p4;
	s20 =	smov.u32 s31;
	s19 =	smov.u32 s1  }
.LBB3_1:
0x213: {  	p2 =	sge.u32 s20, s12  }
0x214: {  	s0 =	smulhi.u32 @!p2 $0xAAAAAAAB, s20  }
0x215: {  	s1 =	smov.u32 s19;
	p3 =	sgt.s32 @!p2 s19, $0x618D0  }
0x216: {  	s2 =	sshra.s32 @!p2 s19, $0x1F;
	p3 =	por !p3, p2;
	s0 =	sshrl.u32 @!p2 s0, $0x1  }
0x217: {  	s2 =	sand.u32 @!p2 s2, s19;
	s1 =	simm.s32 @p3 $0x618D0;
	s0 =	smul.u32 @!p2 $0x3, s0  }
0x218: {  	s1 =	ssub.s32 @!p2 s1, s2  }
0x219: {  	s23 =	sadd.s32 $0xFFFFFFFF, s20;
	s1 =	sadd.s32 @!p2 $0xFFF9E730, s1;
	s0 =	ssub.s32 @!p2 s20, s0  }
0x21a: {  	s2 =	sshll.u32 @!p2 s1, $0x2;
	p3 =	sgt.s32 @!p2 s1, $0x1AF;
	s0 =	smul.u32 @!p2 $0x6C0, s0  }
0x21b: {  	s5 =	sand.u32 @!p2 $0x7, s19;
	s1 =	ssub.s32 @!p2 $0x6C0, s2;
	p3 =	por !p3, p2  }
0x21c: {  	s2 =	sshrl.u32 @!p2 s19, $0x3;
	s1 =	sshrl.u32 @!p2 s1, $0x2;
	s0 =	sshrl.u32 @!p2 s0, $0x2  }
0x21d: {  	s2 =	sadd.s32 @!p2 s2, s14;
	s1 =	simm.s32 @!p3 $0x0;
	s0 =	sadd.s32 @!p2 $0x3888, s0  }
0x21e: {  	[tilespmem:s0], [sflag:$0xA] =	stream.linear.gather @!p2 [hbm4b:s2+s5], s1, $0x38;
	[tilespmem:$0x1F0F8] =	vst v63  }
0x21f: {  	p2 =	sge.u32 s23, s12  }
0x220: {  	p3 =	sgt.s32 @!p2 s18, $0x618D0  }
0x221: {  	s0 =	smov.u32 s18;
	s1 =	sshra.s32 @!p2 s18, $0x1F;
	p3 =	por !p3, p2  }
0x222: {  	s1 =	sand.u32 @!p2 s1, s18;
	s0 =	simm.s32 @p3 $0x618D0  }
0x223: {  	s0 =	ssub.s32 @!p2 s0, s1  }
0x224: {  	s0 =	sadd.s32 @!p2 $0xFFF9E730, s0  }
0x225: {  	s1 =	sshll.u32 @!p2 s0, $0x2  }
0x226: {  	p3 =	sgt.s32 @!p2 s0, $0x1AF;
	s0 =	ssub.s32 @!p2 $0x6C0, s1  }
0x227: {  	s22 =	ssub.s32 @!p2 $0x61A80, s18;
	p3 =	por !p3, p2;
	s0 =	sshrl.u32 @!p2 s0, $0x2  }
0x228: {  	s1 =	sand.u32 @!p2 $0x1, s23;
	s0 =	simm.s32 @!p3 $0x0;
	p3 =	slt.s32 @!p2 s22, $0x1  }
0x229: {  	s2 =	simm.s32 @!p2 $0xA;
	s1 =	smul.u32 @!p2 $0x6C0, s1;
	p3 =	por p2, p3  }
.Ltmp7:
0x22a: {  	_ =	swait.ge @!p2 [sflag:s2], s0;
	(pc) =	sbr.rel @p3 .LBB3_7-.Ltmp7, $4  }
0x22b: {  	s5 =	ssub.s32 @!p2 $0x0, s0;
	[sflag:s2] =	ssyncset.done @!p2 $0x0  }
0x22c: {  	s1 =	sshrl.u32 @!p2 s1, $0x2;
	[sflag:s2] =	ssyncadd.s32 @!p2 s5;
	s2 =	sshrl.u32 @!p2 s18, $0x3  }
0x22d: {  	s1 =	sadd.s32 @!p2 $0x3D98, s1;
	s5 =	sand.u32 @!p2 $0x7, s18;
	s2 =	sadd.s32 @!p2 s2, s15  }
0x22e: {  	[tilespmem:s1], [sflag:$0xB] =	stream.linear.gather @!p2 [hbm4b:s2+s5], s0, $0x38;
	[tilespmem:$0x1F0F8] =	vst v63  }
0x22f: {  	s0 =	smulhi.u32 $0xAAAAAAAB, s23;
	_ =	sdelay $0x1  }
0x230: {  	s0 =	sshrl.u32 s0, $0x1  }
0x231: {  	s0 =	smul.u32 $0x3, s0;
	_ =	sdelay $0x1  }
0x232: {  	s0 =	ssub.s32 s23, s0  }
0x233: {  	s1 =	simm.s32 $0x1;
	s0 =	smul.u32 $0x6C0, s0  }
.Ltmp8:
0x234: {  	s1 =	simm.s32 @!p0 $0x0;
	(pc) =	sbr.rel .LBB3_4-.Ltmp8, $4  }
0x235: {  	s1 =	smul.u32 $0x36000, s1  }
0x236: {  	p3 =	slt.s32 @!p2 s22, $0x1B0;
	s0 =	sshrl.u32 s0, $0x2  }
0x237: {  	p2 =	por !p3, p2;
	s1 =	sshrl.u32 s1, $0x2;
	s0 =	sadd.s32 $0x3888, s0  }
0x238: {  	s24 =	simm.s32 $0x0;
	s22 =	simm.s32 @p2 $0x1B0;
	s23 =	sadd.s32 $0x40F8, s1;
	v1 =	vmov s0  }
.LBB3_3:
0x239: {  	p2 =	sge.s32 s24, s22  }
.Ltmp9:
0x23a: {  	_ = 	snop;
	(pc) =	sbr.rel @p2 .LBB3_7-.Ltmp9, $2  }
0x23b: {  	_ =	sdelay $0x2  }
0x23c: {  	s23 =	sadd.s32 $0x800, s23  }
.LBB3_4:
0x23d: {  	p2 =	sle.s32 s22, s24  }
.Ltmp10:
0x23e: {  	_ = 	snop;
	(pc) =	sbr.rel @p2 .LBB3_3-.Ltmp10, $2  }
0x23f: {  	_ =	sdelay $0x2  }
0x240: {  	s0 =	smov.u32 s24;
	s24 =	sadd.s32 $0x10, s24  }
0x241: {  	s1 =	ssub.s32 s22, s0  }
0x242: {  	p2 =	slt.s32 s1, $0x10  }
0x243: {  	s1 =	simm.s32 @!p2 $0x10  }
0x244: {  	v2 =	vmov s1  }
0x245: {  	vm0 =	vgt.s32 v2, v0;
	_ =	sdelay $0x5  }
0x246: {  	v2 =	vld.idx.msk [tilespmem:v1+s0+$0x0 ss:$0x1], vm0;
	_ =	sdelay $0x2  }
0x247: {  	p2 =	slt.s32 s24, s22;
	s1 =	smov.u32 s22  }
0x248: {  	s2 =	smov.u32 s23;
	s25 =	simm.s32 $0x0;
	s1 =	smov.u32 @p2 s24  }
.LBB3_6:
0x249: {  	(v2sf) =	vpush v2, s25;
	_ =	sdelay $0xc  }
0x24a: {  	s25 =	sadd.s32 $0x1, s25  }
0x24b: {  	s31 =	sadd.s32 s25, s0  }
0x24c: {  	p2 =	slt.s32 s31, s1;
	s5 =	spop (v2sf)  }
.Ltmp11:
0x24d: {  	s5 =	sshll.u32 s5, $0x4;
	(pc) =	sbr.rel @p2 .LBB3_6-.Ltmp11, $4  }
0x24e: {  	s5 =	sand.u32 $0x1FFFFFF0, s5  }
0x24f: {  	s5 =	sadd.s32 s11, s5  }
0x250: {  	[tilespmem:s2], [sflag:$0x9] =	stream.linear.gather [hbm4b:s5+s16], $0x10, $0x38;
	[tilespmem:$0x1F0F8] =	vst v63  }
0x251: {  	s2 =	sadd.s32 $0x80, s2  }
.Ltmp12:
0x252: {  	_ = 	snop;
	(pc) =	sbr.rel .LBB3_3-.Ltmp12, $1  }
0x253: {  	_ =	sdelay $0x3  }
.LBB3_7:
0x254: {  	p2 =	slt.u32 s20, $0x2  }
.Ltmp13:
0x255: {  	_ = 	snop;
	(pc) =	sbr.rel @p2 .LBB3_20-.Ltmp13, $1  }
0x256: {  	_ =	sdelay $0x3  }
0x257: {  	p2 =	sgt.s32 s21, $0x618D0  }
0x258: {  	s0 =	smov.u32 s21;
	s1 =	sshra.s32 s21, $0x1F;
	s2 =	ssub.s32 $0x61A80, s21  }
0x259: {  	s0 =	simm.s32 @!p2 $0x618D0;
	s1 =	sand.u32 s1, s21;
	p2 =	slt.s32 s2, $0x1B0  }
0x25a: {  	s0 =	ssub.s32 s0, s1;
	s2 =	simm.s32 @!p2 $0x1B0  }
0x25b: {  	s0 =	sadd.s32 $0xFFF9E730, s0;
	s24 =	sshll.u32 s2, $0x4  }
0x25c: {  	s28 =	simm.s32 $0x9;
	s25 =	sshll.u32 s0, $0x2;
	s1 =	sand.u32 $0x3FFFFFF0, s24  }
0x25d: {  	p2 =	sgt.s32 s0, $0x1AF;
	s26 =	ssub.s32 $0x6C0, s25;
	_ =	swait.ge [sflag:s28], s1  }
0x25e: {  	s1 =	ssub.s32 $0x0, s1;
	[sflag:s28] =	ssyncset.done $0x0;
	s0 =	sshrl.u32 s26, $0x2  }
0x25f: {  	s30 =	simm.s32 $0xB;
	[sflag:s28] =	ssyncadd.s32 s1;
	s0 =	simm.s32 @p2 $0x0  }
0x260: {  	_ =	swait.ge [sflag:s30], s0  }
0x261: {  	s0 =	ssub.s32 $0x0, s0;
	[sflag:s30] =	ssyncset.done $0x0  }
0x262: {  	[sflag:s30] =	ssyncadd.s32 s0  }
0x263: {  	v1 =	vld [tilespmem:$0x3648];
	_ =	sdelay $0x4  }
0x264: {  	(v2sf) =	vpush v1, $0x0  }
0x265: {  	(v2sf) =	vpush v1, $0x1  }
0x266: {  	(v2sf) =	vpush v1, $0x2;
	_ =	sdelay $0x3  }
0x267: {  	s0 =	sadd.s32 $0x1B0, s21  }
0x268: {  	s1 =	ssub.s32 $0xC3500, s21;
	p2 =	slt.s32 s7, s0  }
0x269: {  	s0 =	smov.u32 @p2 s7;
	p2 =	sgt.s32 s1, $0x0  }
0x26a: {  	s25 =	ssub.s32 s0, s21;
	s1 =	simm.s32 @!p2 $0x0  }
0x26b: {  	p2 =	slt.s32 s1, s25  }
0x26c: {  	s25 =	smov.u32 @p2 s1  }
0x26d: {  	s24 =	simm.s32 $0x1;
	p2 =	slt.s32 s25, $0x1  }
.Ltmp14:
0x26e: {  	s24 =	simm.s32 @!p4 $0x0;
	(pc) =	sbr.rel @p2 .LBB3_12-.Ltmp14, $4  }
0x26f: {  	s31 =	smul.u32 $0x6C0, s24  }
0x270: {  	s26 =	spop (v2sf)  }
0x271: {  	s0 =	sshrl.u32 s31, $0x2;
	s29 =	spop (v2sf)  }
0x272: {  	s22 =	sadd.s32 $0x3D98, s0;
	s21 =	spop (v2sf)  }
0x273: {  	s0 =	smin.u32 s25, $0x10  }
0x274: {  	v1 =	vmov s0  }
0x275: {  	p3 =	sgt.s32 s25, $0x10;
	vm1 =	vgt.u32 v1, v0  }
.Ltmp15:
0x276: {  	_ = 	snop;
	(pc) =	sbr.rel @!p3 .LBB3_11-.Ltmp15, $2  }
0x277: {  	_ =	sdelay $0x2  }
0x278: {  	s23 =	simm.s32 $0x10;
	s28 =	sadd.s32 $0xFFFFFFF0, s25;
	s0 =	smov.u32 s22;
	vm0 =	vmmov vm1  }
.LBB3_10:
0x279: {  	s1 =	smin.u32 s28, $0x10;
	s23 =	sadd.s32 $0x10, s23;
	v1 =	vld.msk [tilespmem:s0+$0x0 ss:$0x1], vm1  }
0x27a: {  	v2 =	vmov s1;
	p3 =	slt.s32 s23, s25  }
0x27b: {  	vm1 =	vgt.u32 v2, v0  }
.Ltmp16:
0x27c: {  	(pc) =	sbr.rel @p3 .LBB3_10-.Ltmp16, $3  }
0x27d: {  	_ =	sdelay $0x1  }
0x27e: {  	v1 =	vshll.u32 v1, $0x4  }
0x27f: {  	s28 =	sadd.s32 $0xFFFFFFF0, s28;
	[tilespmem:s0+$0x0] =	vst.msk vm0, v1;
	s0 =	sadd.s32 $0x10, s0;
	vm0 =	vmmov vm1  }
.LBB3_11:
0x280: {  	_ =	sdelay $0x4  }
0x281: {  	v1 =	vld.msk [tilespmem:s0+$0x0 ss:$0x1], vm1;
	_ =	sdelay $0x4  }
0x282: {  	v1 =	vshll.u32 v1, $0x4  }
0x283: {  	[tilespmem:s0+$0x0] =	vst.msk vm0, v1  }
.LBB3_12:
0x284: {  	s0 =	sand.u32 $0x1, s20  }
0x285: {  	s0 =	smul.u32 $0x1B0, s0  }
0x286: {  	p3 =	sne.s32 s29, $0xFFFFFFFF  }
0x287: {  	v1 =	vld.msk @!p3 [tilespmem:s0+$0x3D98], $0x1;
	_ =	sdelay $0x4  }
0x288: {  	(v2sf) =	vpush @!p3 v1, $0x0;
	_ =	sdelay $0xc  }
.Ltmp17:
0x289: {  	_ = 	snop;
	(pc) =	sbr.rel @p2 .LBB3_18-.Ltmp17, $4  }
0x28a: {  	_ = 	snop  }
0x28b: {  	s28 =	spop @!p3 (v2sf)  }
0x28c: {  	s21 =	simm.s32 @!p3 $0x0;
	s23 =	smov.u32 s28  }
0x28d: {  	[sflag:s17] =	ssyncpa.u1 $0x0;
	s28 =	smov.u32 @p3 s26;
	s23 =	smov.u32 @p3 s29  }
0x28e: {  	v1 =	vld.msk [tilespmem:s22+$0x0], $0x1;
	_ =	sdelay $0x4  }
0x28f: {  	(v2sf) =	vpush v1, $0x0;
	_ =	sdelay $0xe  }
0x290: {  	s0 =	simm.s32 @!p4 $0x0;
	s26 =	smul.u32 $0x36000, s24;
	s31 =	spop (v2sf)  }
0x291: {  	s29 =	ssub.s32 $0x0, s25;
	s0 =	simm.s32 @p4 $0x1;
	p2 =	seq.s32 s28, s31  }
0x292: {  	s1 =	smov.u32 s28;
	[smem:$0x7FD] =	sst s0;
	p3 =	sgt.s32 @!p2 s28, $0x0  }
0x293: {  	s0 =	sshrl.u32 s26, $0x2;
	s26 =	sadd.s32 $0x1, s29;
	p3 =	por !p3, p2  }
0x294: {  	s1 =	simm.s32 @p3 $0x0;
	p3 =	seq.s32 s26, $0x0  }
.Ltmp18:
0x295: {  	_ = 	snop;
	(pc) =	sbr.rel @p3 .LBB3_15-.Ltmp18, $4  }
0x296: {  	s6 =	smov.u32 s4;
	s25 =	simm.s32 $0x0  }
0x297: {  	s24 =	sadd.s32 $0x40F8, s0;
	s0 =	simm.s32 @!p2 $0x1;
	s2 =	smin.u32 @!p2 s1, $0xC3FFE  }
0x298: {  	s30 =	sadd.s32 $0x1, s22;
	s0 =	smov.u32 @p2 s25;
	s5 =	sand.u32 @!p2 $0xFFFF8, s2  }
0x299: {  	s1 =	simm.s32 @!p2 $0x1B38;
	s2 =	sand.u32 @!p2 $0x7, s2;
	s5 =	sadd.s32 @!p2 s3, s5  }
.LBB3_14:
0x29a: {  	s4 =	smov.u32 s0  }
0x29b: {  	[tilespmem:s1], [sflag:$0x2] =	stream.linear.gather @!p2 [hbm4b:s5+s2], $0x10, $0x38;
	[tilespmem:$0x1F0F8] =	vst v63  }
0x29c: {  	s26 =	sadd.s32 $0x1, s26;
	s2 =	smov.u32 s31;
	v1 =	vld.msk [tilespmem:s30+$0x0], $0x1  }
0x29d: {  	p3 =	seq.s32 s26, $0x0;
	_ =	sdelay $0x3  }
0x29e: {  	(v2sf) =	vpush v1, $0x0;
	_ =	sdelay $0xe  }
0x29f: {  	s31 =	spop (v2sf)  }
0x2a0: {  	p2 =	seq.s32 s2, s31  }
0x2a1: {  	p4 =	sgt.s32 @!p2 s2, $0x0;
	s1 =	sshll.u32 @!p2 s0, $0x6;
	s0 =	sadd.s32 @!p2 $0x1, s0  }
.Ltmp19:
0x2a2: {  	p4 =	por !p4, p2;
	s1 =	sshra.s32 @!p2 s1, $0x2;
	(pc) =	sbr.rel @!p3 .LBB3_14-.Ltmp19, $4  }
0x2a3: {  	s0 =	smov.u32 @p2 s4;
	s2 =	simm.s32 @p4 $0x0;
	s1 =	sadd.s32 @!p2 $0x1B38, s1  }
0x2a4: {  	s2 =	smin.u32 @!p2 s2, $0xC3FFE  }
0x2a5: {  	s4 =	sand.u32 @!p2 $0xFFFF8, s2;
	s2 =	sand.u32 @!p2 $0x7, s2  }
0x2a6: {  	s30 =	sadd.s32 $0x1, s30;
	s5 =	sadd.s32 @!p2 s3, s4  }
.LBB3_15:
0x2a7: {  	[tilespmem:s1], [sflag:$0x2] =	stream.linear.gather @!p2 [hbm4b:s5+s2], $0x10, $0x38;
	[tilespmem:$0x1F0F8] =	vst v63  }
0x2a8: {  	s0 =	sshll.u32 s0, $0x4  }
0x2a9: {  	s31 =	simm.s32 $0x2;
	s0 =	sand.u32 $0x3FFFFFF0, s0  }
0x2aa: {  	_ =	swait.ge [sflag:s31], s0  }
0x2ab: {  	s0 =	ssub.s32 $0x0, s0;
	[sflag:s31] =	ssyncset.done $0x0  }
0x2ac: {  	[sflag:s31] =	ssyncadd.s32 s0  }
0x2ad: {  	v1 =	vld.msk [tilespmem:s22+$0x0], $0x1;
	_ =	sdelay $0x4  }
0x2ae: {  	(v2sf) =	vpush v1, $0x0;
	_ =	sdelay $0xe  }
0x2af: {  	s26 =	spop (v2sf)  }
0x2b0: {  	p2 =	sne.s32 s28, s26  }
0x2b1: {  	p4 =	sne.s32 @p2 s28, s23  }
0x2b2: {  	p3 =	por !p4, !p2  }
0x2b3: {  	s0 =	simm.s32 @!p3 $0x0  }
0x2b4: {  	v1 =	vld @!p3 [tilespmem:s0+$0x1B38]  }
0x2b5: {  	p5 =	sgt.u32 @!p3 s28, $0xC3FFE  }
0x2b6: {  	s1 =	sshll.u32 @!p3 s21, $0x6;
	p6 =	por @p2 p5, !p4  }
0x2b7: {  	s1 =	sshra.s32 @!p3 s1, $0x2;
	p1 =	por p6, !p2;
	p6 =	por p4, !p2  }
0x2b8: {  	s2 =	sadd.s32 @!p3 $0x28, s1;
	s4 =	sand.u32 @!p1 $0xFFFF8, s28;
	s5 =	sshll.u32 @!p6 s21, $0x6  }
0x2b9: {  	s28 =	sand.u32 @!p1 $0x7, s28;
	[tilespmem:s1+$0x28] =	vst.add.f32.msk @!p3 $0xffff, v1;
	s1 =	sadd.s32 @!p1 s3, s4;
	s4 =	sshra.s32 @!p6 s5, $0x2  }
0x2ba: {  	[hbm4b:s1+s28] =	stream.linear.scatter @!p1 [tilespmem:s2], [sflag:$0xC], $0x10, $0x38;
	[tilespmem:$0x1F0F8] =	vst v63  }
0x2bb: {  	s0 =	rddreg [dreg:$0x4];
	s1 =	sadd.s32 @!p6 $0x28, s4;
	s2 =	simm.s32 @!p6 $0x1  }
0x2bc: {  	[spmem:s0] =	stream.linear.scatter @!p6 [tilespmem:s1], [sflag:$0x1], $0x10, $0x38;
	[tilespmem:$0x1F0F8] =	vst v63  }
0x2bd: {  	s0 =	sadd.s32 @p2 $0x1, s21;
	_ =	swait.ge @!p6 [sflag:s2], $0x10  }
0x2be: {  	s1 =	sshrl.u32 @p2 s0, $0x4;
	[sflag:s2] =	ssyncset.done @!p6 $0x0  }
0x2bf: {  	s1 =	smulhi.u32 @p2 $0x97B425F, s1;
	[sflag:s2] =	ssyncadd.s32 @!p6 $0xFFFFFFF0  }
0x2c0: {  	s28 =	sadd.s32 $0x1, s29;
	v1 =	vld @p2 [tilespmem:s24+$0x0]  }
0x2c1: {  	p1 =	por @p2 !p5, !p4;
	p4 =	seq.s32 s28, $0x0;
	s1 =	smul.u32 @p2 $0x1B0, s1  }
.Ltmp20:
0x2c2: {  	p1 =	por !p1, !p2;
	s2 =	simm.s32 @!p3 $0x0;
	(pc) =	sbr.rel @p4 .LBB3_17-.Ltmp20, $4  }
0x2c3: {  	s4 =	sshll.u32 @!p2 s21, $0x6;
	s2 =	simm.s32 @!p1 $0x40;
	s0 =	ssub.s32 @p2 s0, s1  }
0x2c4: {  	s29 =	simm.s32 $0x0;
	s2 =	sadd.s32 @!p3 $0x0, s2;
	s5 =	sshll.u32 @p2 s0, $0x4  }
0x2c5: {  	s30 =	sshra.s32 @!p2 s4, $0x2;
	s1 =	simm.s32 @p2 $0x1;
	s2 =	smov.u32 @p3 s25;
	[tilespmem:s5+$0x28] =	vst @p2 v1  }
0x2c6: {  	s21 =	smov.u32 @p2 s0;
	s29 =	smov.u32 @p2 s2;
	s25 =	smov.u32 @p2 s1;
	v1 =	vld @!p2 [tilespmem:s24+$0x0]  }
.LBB3_16:
0x2c7: {  	_ =	sdelay $0x3  }
0x2c8: {  	s22 =	sadd.s32 $0x1, s22;
	[tilespmem:s30+$0x28] =	vst.add.f32.msk @!p2 $0xffff, v1  }
0x2c9: {  	v1 =	vld.msk [tilespmem:s22+$0x0], $0x1;
	_ =	sdelay $0x4  }
0x2ca: {  	(v2sf) =	vpush v1, $0x0;
	_ =	sdelay $0xe  }
0x2cb: {  	s0 =	smov.u32 s26;
	s26 =	spop (v2sf)  }
0x2cc: {  	p2 =	sne.s32 s0, s26  }
0x2cd: {  	p5 =	sne.s32 @p2 s0, s23  }
0x2ce: {  	s4 =	sshll.u32 @!p2 s21, $0x6;
	p4 =	por !p5, !p2  }
0x2cf: {  	s30 =	sshra.s32 @!p2 s4, $0x2;
	s4 =	sshll.u32 @!p4 s25, $0x6  }
0x2d0: {  	s4 =	sshra.s32 @!p4 s4, $0x2  }
0x2d1: {  	p1 =	sgt.u32 @!p4 s0, $0xC3FFE;
	v1 =	vld @!p4 [tilespmem:s4+$0x1B38]  }
0x2d2: {  	s31 =	sshll.u32 @!p4 s21, $0x6;
	p6 =	por @p2 p1, !p5;
	p1 =	por @p2 !p1, !p5  }
0x2d3: {  	s8 =	simm.s32 @!p4 $0x0;
	s31 =	sshra.s32 @!p4 s31, $0x2;
	p1 =	por !p1, !p2  }
0x2d4: {  	p5 =	por p5, !p2;
	s8 =	simm.s32 @!p1 $0x40;
	p1 =	por p6, !p2  }
0x2d5: {  	s4 =	sadd.s32 @!p4 $0x28, s31;
	s13 =	sshll.u32 @!p5 s21, $0x6;
	s10 =	sand.u32 @!p1 $0xFFFF8, s0  }
0x2d6: {  	s13 =	sshra.s32 @!p5 s13, $0x2;
	s0 =	sand.u32 @!p1 $0x7, s0;
	s10 =	sadd.s32 @!p1 s3, s10;
	[tilespmem:s31+$0x28] =	vst.add.f32.msk @!p4 $0xffff, v1  }
0x2d7: {  	[hbm4b:s10+s0] =	stream.linear.scatter @!p1 [tilespmem:s4], [sflag:$0xC], $0x10, $0x38;
	[tilespmem:$0x1F0F8] =	vst v63  }
0x2d8: {  	s1 =	rddreg [dreg:$0x4];
	s0 =	sadd.s32 @!p5 $0x28, s13;
	s4 =	simm.s32 @!p5 $0x1  }
0x2d9: {  	[spmem:s1] =	stream.linear.scatter @!p5 [tilespmem:s0], [sflag:$0x1], $0x10, $0x38;
	[tilespmem:$0x1F0F8] =	vst v63  }
0x2da: {  	s2 =	sadd.s32 @p2 $0x1, s21;
	_ =	swait.ge @!p5 [sflag:s4], $0x10  }
0x2db: {  	s5 =	sshrl.u32 @p2 s2, $0x4;
	[sflag:s4] =	ssyncset.done @!p5 $0x0  }
0x2dc: {  	s24 =	sadd.s32 $0x80, s24;
	s5 =	smulhi.u32 @p2 $0x97B425F, s5;
	[sflag:s4] =	ssyncadd.s32 @!p5 $0xFFFFFFF0  }
0x2dd: {  	s28 =	sadd.s32 $0x1, s28;
	v1 =	vld @p2 [tilespmem:s24+$0x0]  }
0x2de: {  	p3 =	seq.s32 s28, $0x0;
	s5 =	smul.u32 @p2 $0x1B0, s5  }
.Ltmp21:
0x2df: {  	_ = 	snop;
	(pc) =	sbr.rel @!p3 .LBB3_16-.Ltmp21, $4  }
0x2e0: {  	s2 =	ssub.s32 @p2 s2, s5  }
0x2e1: {  	s8 =	sadd.s32 @!p4 s8, s29;
	s5 =	sshll.u32 @p2 s2, $0x4  }
0x2e2: {  	s9 =	sadd.s32 @p2 $0x1, s25;
	s8 =	smov.u32 @p4 s29;
	[tilespmem:s5+$0x28] =	vst @p2 v1  }
0x2e3: {  	s25 =	smov.u32 @p2 s9;
	s21 =	smov.u32 @p2 s2;
	s29 =	smov.u32 @p2 s8;
	v1 =	vld @!p2 [tilespmem:s24+$0x0]  }
.LBB3_17:
.Ltmp22:
0x2e4: {  	_ = 	snop;
	(pc) =	sbr.rel .LBB3_19-.Ltmp22, $3  }
0x2e5: {  	s1 =	sld [smem:$0x7FD];
	_ =	sdelay $0x1  }
0x2e6: {  	s0 =	sshrl.u32 s29, $0x2;
	s28 =	smov.u32 s26  }
0x2e7: {  	s4 =	smov.u32 s6;
	s6 =	rddreg [dreg:$0x6];
	p4 =	seq.s32 s1, $0x1;
	[tilespmem:s30+$0x28] =	vst.add.f32.msk @!p2 $0xffff, v1  }
.LBB3_21:
0x2e8: {  	_ =	sfence.sel $0x180000  }
0x2e9: {  	s0 =	simm.s32 $0x9;
	[bflag:$0x0] =	sbarrier.arrive $0xFFFF  }
0x2ea: {  	s24 =	simm.s32 $0xA;
	[sflag:s0] =	ssyncpa.u1 $0x1  }
0x2eb: {  	s25 =	simm.s32 $0xB;
	[sflag:s24] =	ssyncpa.u1 $0x1  }
0x2ec: {  	s26 =	simm.s32 $0x2;
	[sflag:s25] =	ssyncpa.u1 $0x1  }
0x2ed: {  	[sflag:s26] =	ssyncpa.u1 $0x1  }
0x2ee: {  	v0 =	vld [tilespmem:$0x3648];
	_ =	sdelay $0x4  }
0x2ef: {  	(v2sf) =	vpush v0, $0x0  }
0x2f0: {  	(v2sf) =	vpush v0, $0x1;
	_ =	sdelay $0x1  }
0x2f1: {  	(v2sf) =	vpush v0, $0x2;
	_ =	sdelay $0xb  }
0x2f2: {  	s0 =	spop (v2sf)  }
0x2f3: {  	s1 =	spop (v2sf)  }
0x2f4: {  	s2 =	smov.u32 s0;
	p0 =	sne.s32 s0, s1  }
0x2f5: {  	s4 =	spop (v2sf);
	s2 =	simm.s32 @!p0 $0xFFFFFFFF  }
0x2f6: {  	v2 =	vimm.s32 $0x1;
	v3 =	vlaneseq.u32;
	p0 =	seq.s32 s4, $0xFFFFFFFF;
	v1 =	vmov s2  }
0x2f7: {  	s16 =	stileid.u32;
	v0 =	vperm.xlane v0, v2;
	p1 =	sne.s32 @!p0 s0, s1;
	v1 =	vperm.xlane v1, v3  }
0x2f8: {  	vm0 =	vcmask $0x3F04;
	s6 =	simm.s32 $0x3648;
	s0 =	simm.s32 @!p0 $0x1;
	p1 =	por !p1, p0  }
0x2f9: {  	s2 =	sshll.u32 s16, $0x1;
	s1 =	sshll.u32 @!p0 s4, $0x6;
	s0 =	simm.s32 @p1 $0x0;
	v0 =	vsel vm0, v1, v0  }
0x2fa: {  	s5 =	sor.u32 $0x200, s2;
	s1 =	sshra.s32 @!p0 s1, $0x2;
	s0 =	sor.u32 @!p0 s0, s2;
	[tilespmem:$0x3648] =	vst v0  }
0x2fb: {  	[spmem:s5] =	stream.linear.scatter [tilespmem:s6], [sflag:$0x1], $0x2, $0x38;
	[tilespmem:$0x1F0F8] =	vst v63  }
0x2fc: {  	s1 =	sadd.s32 @!p0 $0x28, s1;
	s0 =	sshll.u32 @!p0 s0, $0x4  }
0x2fd: {  	[spmem:s0] =	stream.linear.scatter @!p0 [tilespmem:s1], [sflag:$0x1], $0x10, $0x38;
	[tilespmem:$0x1F0F8] =	vst v63  }
0x2fe: {  	s0 =	simm.s32 @!p0 $0x12  }
0x2ff: {  	s28 =	simm.s32 $0x1;
	s0 =	simm.s32 @p0 $0x2  }
0x300: {  	_ =	swait.ge [sflag:s28], s0  }
0x301: {  	s0 =	ssub.s32 $0x0, s0;
	[sflag:s28] =	ssyncset.done $0x0  }
0x302: {  	p0 =	sne.s32 s16, $0x0;
	[sflag:s28] =	ssyncadd.s32 s0  }
.Ltmp23:
0x303: {  	_ =	sfence.stream.spmem;
	(pc) =	sbr.rel @p0 .LBB3_38-.Ltmp23, $4  }
0x304: {  	s29 =	simm.s32 $0x3;
	[bflag:$0x0] =	sbarrier.arrive $0xFFFF  }
0x305: {  	s30 =	simm.s32 $0x4;
	[sflag:s29] =	ssyncpa.u1 $0x1  }
0x306: {  	s31 =	simm.s32 $0x3C;
	[sflag:s30] =	ssyncpa.u1 $0x1  }
0x307: {  	s17 =	rddreg [dreg:$0x5];
	[sflag:s31] =	ssyncpa.u1 $0x1  }
0x308: {  	_ =	sfence.stream.spmem;
	s0 =	simm.s32 $0x5  }
0x309: {  	s1 =	simm.s32 $0x200;
	s2 =	simm.s32 $0x3658;
	[sflag:s0] =	ssyncpa.u1 $0x0  }
0x30a: {  	[tilespmem:s2], [sflag:$0x5] =	stream.linear.gather [spmem:s1], $0x20, $0x38;
	[tilespmem:$0x1F0F8] =	vst v63  }
0x30b: {  	s26 =	simm.s32 $0x0;
	s28 =	simm.s32 $0x3678  }
0x30c: {  	[tilespmem:s28], [sflag:$0x5] =	stream.linear.gather [spmem:s26], $0x200, $0x38;
	[tilespmem:$0x1F0F8] =	vst v63  }
0x30d: {  	_ =	swait.ge [sflag:s0], $0x220  }
0x30e: {  	[sflag:s0] =	ssyncset.done $0x0  }
0x30f: {  	s29 =	simm.s32 $0x0;
	[sflag:s0] =	ssyncadd.s32 $0xFFFFFDE0  }
0x310: {  	v0 =	vld.msk [tilespmem:s29+$0x3658], $0x1;
	_ =	sdelay $0x1  }
0x311: {  	s30 =	simm.s32 $0x1  }
0x312: {  	v1 =	vld.msk [tilespmem:s30+$0x3658], $0x1;
	_ =	sdelay $0x1  }
0x313: {  	(v2sf) =	vpush v0, $0x0;
	_ =	sdelay $0x2  }
0x314: {  	(v2sf) =	vpush v1, $0x0;
	_ =	sdelay $0x2  }
0x315: {  	s31 =	simm.s32 $0x2  }
0x316: {  	v0 =	vld.msk [tilespmem:s31+$0x3658], $0x1;
	_ =	sdelay $0x2  }
0x317: {  	s6 =	simm.s32 $0xFFFFFFFF;
	s1 =	simm.s32 $0xFFFFFFFF;
	s0 =	simm.s32 $0xC  }
.LBB3_23:
0x318: {  	s2 =	smov.u32 s6;
	s4 =	smov.u32 s1  }
0x319: {  	s1 =	sshra.s32 s0, $0x2;
	p1 =	sne.s32 s0, $0x7C;
	s0 =	sadd.s32 $0x4, s0;
	(v2sf) =	vpush v0, $0x0  }
0x31a: {  	v0 =	vld.msk [tilespmem:s1+$0x3658], $0x1  }
.Ltmp24:
0x31b: {  	(pc) =	sbr.rel @p1 .LBB3_23-.Ltmp24, $4  }
0x31c: {  	s6 =	spop (v2sf)  }
0x31d: {  	p2 =	sne.s32 s4, $0xFFFFFFFF;
	s1 =	smov.u32 s6  }
0x31e: {  	p3 =	seq.s32 s6, $0xFFFFFFFF;
	s1 =	smov.u32 @p2 s4  }
0x31f: {  	s6 =	smov.u32 @p3 s2;
	s1 =	smov.u32 @p3 s4  }
0x320: {  	(v2sf) =	vpush v0, $0x0;
	_ =	sdelay $0x8  }
0x321: {  	s0 =	spop (v2sf)  }
0x322: {  	p1 =	sne.s32 s1, $0xFFFFFFFF;
	s2 =	smov.u32 s0  }
0x323: {  	s9 =	simm.s32 $0x6;
	p2 =	seq.s32 s0, $0xFFFFFFFF;
	s2 =	smov.u32 @p1 s1  }
0x324: {  	s10 =	simm.s32 $0x3638;
	s2 =	smov.u32 @p2 s1;
	s1 =	spop (v2sf)  }
0x325: {  	s0 =	smov.u32 @p2 s6;
	p1 =	sne.s32 s2, $0xFFFFFFFF;
	s4 =	smov.u32 s1  }
.Ltmp25:
0x326: {  	p2 =	seq.s32 s1, $0xFFFFFFFF;
	s4 =	smov.u32 @p1 s2;
	(pc) =	sbr.rel .LBB3_25-.Ltmp25, $4  }
0x327: {  	s11 =	simm.s32 $0x0;
	s4 =	smov.u32 @p2 s2;
	s7 =	spop (v2sf)  }
0x328: {  	[sflag:s9] =	ssyncpa.u1 $0x0;
	p1 =	sne.s32 s4, $0xFFFFFFFF;
	s8 =	smov.u32 s7  }
0x329: {  	s1 =	smov.u32 @p2 s0;
	p2 =	seq.s32 s7, $0xFFFFFFFF;
	s8 =	smov.u32 @p1 s4  }
0x32a: {  	s6 =	simm.s32 $0x0;
	s7 =	smov.u32 @p2 s1;
	s8 =	smov.u32 @p2 s4  }
.LBB3_30:
0x32b: {  	p1 =	sgt.u32 s12, $0xC3FFE  }
0x32c: {  	p2 =	seq.s32 @!p1 s12, s8  }
0x32d: {  	p1 =	por p1, p2  }
0x32e: {  	p2 =	sne.s32 @!p1 s12, s7  }
0x32f: {  	p1 =	por p1, !p2  }
0x330: {  	s0 =	sshll.u32 @p1 s11, $0x6  }
0x331: {  	s0 =	sand.u32 @!p1 $0xFFFF8, s12  }
0x332: {  	s1 =	sand.u32 @!p1 $0x7, s12;
	s0 =	sadd.s32 @!p1 s3, s0  }
0x333: {  	[tilespmem:s10], [sflag:$0x6] =	stream.linear.gather @!p1 [hbm4b:s0+s1], $0x10, $0x38;
	[tilespmem:$0x1F0F8] =	vst v63  }
0x334: {  	_ =	swait.ge @!p1 [sflag:s9], $0x10  }
0x335: {  	[sflag:s9] =	ssyncset.done @!p1 $0x0  }
0x336: {  	[sflag:s9] =	ssyncadd.s32 @!p1 $0xFFFFFFF0  }
0x337: {  	v1 =	vld @!p1 [tilespmem:$0x3638];
	_ =	sdelay $0x2  }
0x338: {  	s0 =	sshll.u32 @!p1 s11, $0x6  }
0x339: {  	s1 =	sshrl.u32 @!p1 s0, $0x2  }
0x33a: {  	[tilespmem:s1+$0x3678] =	vst.add.f32.msk @!p1 $0xffff, v1  }
0x33b: {  	s0 =	sshrl.u32 s0, $0x2;
	[tilespmem:s6+$0x3658] =	vst.msk $0x1, v0  }
0x33c: {  	v0 =	vld [tilespmem:s0+$0x3678];
	_ =	sdelay $0x2  }
0x33d: {  	s31 =	sshll.u32 s6, $0x6  }
0x33e: {  	s0 =	sshra.s32 s31, $0x2  }
0x33f: {  	s6 =	sadd.s32 $0x1, s6;
	[tilespmem:s0+$0x3678] =	vst v0  }
.LBB3_32:
0x340: {  	s11 =	sadd.s32 $0x1, s11  }
0x341: {  	p1 =	sne.s32 s11, $0x20  }
.Ltmp26:
0x342: {  	_ = 	snop;
	(pc) =	sbr.rel @!p1 .LBB3_33-.Ltmp26, $1  }
0x343: {  	_ =	sdelay $0x3  }
.LBB3_25:
0x344: {  	v0 =	vld.msk [tilespmem:s11+$0x3658], $0x1;
	_ =	sdelay $0x4  }
0x345: {  	(v2sf) =	vpush v0, $0x0;
	_ =	sdelay $0xe  }
0x346: {  	s12 =	spop (v2sf)  }
0x347: {  	p1 =	seq.s32 s12, $0xFFFFFFFF  }
.Ltmp27:
0x348: {  	_ = 	snop;
	(pc) =	sbr.rel @p1 .LBB3_32-.Ltmp27, $1  }
0x349: {  	_ =	sdelay $0x3  }
0x34a: {  	p1 =	slt.s32 s6, $0x1  }
.Ltmp28:
0x34b: {  	_ = 	snop;
	(pc) =	sbr.rel @p1 .LBB3_30-.Ltmp28, $1  }
0x34c: {  	_ =	sdelay $0x3  }
0x34d: {  	s13 =	simm.s32 $0x3658;
	p1 =	por $0x0, $0x0  }
0x34e: {  	v1 =	vld.msk @!p1 [tilespmem:s13+$0x0], $0x1;
	_ =	sdelay $0x4  }
0x34f: {  	(v2sf) =	vpush @!p1 v1, $0x0;
	_ =	sdelay $0xd  }
0x350: {  	p3 =	sne.s32 s6, $0x1  }
.Ltmp29:
0x351: {  	s0 =	spop @!p1 (v2sf);
	(pc) =	sbr.rel @!p3 .LBB3_29-.Ltmp29, $4  }
0x352: {  	p2 =	seq.s32 @!p1 s12, s0  }
0x353: {  	s14 =	simm.s32 $0x0;
	p2 =	por !p2, p1  }
0x354: {  	s0 =	simm.s32 $0xFFFFFFFF;
	s14 =	simm.s32 @p2 $0xFFFFFFFF  }
0x355: {  	s15 =	simm.s32 $0x1;
	s14 =	smov.u32 @p1 s0  }
.LBB3_28:
0x356: {  	s0 =	smov.u32 s14;
	p1 =	sne.s32 s14, $0xFFFFFFFF  }
0x357: {  	s13 =	sadd.s32 $0x1, s13;
	s14 =	smov.u32 s15;
	s15 =	sadd.s32 $0x1, s15  }
0x358: {  	p2 =	sne.s32 s6, s15;
	v1 =	vld.msk @!p1 [tilespmem:s13+$0x0], $0x1;
	_ =	sdelay $0x4  }
0x359: {  	(v2sf) =	vpush @!p1 v1, $0x0;
	_ =	sdelay $0xe  }
.Ltmp30:
0x35a: {  	s1 =	spop @!p1 (v2sf);
	(pc) =	sbr.rel @p2 .LBB3_28-.Ltmp30, $4  }
0x35b: {  	p3 =	seq.s32 @!p1 s12, s1  }
0x35c: {  	p3 =	por !p3, p1  }
0x35d: {  	s14 =	simm.s32 @p3 $0xFFFFFFFF  }
0x35e: {  	s14 =	smov.u32 @p1 s0  }
.LBB3_29:
0x35f: {  	p1 =	sne.s32 s14, $0xFFFFFFFF  }
.Ltmp31:
0x360: {  	_ = 	snop;
	(pc) =	sbr.rel @!p1 .LBB3_30-.Ltmp31, $1  }
0x361: {  	_ =	sdelay $0x3  }
0x362: {  	s0 =	sshll.u32 s11, $0x4  }
0x363: {  	s0 =	sand.u32 $0x3FFFFFF0, s0  }
0x364: {  	v0 =	vld [tilespmem:s0+$0x3678]  }
.Ltmp32:
0x365: {  	_ = 	snop;
	(pc) =	sbr.rel .LBB3_32-.Ltmp32, $4  }
0x366: {  	_ = 	snop  }
0x367: {  	s31 =	sshll.u32 s14, $0x6  }
0x368: {  	s0 =	sshra.s32 s31, $0x2  }
0x369: {  	[tilespmem:s0+$0x3678] =	vst.add.f32.msk $0xffff, v0  }
.LBB3_33:
0x36a: {  	s0 =	simm.s32 $0x6;
	p1 =	seq.s32 s6, $0x0  }
0x36b: {  	[sflag:s0] =	ssyncpa.u1 $0x1;
	v0 =	vimm.s32 @p1 $0xFFFFFFFF  }
0x36c: {  	s9 =	sadd.s32 $0xFFFFFFFF, s6;
	[tilespmem:$0x3878] =	vst @p1 v0  }
0x36d: {  	v0 =	vld.msk @!p1 [tilespmem:s9+$0x3658], $0x1;
	_ =	sdelay $0x1  }
0x36e: {  	v1 =	vld.msk @!p1 [tilespmem:$0x3658], $0x1;
	_ =	sdelay $0x2  }
0x36f: {  	p2 =	seq.s32 @!p1 s9, $0x0;
	v0 =	vbroadcast @!p1 v0, $0x0  }
0x370: {  	vm0 =	vmmov @!p1 $0x1;
	p2 =	por !p2, p1  }
0x371: {  	v1 =	vnsel @!p1 vm0, $0xFFFFFFFF, v1;
	vm0 =	vcmask @!p1 $0x308;
	v0 =	vpsel !p2, $0xFFFFFFFF, v0  }
0x372: {  	p2 =	sne.s32 @!p1 s8, s7;
	v0 =	vsel @!p1 vm0, v1, v0  }
0x373: {  	s0 =	simm.s32 @!p1 $0x3678;
	s1 =	simm.s32 @!p1 $0x0;
	p3 =	por !p2, p1;
	[tilespmem:$0x3878] =	vst @!p1 v0  }
0x374: {  	[spmem:s1] =	stream.linear.scatter @!p1 [tilespmem:s0], [sflag:$0x1], $0x10, $0x38;
	[tilespmem:$0x1F0F8] =	vst v63  }
0x375: {  	s0 =	sshll.u32 @!p3 s9, $0x6  }
0x376: {  	s0 =	sshra.s32 @!p3 s0, $0x2  }
0x377: {  	s1 =	simm.s32 @!p3 $0x10;
	s0 =	sadd.s32 @!p3 $0x3678, s0  }
0x378: {  	[spmem:s1] =	stream.linear.scatter @!p3 [tilespmem:s0], [sflag:$0x1], $0x10, $0x38;
	[tilespmem:$0x1F0F8] =	vst v63  }
0x379: {  	s0 =	simm.s32 @!p3 $0x1  }
0x37a: {  	_ =	swait.ge @!p3 [sflag:s0], $0x20  }
0x37b: {  	p1 =	por p2, p1;
	[sflag:s0] =	ssyncset.done @!p3 $0x0  }
0x37c: {  	[sflag:s0] =	ssyncadd.s32 @!p3 $0xFFFFFFE0;
	s0 =	simm.s32 @!p1 $0x1  }
0x37d: {  	_ =	swait.ge @!p1 [sflag:s0], $0x10  }
0x37e: {  	s29 =	simm.s32 $0x3878;
	[sflag:s0] =	ssyncset.done @!p1 $0x0  }
0x37f: {  	s30 =	simm.s32 $0x200;
	s31 =	simm.s32 $0x1;
	[sflag:s0] =	ssyncadd.s32 @!p1 $0xFFFFFFF0  }
0x380: {  	[spmem:s30] =	stream.linear.scatter [tilespmem:s29], [sflag:$0x1], $0x10, $0x38;
	[tilespmem:$0x1F0F8] =	vst v63  }
0x381: {  	_ =	swait.ge [sflag:s31], $0x10  }
0x382: {  	[sflag:s31] =	ssyncset.done $0x0  }
0x383: {  	p1 =	seq.s32 s17, $0x0;
	s8 =	rddreg [dreg:$0x1];
	[sflag:s31] =	ssyncadd.s32 $0xFFFFFFF0  }
0x384: {  	s1 =	sshll.u32 @p1 s8, $0xE;
	s7 =	rddreg [dreg:$0x2]  }
0x385: {  	s0 =	sadd.s32 @p1 $0x15C3C, s1;
	s1 =	sshll.u32 @p1 s7, $0x11  }
0x386: {  	_ =	sfence.stream.spmem;
	s0 =	sor.u32 @p1 s1, s0  }
0x387: {  	[sflag:s0] =	ssyncadd.remote.s32 @p1 $0x1;
	s0 =	simm.s32 @p1 $0x4  }
0x388: {  	s2 =	simm.s32 @!p1 $0x3C;
	s1 =	sand.u32 $0xFFFFFFFE, s8;
	_ =	swait.ge @p1 [sflag:s0], $0x6  }
0x389: {  	s4 =	simm.s32 @!p1 $0x0;
	s1 =	sadd.s32 @!p1 $0x4, s1;
	[sflag:s0] =	ssyncset.done @p1 $0x0  }
0x38a: {  	s5 =	simm.s32 @!p1 $0x20;
	[sflag:s0] =	ssyncadd.s32 @p1 $0xFFFFFFFA;
	s0 =	sshll.u32 @!p1 s1, $0x1A  }
0x38b: {  	s1 =	sshll.u32 @!p1 s1, $0xD;
	s0 =	sor.u32 @!p1 s0, s7;
	_ =	swait.eq @!p1 [sflag:s2], $0x1  }
0x38c: {  	s1 =	sor.u32 @!p1 $0x1C04, s1;
	s2 =	simm.s32 @!p1 $0x1C03;
	s0 =	sor.u32 @!p1 $0x80004000, s0  }
0x38d: {  	[spmem:s5], [sflag:s1] =	dma.general @!p1 [spmem:s4], [sflag:s2], length:$0x4, [dreg:$0x0], stride_count:$0x0, ici_dest:s0, dma_misc:DstOpCode:WRITE  }
0x38e: {  	p2 =	slt.s32 s9, $0x2;
	s4 =	simm.s32 @!p1 $0x40;
	s5 =	simm.s32 @!p1 $0x42  }
0x38f: {  	[spmem:s5], [sflag:s1] =	dma.general @!p1 [spmem:s4], [sflag:s2], length:$0x2, [dreg:$0x0], stride_count:$0x0, ici_dest:s0, dma_misc:DstOpCode:WRITE  }
.Ltmp33:
0x390: {  	s0 =	simm.s32 @!p1 $0x3;
	(pc) =	sbr.rel @p2 .LBB3_37-.Ltmp33, $4  }
0x391: {  	s1 =	sshll.u32 @!p1 s8, $0xE;
	_ =	swait.ge @!p1 [sflag:s0], $0x6  }
0x392: {  	s2 =	sshll.u32 @!p1 s7, $0x11;
	s1 =	sadd.s32 @!p1 $0x11C3C, s1;
	[sflag:s0] =	ssyncset.done @!p1 $0x0  }
0x393: {  	[sflag:s0] =	ssyncadd.s32 @!p1 $0xFFFFFFFA;
	s0 =	sor.u32 @!p1 s2, s1  }
0x394: {  	[sflag:s0] =	ssyncadd.remote.s32 @!p1 $0xFFFFFFFF;
	s0 =	simm.s32 $0x0  }
0x395: {  	s0 =	simm.s32 $0x3659  }
0x396: {  	v0 =	vld.msk [tilespmem:s0+$0x0], $0x1;
	_ =	sdelay $0x4  }
0x397: {  	(v2sf) =	vpush v0, $0x0;
	_ =	sdelay $0xd  }
0x398: {  	s2 =	sadd.s32 $0xFFFFFFFE, s6  }
0x399: {  	s2 =	sadd.s32 $0xFFFFFFFF, s2;
	s0 =	spop (v2sf)  }
0x39a: {  	p2 =	sne.s32 s2, $0x0;
	p1 =	sgt.u32 s0, $0xC3FFE  }
.Ltmp34:
0x39b: {  	s4 =	sand.u32 @!p1 $0xFFFF8, s0;
	(pc) =	sbr.rel @!p2 .LBB3_36-.Ltmp34, $4  }
0x39c: {  	s1 =	simm.s32 $0x3688;
	s0 =	sand.u32 @!p1 $0x7, s0;
	s4 =	sadd.s32 @!p1 s3, s4  }
0x39d: {  	[hbm4b:s4+s0] =	stream.linear.scatter @!p1 [tilespmem:s1], [sflag:$0x5], $0x10, $0x38;
	[tilespmem:$0x1F0F8] =	vst v63  }
0x39e: {  	s0 =	simm.s32 $0x0  }
0x39f: {  	s6 =	simm.s32 $0x0;
	s7 =	simm.s32 $0x365A;
	s0 =	simm.s32 @!p1 $0x40  }
.LBB3_35:
0x3a0: {  	v0 =	vld.msk [tilespmem:s7+$0x0], $0x1;
	s2 =	sadd.s32 $0xFFFFFFFF, s2;
	s6 =	sadd.s32 s6, s0  }
0x3a1: {  	p1 =	sne.s32 s2, $0x0;
	_ =	sdelay $0x3  }
0x3a2: {  	(v2sf) =	vpush v0, $0x0;
	_ =	sdelay $0xe  }
.Ltmp35:
0x3a3: {  	s4 =	spop (v2sf);
	(pc) =	sbr.rel @p1 .LBB3_35-.Ltmp35, $4  }
0x3a4: {  	s0 =	simm.s32 $0x0;
	p2 =	sgt.u32 s4, $0xC3FFE  }
0x3a5: {  	s1 =	sadd.s32 $0x10, s1;
	s0 =	simm.s32 @!p2 $0x40;
	s5 =	sand.u32 @!p2 $0xFFFF8, s4  }
0x3a6: {  	s7 =	sadd.s32 $0x1, s7;
	s4 =	sand.u32 @!p2 $0x7, s4;
	s5 =	sadd.s32 @!p2 s3, s5  }
0x3a7: {  	[hbm4b:s5+s4] =	stream.linear.scatter @!p2 [tilespmem:s1], [sflag:$0x5], $0x10, $0x38;
	[tilespmem:$0x1F0F8] =	vst v63  }
.LBB3_36:
0x3a8: {  	s0 =	sadd.s32 s6, s0  }
0x3a9: {  	s0 =	sshrl.u32 s0, $0x2  }
.LBB3_37:
0x3aa: {  	s1 =	simm.s32 $0x5  }
0x3ab: {  	_ =	swait.ge [sflag:s1], s0  }
0x3ac: {  	s31 =	ssub.s32 $0x0, s0;
	[sflag:s1] =	ssyncset.done $0x0  }
0x3ad: {  	[sflag:s1] =	ssyncadd.s32 s31  }
0x3ae: {  	[sflag:s1] =	ssyncpa.u1 $0x1  }
.LBB3_38:
0x3af: {  	s0 =	sor.u32 s17, s16  }
0x3b0: {  	p1 =	sne.s32 s0, $0x0  }
.Ltmp36:
0x3b1: {  	_ = 	snop;
	(pc) =	sbr.rel @p1 .LBB3_53-.Ltmp36, $3  }
0x3b2: {  	_ =	sdelay $0x1  }
0x3b3: {  	[bflag:$0x0] =	sbarrier.arrive $0xFFFF  }
0x3b4: {  	_ =	sfence  }
0x3b5: {  	s0 =	simm.s32 $0x7  }
0x3b6: {  	s1 =	simm.s32 $0x200;
	s2 =	simm.s32 $0x3658;
	[sflag:s0] =	ssyncpa.u1 $0x0  }
0x3b7: {  	[tilespmem:s2], [sflag:$0x7] =	stream.linear.gather [spmem:s1], $0x20, $0x38;
	[tilespmem:$0x1F0F8] =	vst v63  }
0x3b8: {  	s30 =	simm.s32 $0x3678;
	s1 =	simm.s32 $0x0  }
0x3b9: {  	[tilespmem:s30], [sflag:$0x7] =	stream.linear.gather [spmem:s1], $0x200, $0x38;
	[tilespmem:$0x1F0F8] =	vst v63  }
.Ltmp37:
0x3ba: {  	_ = 	snop;
	(pc) =	sbr.rel .LBB3_40-.Ltmp37, $4  }
0x3bb: {  	_ =	swait.ge [sflag:s0], $0x220  }
0x3bc: {  	[sflag:s0] =	ssyncset.done $0x0  }
0x3bd: {  	s31 =	simm.s32 $0x8;
	[sflag:s0] =	ssyncadd.s32 $0xFFFFFDE0  }
0x3be: {  	s2 =	simm.s32 $0x0;
	[sflag:s31] =	ssyncpa.u1 $0x0  }
.LBB3_45:
0x3bf: {  	p1 =	slt.u32 s4, $0xC3FFF  }
0x3c0: {  	s0 =	sand.u32 @p1 $0xFFFF8, s4  }
0x3c1: {  	s4 =	sand.u32 @p1 $0x7, s4;
	s5 =	simm.s32 @p1 $0x3638;
	s0 =	sadd.s32 @p1 s3, s0  }
0x3c2: {  	[tilespmem:s5], [sflag:$0x8] =	stream.linear.gather @p1 [hbm4b:s0+s4], $0x10, $0x38;
	[tilespmem:$0x1F0F8] =	vst v63  }
0x3c3: {  	s0 =	simm.s32 @p1 $0x8  }
0x3c4: {  	_ =	swait.ge @p1 [sflag:s0], $0x10  }
0x3c5: {  	[sflag:s0] =	ssyncset.done @p1 $0x0  }
0x3c6: {  	[sflag:s0] =	ssyncadd.s32 @p1 $0xFFFFFFF0  }
0x3c7: {  	v1 =	vld @p1 [tilespmem:$0x3638];
	_ =	sdelay $0x2  }
0x3c8: {  	s0 =	sshll.u32 @p1 s2, $0x6  }
0x3c9: {  	s5 =	sshll.u32 @!p1 s2, $0x6;
	s4 =	sshrl.u32 @p1 s0, $0x2  }
0x3ca: {  	s5 =	smov.u32 @p1 s0;
	[tilespmem:s4+$0x3678] =	vst.add.f32.msk @p1 $0xffff, v1  }
0x3cb: {  	s0 =	sshrl.u32 s5, $0x2;
	[tilespmem:s1+$0x3658] =	vst.msk $0x1, v0  }
0x3cc: {  	v0 =	vld [tilespmem:s0+$0x3678];
	_ =	sdelay $0x2  }
0x3cd: {  	s31 =	sshll.u32 s1, $0x6  }
0x3ce: {  	s0 =	sshra.s32 s31, $0x2  }
0x3cf: {  	s1 =	sadd.s32 $0x1, s1;
	[tilespmem:s0+$0x3678] =	vst v0  }
.LBB3_47:
0x3d0: {  	s2 =	sadd.s32 $0x1, s2  }
0x3d1: {  	p1 =	sne.s32 s2, $0x20  }
.Ltmp38:
0x3d2: {  	_ = 	snop;
	(pc) =	sbr.rel @!p1 .LBB3_48-.Ltmp38, $1  }
0x3d3: {  	_ =	sdelay $0x3  }
.LBB3_40:
0x3d4: {  	v0 =	vld.msk [tilespmem:s2+$0x3658], $0x1;
	_ =	sdelay $0x4  }
0x3d5: {  	(v2sf) =	vpush v0, $0x0;
	_ =	sdelay $0xe  }
0x3d6: {  	s4 =	spop (v2sf)  }
0x3d7: {  	p1 =	seq.s32 s4, $0xFFFFFFFF  }
.Ltmp39:
0x3d8: {  	_ = 	snop;
	(pc) =	sbr.rel @p1 .LBB3_47-.Ltmp39, $1  }
0x3d9: {  	_ =	sdelay $0x3  }
0x3da: {  	p1 =	slt.s32 s1, $0x1  }
.Ltmp40:
0x3db: {  	_ = 	snop;
	(pc) =	sbr.rel @p1 .LBB3_45-.Ltmp40, $1  }
0x3dc: {  	_ =	sdelay $0x3  }
0x3dd: {  	s5 =	simm.s32 $0x3658;
	p1 =	por $0x0, $0x0  }
0x3de: {  	v1 =	vld.msk @!p1 [tilespmem:s5+$0x0], $0x1;
	_ =	sdelay $0x4  }
0x3df: {  	(v2sf) =	vpush @!p1 v1, $0x0;
	_ =	sdelay $0xd  }
0x3e0: {  	p3 =	sne.s32 s1, $0x1  }
.Ltmp41:
0x3e1: {  	s0 =	spop @!p1 (v2sf);
	(pc) =	sbr.rel @!p3 .LBB3_44-.Ltmp41, $4  }
0x3e2: {  	p2 =	seq.s32 @!p1 s4, s0  }
0x3e3: {  	s6 =	simm.s32 $0x0;
	p2 =	por !p2, p1  }
0x3e4: {  	s0 =	simm.s32 $0xFFFFFFFF;
	s6 =	simm.s32 @p2 $0xFFFFFFFF  }
0x3e5: {  	s7 =	simm.s32 $0x1;
	s6 =	smov.u32 @p1 s0  }
.LBB3_43:
0x3e6: {  	s0 =	smov.u32 s6;
	p1 =	sne.s32 s6, $0xFFFFFFFF  }
0x3e7: {  	s5 =	sadd.s32 $0x1, s5;
	s6 =	smov.u32 s7;
	s7 =	sadd.s32 $0x1, s7  }
0x3e8: {  	p2 =	sne.s32 s1, s7;
	v1 =	vld.msk @!p1 [tilespmem:s5+$0x0], $0x1;
	_ =	sdelay $0x4  }
0x3e9: {  	(v2sf) =	vpush @!p1 v1, $0x0;
	_ =	sdelay $0xe  }
.Ltmp42:
0x3ea: {  	s8 =	spop @!p1 (v2sf);
	(pc) =	sbr.rel @p2 .LBB3_43-.Ltmp42, $4  }
0x3eb: {  	p3 =	seq.s32 @!p1 s4, s8  }
0x3ec: {  	p3 =	por !p3, p1  }
0x3ed: {  	s6 =	simm.s32 @p3 $0xFFFFFFFF  }
0x3ee: {  	s6 =	smov.u32 @p1 s0  }
.LBB3_44:
0x3ef: {  	p1 =	sne.s32 s6, $0xFFFFFFFF  }
.Ltmp43:
0x3f0: {  	_ = 	snop;
	(pc) =	sbr.rel @!p1 .LBB3_45-.Ltmp43, $1  }
0x3f1: {  	_ =	sdelay $0x3  }
0x3f2: {  	s0 =	sshll.u32 s2, $0x4  }
0x3f3: {  	s0 =	sand.u32 $0x3FFFFFF0, s0  }
0x3f4: {  	v0 =	vld [tilespmem:s0+$0x3678]  }
.Ltmp44:
0x3f5: {  	_ = 	snop;
	(pc) =	sbr.rel .LBB3_47-.Ltmp44, $4  }
0x3f6: {  	_ = 	snop  }
0x3f7: {  	s31 =	sshll.u32 s6, $0x6  }
0x3f8: {  	s0 =	sshra.s32 s31, $0x2  }
0x3f9: {  	[tilespmem:s0+$0x3678] =	vst.add.f32.msk $0xffff, v0  }
.LBB3_48:
0x3fa: {  	p1 =	slt.s32 s1, $0x1  }
.Ltmp45:
0x3fb: {  	_ = 	snop;
	(pc) =	sbr.rel @p1 .LBB3_52-.Ltmp45, $3  }
0x3fc: {  	_ =	sdelay $0x1  }
0x3fd: {  	s0 =	simm.s32 $0x8  }
0x3fe: {  	s2 =	simm.s32 $0x0;
	[sflag:s0] =	ssyncpa.u1 $0x1  }
0x3ff: {  	s0 =	simm.s32 $0x3658  }
0x400: {  	v0 =	vld.msk [tilespmem:s0+$0x0], $0x1;
	_ =	sdelay $0x4  }
0x401: {  	(v2sf) =	vpush v0, $0x0;
	_ =	sdelay $0xe  }
0x402: {  	s1 =	sadd.s32 $0xFFFFFFFF, s1;
	s0 =	spop (v2sf)  }
0x403: {  	p2 =	sne.s32 s1, $0x0;
	p1 =	sgt.u32 s0, $0xC3FFE  }
.Ltmp46:
0x404: {  	s5 =	sand.u32 @!p1 $0xFFFF8, s0;
	(pc) =	sbr.rel @!p2 .LBB3_51-.Ltmp46, $4  }
0x405: {  	s4 =	simm.s32 $0x3678;
	s0 =	sand.u32 @!p1 $0x7, s0;
	s5 =	sadd.s32 @!p1 s3, s5  }
0x406: {  	[hbm4b:s5+s0] =	stream.linear.scatter @!p1 [tilespmem:s4], [sflag:$0x7], $0x10, $0x38;
	[tilespmem:$0x1F0F8] =	vst v63  }
0x407: {  	s0 =	simm.s32 $0x0  }
0x408: {  	s5 =	simm.s32 $0x3659;
	s0 =	simm.s32 @!p1 $0x40  }
.LBB3_50:
0x409: {  	v0 =	vld.msk [tilespmem:s5+$0x0], $0x1;
	s1 =	sadd.s32 $0xFFFFFFFF, s1;
	s2 =	sadd.s32 s2, s0  }
0x40a: {  	p1 =	sne.s32 s1, $0x0;
	_ =	sdelay $0x3  }
0x40b: {  	(v2sf) =	vpush v0, $0x0;
	_ =	sdelay $0xe  }
.Ltmp47:
0x40c: {  	s6 =	spop (v2sf);
	(pc) =	sbr.rel @p1 .LBB3_50-.Ltmp47, $4  }
0x40d: {  	s0 =	simm.s32 $0x0;
	p2 =	sgt.u32 s6, $0xC3FFE  }
0x40e: {  	s4 =	sadd.s32 $0x10, s4;
	s0 =	simm.s32 @!p2 $0x40;
	s7 =	sand.u32 @!p2 $0xFFFF8, s6  }
0x40f: {  	s5 =	sadd.s32 $0x1, s5;
	s6 =	sand.u32 @!p2 $0x7, s6;
	s7 =	sadd.s32 @!p2 s3, s7  }
0x410: {  	[hbm4b:s7+s6] =	stream.linear.scatter @!p2 [tilespmem:s4], [sflag:$0x7], $0x10, $0x38;
	[tilespmem:$0x1F0F8] =	vst v63  }
.LBB3_51:
0x411: {  	s0 =	sadd.s32 s2, s0  }
0x412: {  	s2 =	sshrl.u32 s0, $0x2  }
.LBB3_52:
0x413: {  	s0 =	simm.s32 $0x7  }
0x414: {  	_ =	swait.ge [sflag:s0], s2  }
0x415: {  	s1 =	ssub.s32 $0x0, s2;
	[sflag:s0] =	ssyncset.done $0x0  }
0x416: {  	[sflag:s0] =	ssyncadd.s32 s1  }
0x417: {  	[sflag:s0] =	ssyncpa.u1 $0x1  }
.LBB3_53:
0x418: {  	_ =	sfence;
	s0 =	simm.s32 $0x1  }
0x419: {  	[sflag:s0] =	ssyncpa.u1 $0x1  }
0x41a: {  	_ =	strace $0x9000004D  }
0x41b: {  	[bflag:$0x2] =	sbarrier.arrive $0xFFFF  }
0x41c: {  	s0 =	rddreg [dreg:$0x3]  }
0x41d: {  	s0 =	sadd.s32 @!p0 $0x100000, s0  }
0x41e: {  	[sflag:s0] =	ssyncadd.tile.s32 @!p0 $0x1;
	_ =	shalt  }
.Lfunc_end3:
_tile_overlayer_lowered:
.L_overlay_start_3:
0x41f: {  	(tag) =	ssettag $0x3  }
0x420: {  	s0 =	rddreg [dreg:$0x0];
	s2 =	stileid.u32  }
0x421: {  	s1 =	rddreg [dreg:$0x1];
	p0 =	sne.s32 s2, $0x0  }
0x422: {  	s3 =	rddreg [dreg:$0x2];
	[bflag:$0x3] =	sbarrier.arrive $0xFFFF;
	s2 =	simm.s32 @!p0 $0x1C01  }
0x423: {  	[timem:s3], [sflag:s2] =	dma.local @!p0 [hbm:s0], s1  }
0x424: {  	s0 =	simm.s32 @!p0 $0x1  }
0x425: {  	_ =	swait.ge @!p0 [sflag:s0], s1  }
0x426: {  	s1 =	ssub.s32 @!p0 $0x0, s1;
	[sflag:s0] =	ssyncset.done @!p0 $0x0  }
0x427: {  	[sflag:s0] =	ssyncadd.s32 @!p0 s1  }
0x428: {  	[bflag:$0x3] =	sbarrier.arrive $0xFFFF  }
0x429: {  	_ =	shalt  }

</sc_bundles>
